<compile_context>
chip_gen: v7x
topology: tpu7x:2x2x1
jax: 0.10.2.dev20260603
libtpu: 0.0.44.dev20260713+nightly
codegen_flags: <defaults>
</compile_context>

<pallas_src>
import functools

import jax
import jax.numpy as jnp
from jax import lax
from jax.experimental import pallas as pl
from jax.experimental.pallas import tpu as pltpu
from jax.experimental.pallas import tpu_sc as plsc

N = 10000
E = 160000
D = 256
H = 128
NC = 2
NS = 16
CH = 128
IB = 8
NIB = 10
J = NIB * IB
E_PAD = NS * J * CH
NPAD = 10112
ROWS = NPAD // NS
G = 8
DB = 40
RB = 2000
NB = 4


def _deg_body(ei_hbm, zeros_hbm, ones_hbm, out_hbm, idx_v, ones_v, hist_sh,
              ssem):
    c = lax.axis_index("c")
    s = lax.axis_index("s")
    pltpu.sync_copy(zeros_hbm.at[pl.ds(s * ROWS, ROWS)],
                    hist_sh.at[pl.ds(s * ROWS, ROWS)])
    pltpu.sync_copy(ones_hbm, ones_v)
    pltpu.sync_copy(ei_hbm.at[c, s], idx_v)
    plsc.subcore_barrier()

    def block(bb, carry):
        def fire(i, carry2):
            pltpu.async_copy(ones_v, hist_sh.at[idx_v.at[bb * DB + i]], ssem,
                             add=True)
            return carry2

        def drain(i, carry2):
            pltpu.make_async_copy(ones_v, hist_sh.at[idx_v.at[bb * DB + i]],
                                  ssem).wait()
            return carry2

        lax.fori_loop(0, DB, fire, carry)
        return lax.fori_loop(0, DB, drain, carry)

    lax.fori_loop(0, J // DB, block, 0)
    plsc.subcore_barrier()
    pltpu.sync_copy(hist_sh.at[pl.ds(s * ROWS, ROWS)],
                    out_hbm.at[c, pl.ds(s * ROWS, ROWS)])


_deg_call = functools.partial(
    pl.kernel,
    out_type=jax.ShapeDtypeStruct((NC, NPAD, G), jnp.float32),
    mesh=plsc.VectorSubcoreMesh(core_axis_name="c", subcore_axis_name="s"),
    compiler_params=pltpu.CompilerParams(use_tc_tiling_on_sc=False),
    scratch_types=[
        pltpu.VMEM((J, CH), jnp.int32),
        pltpu.VMEM((CH, G), jnp.float32),
        pltpu.VMEM_SHARED((NPAD, G), jnp.float32),
        pltpu.SemaphoreType.DMA,
    ],
)(_deg_body)


def _agg_body(h2_hbm, src_hbm, dst_hbm, zerob_hbm, out_hbm,
              srcb, dstb, gbuf, hq_sh, agg_sh, *sems):
    gsem = sems[0:NB]
    ssem = sems[NB:2 * NB]
    isem = sems[2 * NB:2 * NB + 2]
    c = lax.axis_index("c")
    s = lax.axis_index("s")

    pltpu.sync_copy(h2_hbm.at[pl.ds(c * NPAD + s * ROWS, ROWS)],
                    hq_sh.at[pl.ds(s * ROWS, ROWS)])
    pltpu.sync_copy(zerob_hbm.at[pl.ds(s * ROWS, ROWS)],
                    agg_sh.at[pl.ds(s * ROWS, ROWS)])
    pltpu.async_copy(src_hbm.at[s, 0], srcb.at[0], isem[0])
    pltpu.async_copy(dst_hbm.at[s, 0], dstb.at[0], isem[0])
    plsc.subcore_barrier()

    def block_pair(bb, carry):
        for rb in range(2):
            ib = bb * 2 + rb
            pltpu.make_async_copy(src_hbm.at[s, ib], srcb.at[rb],
                                  isem[rb]).wait()
            pltpu.make_async_copy(dst_hbm.at[s, ib], dstb.at[rb],
                                  isem[rb]).wait()
            for i in range(IB):
                b = i % NB
                pb = (i - 2) % NB
                def wait_scatter(b=b, rb=rb):
                    pltpu.make_async_copy(gbuf.at[b],
                                          agg_sh.at[dstb.at[rb, 0]],
                                          ssem[b]).wait()

                if i >= NB:
                    wait_scatter()
                else:
                    pl.when(ib >= 1)(wait_scatter)
                pltpu.async_copy(hq_sh.at[srcb.at[rb, i]], gbuf.at[b],
                                 gsem[b])

                def fire_prev(pb=pb, rb=rb, i=i):
                    pltpu.make_async_copy(hq_sh.at[srcb.at[rb, 0]],
                                          gbuf.at[pb], gsem[pb]).wait()
                    pidx = (dstb.at[rb, i - 2] if i >= 2
                            else dstb.at[1 - rb, IB - 2 + i])
                    pltpu.async_copy(gbuf.at[pb], agg_sh.at[pidx],
                                     ssem[pb], add=True)

                if i >= 2:
                    fire_prev()
                else:
                    pl.when(ib >= 1)(fire_prev)

                if i == NB - 1:
                    @pl.when(ib < NIB - 1)
                    def _(rb=rb, ib=ib):
                        pltpu.async_copy(src_hbm.at[s, ib + 1],
                                         srcb.at[1 - rb], isem[1 - rb])
                        pltpu.async_copy(dst_hbm.at[s, ib + 1],
                                         dstb.at[1 - rb], isem[1 - rb])
        return carry

    lax.fori_loop(0, NIB // 2, block_pair, 0)
    ls = (NIB - 1) % 2
    for k in (2, 1):
        lb = (IB - k) % NB
        pltpu.make_async_copy(hq_sh.at[srcb.at[ls, IB - k]], gbuf.at[lb],
                              gsem[lb]).wait()
        pltpu.async_copy(gbuf.at[lb], agg_sh.at[dstb.at[ls, IB - k]],
                         ssem[lb], add=True)
    for b in range(NB):
        pltpu.make_async_copy(gbuf.at[b], agg_sh.at[dstb.at[ls, 0]],
                              ssem[b]).wait()
    plsc.subcore_barrier()
    pltpu.sync_copy(agg_sh.at[pl.ds(s * ROWS, ROWS)],
                    out_hbm.at[c, pl.ds(s * ROWS, ROWS)])


_agg_call = functools.partial(
    pl.kernel,
    out_type=jax.ShapeDtypeStruct((NC, NPAD, H), jnp.bfloat16),
    mesh=plsc.VectorSubcoreMesh(core_axis_name="c", subcore_axis_name="s"),
    compiler_params=pltpu.CompilerParams(use_tc_tiling_on_sc=False),
    scratch_types=[
        pltpu.VMEM((2, IB, CH), jnp.int32),
        pltpu.VMEM((2, IB, CH), jnp.int32),
        pltpu.VMEM((NB, CH, H), jnp.bfloat16),
        pltpu.VMEM_SHARED((NPAD, H), jnp.bfloat16),
        pltpu.VMEM_SHARED((NPAD, H), jnp.bfloat16),
    ] + [pltpu.SemaphoreType.DMA] * (2 * NB + 2),
)(_agg_body)


def _prescale_body(feats_ref, deg_ref, out_ref):
    norm = lax.rsqrt(jnp.maximum(deg_ref[0, :, 0:1], 1.0))
    out_ref[...] = (feats_ref[...] * norm)[None].astype(jnp.bfloat16)


def _prescale_call(feats, degv):
    return pl.pallas_call(
        _prescale_body,
        out_shape=jax.ShapeDtypeStruct((NC, NPAD, H), jnp.bfloat16),
        grid=(NC, N // RB),
        in_specs=[
            pl.BlockSpec((RB, H), lambda c, i: (i, c)),
            pl.BlockSpec((1, RB, G), lambda c, i: (0, i, 0)),
        ],
        out_specs=pl.BlockSpec((1, RB, H), lambda c, i: (c, i, 0)),
    )(feats, degv)


def _final_body(agg_ref, deg_ref, w_ref, b_ref, out_ref):
    norm = lax.rsqrt(jnp.maximum(deg_ref[0, :, 0:1], 1.0))
    a0 = agg_ref[0].astype(jnp.float32)
    a1 = agg_ref[1].astype(jnp.float32)
    acc = jnp.dot(a0, w_ref[0:H, :], preferred_element_type=jnp.float32)
    acc += jnp.dot(a1, w_ref[H:D, :], preferred_element_type=jnp.float32)
    out_ref[...] = acc * norm + b_ref[...]


def _final_call(agg2, degv, W, b2):
    return pl.pallas_call(
        _final_body,
        out_shape=jax.ShapeDtypeStruct((N, D), jnp.float32),
        grid=(N // RB,),
        in_specs=[
            pl.BlockSpec((NC, RB, H), lambda i: (0, i, 0)),
            pl.BlockSpec((1, RB, G), lambda i: (1, i, 0)),
            pl.BlockSpec((D, D), lambda i: (0, 0)),
            pl.BlockSpec((1, D), lambda i: (0, 0)),
        ],
        out_specs=pl.BlockSpec((RB, D), lambda i: (i, 0)),
    )(agg2, degv, W, b2)


@jax.jit
def kernel(feats, edge_index, W, b):
    src = edge_index[0]
    dst = edge_index[1]
    pad = jnp.full((E_PAD - E,), N, jnp.int32)
    src_p = jnp.concatenate([src, pad])
    dst_p = jnp.concatenate([dst, pad])
    ei_deg = jnp.stack([src_p, dst_p]).reshape(NC, NS, J, CH)
    src_r = src_p.reshape(NS, NIB, IB, CH)
    dst_r = dst_p.reshape(NS, NIB, IB, CH)
    zeros_f = jnp.zeros((NPAD, G), jnp.float32)
    zeros_b = jnp.zeros((NPAD, H), jnp.bfloat16)
    ones_h = jnp.ones((CH, G), jnp.float32)

    degv = _deg_call(ei_deg, zeros_f, ones_h)
    h2 = _prescale_call(feats, degv)
    agg2 = _agg_call(h2.reshape(NC * NPAD, H), src_r, dst_r, zeros_b)
    return _final_call(agg2, degv, W, b.reshape(1, D))

# --- scband reference (transcript-rebuilt; emitter-appended) ---
"""Pipeline reference for scband-gcnlayer-15195594293513 (READ-ONLY COPY).

The authoritative reference and input builder live on the scoring server;
editing this copy changes nothing except your own understanding.
"""

import jax, jax.numpy as jnp
import numpy as np

N = 10000
E = 160000
D_IN = 256
D_OUT = 256


def setup_inputs(seed: int = 0) -> dict:
    key = jax.random.key(seed)
    k1, k2, k3 = jax.random.split(key, 3)
    feats = jax.random.normal(k1, (N, D_IN), dtype=jnp.float32)
    edge_index = jax.random.randint(k2, (2, E), 0, N, dtype=jnp.int32)
    # GraphConv learned params (glorot-style weight, zero bias)
    W = jax.random.normal(k3, (D_IN, D_OUT), dtype=jnp.float32) * (1.0 / np.sqrt(D_IN))
    b = jnp.zeros((D_OUT,), dtype=jnp.float32)
    return {"feats": feats, "edge_index": edge_index, "W": W, "b": b}


def reference(feats, edge_index, W, b):
    # DGL GraphConv with norm='both':
    #   h = D_in^{-1/2} * A * (D_out^{-1/2} * X) @ W + b
    n = feats.shape[0]
    src = edge_index[0]
    dst = edge_index[1]
    ones = jnp.ones((src.shape[0],), dtype=feats.dtype)
    deg_out = jax.ops.segment_sum(ones, src, num_segments=n)
    deg_in = jax.ops.segment_sum(ones, dst, num_segments=n)
    norm_out = jnp.power(jnp.clip(deg_out, 1.0, None), -0.5)
    norm_in = jnp.power(jnp.clip(deg_in, 1.0, None), -0.5)
    h = feats * norm_out[:, None]
    msgs = jnp.take(h, src, axis=0)
    agg = jax.ops.segment_sum(msgs, dst, num_segments=n)
    agg = agg * norm_in[:, None]
    out = agg @ W + b
    return out

if __name__ == "__main__":
    import jax
    _d = setup_inputs()
    print(jax.jit(kernel)(*tuple(_d.values())))

</pallas_src>

<mosaic_0001>
#map = affine_map<(d0, d1) -> (0, 0)>
#map1 = affine_map<(d0, d1) -> (0, 0, 0, 0)>
#map2 = affine_map<(d0, d1) -> (0, 0, 0)>
module attributes {stable_mosaic.version = 14 : i64} {
  func.func @_agg_body(%arg0: i32, %arg1: i32, %arg2: memref<20224x128xbf16, #tpu.memory_space<hbm>>, %arg3: memref<16x10x8x128xi32, #tpu.memory_space<hbm>>, %arg4: memref<16x10x8x128xi32, #tpu.memory_space<hbm>>, %arg5: memref<10112x128xbf16, #tpu.memory_space<hbm>>, %arg6: memref<2x10112x128xbf16, #tpu.memory_space<hbm>>, %arg7: memref<2x8x128xi32, #tpu.memory_space<vmem>>, %arg8: memref<2x8x128xi32, #tpu.memory_space<vmem>>, %arg9: memref<4x128x128xbf16, #tpu.memory_space<vmem>>, %arg10: memref<10112x128xbf16, #tpu.memory_space<vmem_shared>>, %arg11: memref<10112x128xbf16, #tpu.memory_space<vmem_shared>>, %arg12: memref<!tpu.dma_semaphore, #tpu.memory_space<semaphore_mem>>, %arg13: memref<!tpu.dma_semaphore, #tpu.memory_space<semaphore_mem>>, %arg14: memref<!tpu.dma_semaphore, #tpu.memory_space<semaphore_mem>>, %arg15: memref<!tpu.dma_semaphore, #tpu.memory_space<semaphore_mem>>, %arg16: memref<!tpu.dma_semaphore, #tpu.memory_space<semaphore_mem>>, %arg17: memref<!tpu.dma_semaphore, #tpu.memory_space<semaphore_mem>>, %arg18: memref<!tpu.dma_semaphore, #tpu.memory_space<semaphore_mem>>, %arg19: memref<!tpu.dma_semaphore, #tpu.memory_space<semaphore_mem>>, %arg20: memref<!tpu.dma_semaphore, #tpu.memory_space<semaphore_mem>>, %arg21: memref<!tpu.dma_semaphore, #tpu.memory_space<semaphore_mem>>) attributes {dimension_semantics = [#tpu.dimension_semantics<core_parallel>, #tpu.dimension_semantics<subcore_parallel>], iteration_bounds = array<i64: 2, 16>, scalar_prefetch = 0 : i64, scratch_operands = 15 : i64, tpu.core_type = #tpu.core_type<sc_vector_subcore>, window_params = [{transform_indices = #map}, {transform_indices = #map1}, {transform_indices = #map1}, {transform_indices = #map}, {transform_indices = #map2}]} {
    %mul3A = arith.constant 10112 : i32
    %mul3A_0 = arith.muli %arg0, %mul3A : i32
    %mul3A_1 = arith.constant 632 : i32
    %mul3A_2 = arith.muli %arg1, %mul3A_1 : i32
    %add3A = arith.addi %mul3A_0, %mul3A_2 : i32
    %mul3A_3 = arith.constant 632 : i32
    %mul3A_4 = arith.muli %arg1, %mul3A_3 : i32
    "tpu.region"() ({
      %run_scoped3A = tpu.sem_alloc : memref<!tpu.dma_semaphore, #tpu.memory_space<semaphore_mem>>
      %dma_start3A_157 = arith.constant 0 : i32
      %dma_start3A_158 = tpu.memref_slice %arg10[%mul3A_4, %dma_start3A_157] : memref<10112x128xbf16, #tpu.memory_space<vmem_shared>> -> memref<632x128xbf16, #tpu.memory_space<vmem_shared>>
      %dma_start3A_159 = arith.constant 0 : i32
      %dma_start3A_160 = tpu.memref_slice %arg2[%add3A, %dma_start3A_159] : memref<20224x128xbf16, #tpu.memory_space<hbm>> -> memref<632x128xbf16, #tpu.memory_space<hbm>>
      tpu.enqueue_dma source(%dma_start3A_160 : memref<632x128xbf16, #tpu.memory_space<hbm>>) target(%dma_start3A_158 : memref<632x128xbf16, #tpu.memory_space<vmem_shared>>) target_semaphore(%run_scoped3A : memref<!tpu.dma_semaphore, #tpu.memory_space<semaphore_mem>>)
      %dma_wait3A_161 = arith.constant 0 : i32
      %dma_wait3A_162 = tpu.memref_slice %arg10[%mul3A_4, %dma_wait3A_161] : memref<10112x128xbf16, #tpu.memory_space<vmem_shared>> -> memref<632x128xbf16, #tpu.memory_space<vmem_shared>>
      %dma_wait3A_163 = arith.constant 0 : i32
      %dma_wait3A_164 = tpu.memref_slice %arg2[%add3A, %dma_wait3A_163] : memref<20224x128xbf16, #tpu.memory_space<hbm>> -> memref<632x128xbf16, #tpu.memory_space<hbm>>
      tpu.wait_dma2 semaphore(%run_scoped3A : memref<!tpu.dma_semaphore, #tpu.memory_space<semaphore_mem>>) src(%dma_wait3A_164 : memref<632x128xbf16, #tpu.memory_space<hbm>>) dst(%dma_wait3A_162 : memref<632x128xbf16, #tpu.memory_space<vmem_shared>>)
      tpu.yield
    }) : () -> ()
    %mul3A_5 = arith.constant 632 : i32
    %mul3A_6 = arith.muli %arg1, %mul3A_5 : i32
    %mul3A_7 = arith.constant 632 : i32
    %mul3A_8 = arith.muli %arg1, %mul3A_7 : i32
    "tpu.region"() ({
      %run_scoped3A = tpu.sem_alloc : memref<!tpu.dma_semaphore, #tpu.memory_space<semaphore_mem>>
      %dma_start3A_157 = arith.constant 0 : i32
      %dma_start3A_158 = tpu.memref_slice %arg11[%mul3A_8, %dma_start3A_157] : memref<10112x128xbf16, #tpu.memory_space<vmem_shared>> -> memref<632x128xbf16, #tpu.memory_space<vmem_shared>>
      %dma_start3A_159 = arith.constant 0 : i32
      %dma_start3A_160 = tpu.memref_slice %arg5[%mul3A_6, %dma_start3A_159] : memref<10112x128xbf16, #tpu.memory_space<hbm>> -> memref<632x128xbf16, #tpu.memory_space<hbm>>
      tpu.enqueue_dma source(%dma_start3A_160 : memref<632x128xbf16, #tpu.memory_space<hbm>>) target(%dma_start3A_158 : memref<632x128xbf16, #tpu.memory_space<vmem_shared>>) target_semaphore(%run_scoped3A : memref<!tpu.dma_semaphore, #tpu.memory_space<semaphore_mem>>)
      %dma_wait3A_161 = arith.constant 0 : i32
      %dma_wait3A_162 = tpu.memref_slice %arg11[%mul3A_8, %dma_wait3A_161] : memref<10112x128xbf16, #tpu.memory_space<vmem_shared>> -> memref<632x128xbf16, #tpu.memory_space<vmem_shared>>
      %dma_wait3A_163 = arith.constant 0 : i32
      %dma_wait3A_164 = tpu.memref_slice %arg5[%mul3A_6, %dma_wait3A_163] : memref<10112x128xbf16, #tpu.memory_space<hbm>> -> memref<632x128xbf16, #tpu.memory_space<hbm>>
      tpu.wait_dma2 semaphore(%run_scoped3A : memref<!tpu.dma_semaphore, #tpu.memory_space<semaphore_mem>>) src(%dma_wait3A_164 : memref<632x128xbf16, #tpu.memory_space<hbm>>) dst(%dma_wait3A_162 : memref<632x128xbf16, #tpu.memory_space<vmem_shared>>)
      tpu.yield
    }) : () -> ()
    %dma_start3A = arith.constant 0 : i32
    %dma_start3A_9 = arith.constant 0 : i32
    %dma_start3A_10 = arith.constant 0 : i32
    %dma_start3A_11 = arith.constant 0 : i32
    %dma_start3A_12 = tpu.memref_slice %arg7[%dma_start3A_9, %dma_start3A_10, %dma_start3A_11] : memref<2x8x128xi32, #tpu.memory_space<vmem>> -> memref<1x8x128xi32, #tpu.memory_space<vmem>>
    %dma_start3A_13 = tpu.memref_squeeze %dma_start3A_12 : memref<1x8x128xi32, #tpu.memory_space<vmem>> -> memref<8x128xi32, #tpu.memory_space<vmem>>
    %dma_start3A_14 = arith.constant 0 : i32
    %dma_start3A_15 = arith.constant 0 : i32
    %dma_start3A_16 = tpu.memref_slice %arg3[%arg1, %dma_start3A, %dma_start3A_14, %dma_start3A_15] : memref<16x10x8x128xi32, #tpu.memory_space<hbm>> -> memref<1x1x8x128xi32, #tpu.memory_space<hbm>>
    %dma_start3A_17 = tpu.memref_squeeze %dma_start3A_16 : memref<1x1x8x128xi32, #tpu.memory_space<hbm>> -> memref<8x128xi32, #tpu.memory_space<hbm>>
    %dma_start3A_18 = arith.constant 0 : i32
    %dma_start3A_19 = arith.constant 0 : i32
    %dma_start3A_20 = tpu.memref_slice %arg7[%dma_start3A_9, %dma_start3A_18, %dma_start3A_19] : memref<2x8x128xi32, #tpu.memory_space<vmem>> -> memref<1x8x128xi32, #tpu.memory_space<vmem>>
    %dma_start3A_21 = tpu.memref_squeeze %dma_start3A_20 : memref<1x8x128xi32, #tpu.memory_space<vmem>> -> memref<8x128xi32, #tpu.memory_space<vmem>>
    %dma_start3A_22 = arith.constant 0 : i32
    %dma_start3A_23 = arith.constant 0 : i32
    %dma_start3A_24 = tpu.memref_slice %arg3[%arg1, %dma_start3A, %dma_start3A_22, %dma_start3A_23] : memref<16x10x8x128xi32, #tpu.memory_space<hbm>> -> memref<1x1x8x128xi32, #tpu.memory_space<hbm>>
    %dma_start3A_25 = tpu.memref_squeeze %dma_start3A_24 : memref<1x1x8x128xi32, #tpu.memory_space<hbm>> -> memref<8x128xi32, #tpu.memory_space<hbm>>
    tpu.enqueue_dma source(%dma_start3A_25 : memref<8x128xi32, #tpu.memory_space<hbm>>) target(%dma_start3A_21 : memref<8x128xi32, #tpu.memory_space<vmem>>) target_semaphore(%arg20 : memref<!tpu.dma_semaphore, #tpu.memory_space<semaphore_mem>>)
    %dma_start3A_26 = arith.constant 0 : i32
    %dma_start3A_27 = arith.constant 0 : i32
    %dma_start3A_28 = arith.constant 0 : i32
    %dma_start3A_29 = arith.constant 0 : i32
    %dma_start3A_30 = tpu.memref_slice %arg8[%dma_start3A_27, %dma_start3A_28, %dma_start3A_29] : memref<2x8x128xi32, #tpu.memory_space<vmem>> -> memref<1x8x128xi32, #tpu.memory_space<vmem>>
    %dma_start3A_31 = tpu.memref_squeeze %dma_start3A_30 : memref<1x8x128xi32, #tpu.memory_space<vmem>> -> memref<8x128xi32, #tpu.memory_space<vmem>>
    %dma_start3A_32 = arith.constant 0 : i32
    %dma_start3A_33 = arith.constant 0 : i32
    %dma_start3A_34 = tpu.memref_slice %arg4[%arg1, %dma_start3A_26, %dma_start3A_32, %dma_start3A_33] : memref<16x10x8x128xi32, #tpu.memory_space<hbm>> -> memref<1x1x8x128xi32, #tpu.memory_space<hbm>>
    %dma_start3A_35 = tpu.memref_squeeze %dma_start3A_34 : memref<1x1x8x128xi32, #tpu.memory_space<hbm>> -> memref<8x128xi32, #tpu.memory_space<hbm>>
    %dma_start3A_36 = arith.constant 0 : i32
    %dma_start3A_37 = arith.constant 0 : i32
    %dma_start3A_38 = tpu.memref_slice %arg8[%dma_start3A_27, %dma_start3A_36, %dma_start3A_37] : memref<2x8x128xi32, #tpu.memory_space<vmem>> -> memref<1x8x128xi32, #tpu.memory_space<vmem>>
    %dma_start3A_39 = tpu.memref_squeeze %dma_start3A_38 : memref<1x8x128xi32, #tpu.memory_space<vmem>> -> memref<8x128xi32, #tpu.memory_space<vmem>>
    %dma_start3A_40 = arith.constant 0 : i32
    %dma_start3A_41 = arith.constant 0 : i32
    %dma_start3A_42 = tpu.memref_slice %arg4[%arg1, %dma_start3A_26, %dma_start3A_40, %dma_start3A_41] : memref<16x10x8x128xi32, #tpu.memory_space<hbm>> -> memref<1x1x8x128xi32, #tpu.memory_space<hbm>>
    %dma_start3A_43 = tpu.memref_squeeze %dma_start3A_42 : memref<1x1x8x128xi32, #tpu.memory_space<hbm>> -> memref<8x128xi32, #tpu.memory_space<hbm>>
    tpu.enqueue_dma source(%dma_start3A_43 : memref<8x128xi32, #tpu.memory_space<hbm>>) target(%dma_start3A_39 : memref<8x128xi32, #tpu.memory_space<vmem>>) target_semaphore(%arg20 : memref<!tpu.dma_semaphore, #tpu.memory_space<semaphore_mem>>)
    %barrier3A = arith.constant 0 : index
    tpu.barrier barrier_id(%barrier3A)
    %scan3A = arith.constant 0 : i32
    %scan3A_44 = arith.constant 0 : i32
    %scan3A_45 = arith.constant 5 : i32
    %scan3A_46 = arith.addi %scan3A_44, %scan3A_45 : i32
    %scan3A_47 = arith.constant 1 : i32
    scf.for %scan3A_157 = %scan3A_44 to %scan3A_46 step %scan3A_47  : i32 {
      %mul3A_158 = arith.constant 2 : i32
      %mul3A_159 = arith.muli %scan3A_157, %mul3A_158 : i32
      %add3A_160 = arith.constant 0 : i32
      %add3A_161 = arith.addi %mul3A_159, %add3A_160 : i32
      %dma_wait3A_162 = arith.constant 0 : i32
      %dma_wait3A_163 = arith.constant 0 : i32
      %dma_wait3A_164 = arith.constant 0 : i32
      %dma_wait3A_165 = tpu.memref_slice %arg7[%dma_wait3A_162, %dma_wait3A_163, %dma_wait3A_164] : memref<2x8x128xi32, #tpu.memory_space<vmem>> -> memref<1x8x128xi32, #tpu.memory_space<vmem>>
      %dma_wait3A_166 = tpu.memref_squeeze %dma_wait3A_165 : memref<1x8x128xi32, #tpu.memory_space<vmem>> -> memref<8x128xi32, #tpu.memory_space<vmem>>
      %dma_wait3A_167 = arith.constant 0 : i32
      %dma_wait3A_168 = arith.constant 0 : i32
      %dma_wait3A_169 = tpu.memref_slice %arg3[%arg1, %add3A_161, %dma_wait3A_167, %dma_wait3A_168] : memref<16x10x8x128xi32, #tpu.memory_space<hbm>> -> memref<1x1x8x128xi32, #tpu.memory_space<hbm>>
      %dma_wait3A_170 = tpu.memref_squeeze %dma_wait3A_169 : memref<1x1x8x128xi32, #tpu.memory_space<hbm>> -> memref<8x128xi32, #tpu.memory_space<hbm>>
      %dma_wait3A_171 = arith.constant 0 : i32
      %dma_wait3A_172 = arith.constant 0 : i32
      %dma_wait3A_173 = tpu.memref_slice %arg7[%dma_wait3A_162, %dma_wait3A_171, %dma_wait3A_172] : memref<2x8x128xi32, #tpu.memory_space<vmem>> -> memref<1x8x128xi32, #tpu.memory_space<vmem>>
      %dma_wait3A_174 = tpu.memref_squeeze %dma_wait3A_173 : memref<1x8x128xi32, #tpu.memory_space<vmem>> -> memref<8x128xi32, #tpu.memory_space<vmem>>
      %dma_wait3A_175 = arith.constant 0 : i32
      %dma_wait3A_176 = arith.constant 0 : i32
      %dma_wait3A_177 = tpu.memref_slice %arg3[%arg1, %add3A_161, %dma_wait3A_175, %dma_wait3A_176] : memref<16x10x8x128xi32, #tpu.memory_space<hbm>> -> memref<1x1x8x128xi32, #tpu.memory_space<hbm>>
      %dma_wait3A_178 = tpu.memref_squeeze %dma_wait3A_177 : memref<1x1x8x128xi32, #tpu.memory_space<hbm>> -> memref<8x128xi32, #tpu.memory_space<hbm>>
      tpu.wait_dma2 semaphore(%arg20 : memref<!tpu.dma_semaphore, #tpu.memory_space<semaphore_mem>>) src(%dma_wait3A_178 : memref<8x128xi32, #tpu.memory_space<hbm>>) dst(%dma_wait3A_174 : memref<8x128xi32, #tpu.memory_space<vmem>>)
      %dma_wait3A_179 = arith.constant 0 : i32
      %dma_wait3A_180 = arith.constant 0 : i32
      %dma_wait3A_181 = arith.constant 0 : i32
      %dma_wait3A_182 = tpu.memref_slice %arg8[%dma_wait3A_179, %dma_wait3A_180, %dma_wait3A_181] : memref<2x8x128xi32, #tpu.memory_space<vmem>> -> memref<1x8x128xi32, #tpu.memory_space<vmem>>
      %dma_wait3A_183 = tpu.memref_squeeze %dma_wait3A_182 : memref<1x8x128xi32, #tpu.memory_space<vmem>> -> memref<8x128xi32, #tpu.memory_space<vmem>>
      %dma_wait3A_184 = arith.constant 0 : i32
      %dma_wait3A_185 = arith.constant 0 : i32
      %dma_wait3A_186 = tpu.memref_slice %arg4[%arg1, %add3A_161, %dma_wait3A_184, %dma_wait3A_185] : memref<16x10x8x128xi32, #tpu.memory_space<hbm>> -> memref<1x1x8x128xi32, #tpu.memory_space<hbm>>
      %dma_wait3A_187 = tpu.memref_squeeze %dma_wait3A_186 : memref<1x1x8x128xi32, #tpu.memory_space<hbm>> -> memref<8x128xi32, #tpu.memory_space<hbm>>
      %dma_wait3A_188 = arith.constant 0 : i32
      %dma_wait3A_189 = arith.constant 0 : i32
      %dma_wait3A_190 = tpu.memref_slice %arg8[%dma_wait3A_179, %dma_wait3A_188, %dma_wait3A_189] : memref<2x8x128xi32, #tpu.memory_space<vmem>> -> memref<1x8x128xi32, #tpu.memory_space<vmem>>
      %dma_wait3A_191 = tpu.memref_squeeze %dma_wait3A_190 : memref<1x8x128xi32, #tpu.memory_space<vmem>> -> memref<8x128xi32, #tpu.memory_space<vmem>>
      %dma_wait3A_192 = arith.constant 0 : i32
      %dma_wait3A_193 = arith.constant 0 : i32
      %dma_wait3A_194 = tpu.memref_slice %arg4[%arg1, %add3A_161, %dma_wait3A_192, %dma_wait3A_193] : memref<16x10x8x128xi32, #tpu.memory_space<hbm>> -> memref<1x1x8x128xi32, #tpu.memory_space<hbm>>
      %dma_wait3A_195 = tpu.memref_squeeze %dma_wait3A_194 : memref<1x1x8x128xi32, #tpu.memory_space<hbm>> -> memref<8x128xi32, #tpu.memory_space<hbm>>
      tpu.wait_dma2 semaphore(%arg20 : memref<!tpu.dma_semaphore, #tpu.memory_space<semaphore_mem>>) src(%dma_wait3A_195 : memref<8x128xi32, #tpu.memory_space<hbm>>) dst(%dma_wait3A_191 : memref<8x128xi32, #tpu.memory_space<vmem>>)
      %ge3A = arith.constant 1 : i32
      %ge3A_196 = arith.cmpi sge, %add3A_161, %ge3A : i32
      %convert_element_type3A = arith.extui %ge3A_196 : i1 to i32
      %cond3A = arith.constant 0 : i32
      %cond3A_197 = arith.cmpi ne, %convert_element_type3A, %cond3A : i32
      scf.if %cond3A_197 {
        %dma_wait3A_924 = arith.constant 0 : i32
        %dma_wait3A_925 = arith.constant 0 : i32
        %dma_wait3A_926 = arith.constant 0 : i32
        %dma_wait3A_927 = arith.constant 0 : i32
        %dma_wait3A_928 = arith.constant 0 : i32
        %dma_wait3A_929 = tpu.memref_slice %arg9[%dma_wait3A_924, %dma_wait3A_927, %dma_wait3A_928] : memref<4x128x128xbf16, #tpu.memory_space<vmem>> -> memref<1x128x128xbf16, #tpu.memory_space<vmem>>
        %dma_wait3A_930 = tpu.memref_squeeze %dma_wait3A_929 : memref<1x128x128xbf16, #tpu.memory_space<vmem>> -> memref<128x128xbf16, #tpu.memory_space<vmem>>
        %dma_wait3A_931 = arith.constant 0 : i32
        %dma_wait3A_932 = tpu.memref_slice %arg8[%dma_wait3A_925, %dma_wait3A_926, %dma_wait3A_931] : memref<2x8x128xi32, #tpu.memory_space<vmem>> -> memref<1x1x128xi32, #tpu.memory_space<vmem>>
        %dma_wait3A_933 = tpu.memref_squeeze %dma_wait3A_932 : memref<1x1x128xi32, #tpu.memory_space<vmem>> -> memref<128xi32, #tpu.memory_space<vmem>>
        %dma_wait3A_934 = arith.constant 0 : i32
        %dma_wait3A_935 = arith.constant 0 : i32
        %dma_wait3A_936 = tpu.memref_slice %arg11[%dma_wait3A_934, %dma_wait3A_935] : memref<10112x128xbf16, #tpu.memory_space<vmem_shared>> -> memref<10112x128xbf16, #tpu.memory_space<vmem_shared>>
        tpu.wait_indirect_dma semaphore(%arg16 : memref<!tpu.dma_semaphore, #tpu.memory_space<semaphore_mem>>) src(%dma_wait3A_930 : memref<128x128xbf16, #tpu.memory_space<vmem>>) dst(%dma_wait3A_936 : memref<10112x128xbf16, #tpu.memory_space<vmem_shared>>)
      } else {
      }
      %dma_start3A_198 = arith.constant 0 : i32
      %dma_start3A_199 = arith.constant 0 : i32
      %dma_start3A_200 = arith.constant 0 : i32
      %dma_start3A_201 = arith.constant 0 : i32
      %dma_start3A_202 = arith.constant 0 : i32
      %dma_start3A_203 = tpu.memref_slice %arg9[%dma_start3A_200, %dma_start3A_201, %dma_start3A_202] : memref<4x128x128xbf16, #tpu.memory_space<vmem>> -> memref<1x128x128xbf16, #tpu.memory_space<vmem>>
      %dma_start3A_204 = tpu.memref_squeeze %dma_start3A_203 : memref<1x128x128xbf16, #tpu.memory_space<vmem>> -> memref<128x128xbf16, #tpu.memory_space<vmem>>
      %dma_start3A_205 = arith.constant 0 : i32
      %dma_start3A_206 = tpu.memref_slice %arg7[%dma_start3A_198, %dma_start3A_199, %dma_start3A_205] : memref<2x8x128xi32, #tpu.memory_space<vmem>> -> memref<1x1x128xi32, #tpu.memory_space<vmem>>
      %dma_start3A_207 = tpu.memref_squeeze %dma_start3A_206 : memref<1x1x128xi32, #tpu.memory_space<vmem>> -> memref<128xi32, #tpu.memory_space<vmem>>
      %dma_start3A_208 = arith.constant 0 : i32
      %dma_start3A_209 = arith.constant 0 : i32
      %dma_start3A_210 = tpu.memref_slice %arg10[%dma_start3A_208, %dma_start3A_209] : memref<10112x128xbf16, #tpu.memory_space<vmem_shared>> -> memref<10112x128xbf16, #tpu.memory_space<vmem_shared>>
      tpu.enqueue_indirect_dma source(%dma_start3A_210 : memref<10112x128xbf16, #tpu.memory_space<vmem_shared>>) target(%dma_start3A_204 : memref<128x128xbf16, #tpu.memory_space<vmem>>) offsets(%dma_start3A_207 : memref<128xi32, #tpu.memory_space<vmem>>) semaphore(%arg12 : memref<!tpu.dma_semaphore, #tpu.memory_space<semaphore_mem>>)
      %ge3A_211 = arith.constant 1 : i32
      %ge3A_212 = arith.cmpi sge, %add3A_161, %ge3A_211 : i32
      %convert_element_type3A_213 = arith.extui %ge3A_212 : i1 to i32
      %cond3A_214 = arith.constant 0 : i32
      %cond3A_215 = arith.cmpi ne, %convert_element_type3A_213, %cond3A_214 : i32
      scf.if %cond3A_215 {
        %dma_wait3A_924 = arith.constant 0 : i32
        %dma_wait3A_925 = arith.constant 0 : i32
        %dma_wait3A_926 = arith.constant 2 : i32
        %dma_wait3A_927 = arith.constant 0 : i32
        %dma_wait3A_928 = arith.constant 0 : i32
        %dma_wait3A_929 = tpu.memref_slice %arg9[%dma_wait3A_926, %dma_wait3A_927, %dma_wait3A_928] : memref<4x128x128xbf16, #tpu.memory_space<vmem>> -> memref<1x128x128xbf16, #tpu.memory_space<vmem>>
        %dma_wait3A_930 = tpu.memref_squeeze %dma_wait3A_929 : memref<1x128x128xbf16, #tpu.memory_space<vmem>> -> memref<128x128xbf16, #tpu.memory_space<vmem>>
        %dma_wait3A_931 = arith.constant 0 : i32
        %dma_wait3A_932 = tpu.memref_slice %arg7[%dma_wait3A_924, %dma_wait3A_925, %dma_wait3A_931] : memref<2x8x128xi32, #tpu.memory_space<vmem>> -> memref<1x1x128xi32, #tpu.memory_space<vmem>>
        %dma_wait3A_933 = tpu.memref_squeeze %dma_wait3A_932 : memref<1x1x128xi32, #tpu.memory_space<vmem>> -> memref<128xi32, #tpu.memory_space<vmem>>
        %dma_wait3A_934 = arith.constant 0 : i32
        %dma_wait3A_935 = arith.constant 0 : i32
        %dma_wait3A_936 = tpu.memref_slice %arg10[%dma_wait3A_934, %dma_wait3A_935] : memref<10112x128xbf16, #tpu.memory_space<vmem_shared>> -> memref<10112x128xbf16, #tpu.memory_space<vmem_shared>>
        tpu.wait_indirect_dma semaphore(%arg14 : memref<!tpu.dma_semaphore, #tpu.memory_space<semaphore_mem>>) src(%dma_wait3A_936 : memref<10112x128xbf16, #tpu.memory_space<vmem_shared>>) dst(%dma_wait3A_930 : memref<128x128xbf16, #tpu.memory_space<vmem>>)
        %dma_start3A_937 = arith.constant 2 : i32
        %dma_start3A_938 = arith.constant 1 : i32
        %dma_start3A_939 = arith.constant 6 : i32
        %dma_start3A_940 = arith.constant 0 : i32
        %dma_start3A_941 = arith.constant 0 : i32
        %dma_start3A_942 = tpu.memref_slice %arg9[%dma_start3A_937, %dma_start3A_940, %dma_start3A_941] : memref<4x128x128xbf16, #tpu.memory_space<vmem>> -> memref<1x128x128xbf16, #tpu.memory_space<vmem>>
        %dma_start3A_943 = tpu.memref_squeeze %dma_start3A_942 : memref<1x128x128xbf16, #tpu.memory_space<vmem>> -> memref<128x128xbf16, #tpu.memory_space<vmem>>
        %dma_start3A_944 = arith.constant 0 : i32
        %dma_start3A_945 = tpu.memref_slice %arg8[%dma_start3A_938, %dma_start3A_939, %dma_start3A_944] : memref<2x8x128xi32, #tpu.memory_space<vmem>> -> memref<1x1x128xi32, #tpu.memory_space<vmem>>
        %dma_start3A_946 = tpu.memref_squeeze %dma_start3A_945 : memref<1x1x128xi32, #tpu.memory_space<vmem>> -> memref<128xi32, #tpu.memory_space<vmem>>
        %dma_start3A_947 = arith.constant 0 : i32
        %dma_start3A_948 = arith.constant 0 : i32
        %dma_start3A_949 = tpu.memref_slice %arg11[%dma_start3A_947, %dma_start3A_948] : memref<10112x128xbf16, #tpu.memory_space<vmem_shared>> -> memref<10112x128xbf16, #tpu.memory_space<vmem_shared>>
        tpu.enqueue_indirect_dma source(%dma_start3A_943 : memref<128x128xbf16, #tpu.memory_space<vmem>>) target(%dma_start3A_949 : memref<10112x128xbf16, #tpu.memory_space<vmem_shared>>) offsets(%dma_start3A_946 : memref<128xi32, #tpu.memory_space<vmem>>) semaphore(%arg18 : memref<!tpu.dma_semaphore, #tpu.memory_space<semaphore_mem>>) {add = true}
      } else {
      }
      %ge3A_216 = arith.constant 1 : i32
      %ge3A_217 = arith.cmpi sge, %add3A_161, %ge3A_216 : i32
      %convert_element_type3A_218 = arith.extui %ge3A_217 : i1 to i32
      %cond3A_219 = arith.constant 0 : i32
      %cond3A_220 = arith.cmpi ne, %convert_element_type3A_218, %cond3A_219 : i32
      scf.if %cond3A_220 {
        %dma_wait3A_924 = arith.constant 1 : i32
        %dma_wait3A_925 = arith.constant 0 : i32
        %dma_wait3A_926 = arith.constant 0 : i32
        %dma_wait3A_927 = arith.constant 0 : i32
        %dma_wait3A_928 = arith.constant 0 : i32
        %dma_wait3A_929 = tpu.memref_slice %arg9[%dma_wait3A_924, %dma_wait3A_927, %dma_wait3A_928] : memref<4x128x128xbf16, #tpu.memory_space<vmem>> -> memref<1x128x128xbf16, #tpu.memory_space<vmem>>
        %dma_wait3A_930 = tpu.memref_squeeze %dma_wait3A_929 : memref<1x128x128xbf16, #tpu.memory_space<vmem>> -> memref<128x128xbf16, #tpu.memory_space<vmem>>
        %dma_wait3A_931 = arith.constant 0 : i32
        %dma_wait3A_932 = tpu.memref_slice %arg8[%dma_wait3A_925, %dma_wait3A_926, %dma_wait3A_931] : memref<2x8x128xi32, #tpu.memory_space<vmem>> -> memref<1x1x128xi32, #tpu.memory_space<vmem>>
        %dma_wait3A_933 = tpu.memref_squeeze %dma_wait3A_932 : memref<1x1x128xi32, #tpu.memory_space<vmem>> -> memref<128xi32, #tpu.memory_space<vmem>>
        %dma_wait3A_934 = arith.constant 0 : i32
        %dma_wait3A_935 = arith.constant 0 : i32
        %dma_wait3A_936 = tpu.memref_slice %arg11[%dma_wait3A_934, %dma_wait3A_935] : memref<10112x128xbf16, #tpu.memory_space<vmem_shared>> -> memref<10112x128xbf16, #tpu.memory_space<vmem_shared>>
        tpu.wait_indirect_dma semaphore(%arg17 : memref<!tpu.dma_semaphore, #tpu.memory_space<semaphore_mem>>) src(%dma_wait3A_930 : memref<128x128xbf16, #tpu.memory_space<vmem>>) dst(%dma_wait3A_936 : memref<10112x128xbf16, #tpu.memory_space<vmem_shared>>)
      } else {
      }
      %dma_start3A_221 = arith.constant 0 : i32
      %dma_start3A_222 = arith.constant 1 : i32
      %dma_start3A_223 = arith.constant 1 : i32
      %dma_start3A_224 = arith.constant 0 : i32
      %dma_start3A_225 = arith.constant 0 : i32
      %dma_start3A_226 = tpu.memref_slice %arg9[%dma_start3A_223, %dma_start3A_224, %dma_start3A_225] : memref<4x128x128xbf16, #tpu.memory_space<vmem>> -> memref<1x128x128xbf16, #tpu.memory_space<vmem>>
      %dma_start3A_227 = tpu.memref_squeeze %dma_start3A_226 : memref<1x128x128xbf16, #tpu.memory_space<vmem>> -> memref<128x128xbf16, #tpu.memory_space<vmem>>
      %dma_start3A_228 = arith.constant 0 : i32
      %dma_start3A_229 = tpu.memref_slice %arg7[%dma_start3A_221, %dma_start3A_222, %dma_start3A_228] : memref<2x8x128xi32, #tpu.memory_space<vmem>> -> memref<1x1x128xi32, #tpu.memory_space<vmem>>
      %dma_start3A_230 = tpu.memref_squeeze %dma_start3A_229 : memref<1x1x128xi32, #tpu.memory_space<vmem>> -> memref<128xi32, #tpu.memory_space<vmem>>
      %dma_start3A_231 = arith.constant 0 : i32
      %dma_start3A_232 = arith.constant 0 : i32
      %dma_start3A_233 = tpu.memref_slice %arg10[%dma_start3A_231, %dma_start3A_232] : memref<10112x128xbf16, #tpu.memory_space<vmem_shared>> -> memref<10112x128xbf16, #tpu.memory_space<vmem_shared>>
      tpu.enqueue_indirect_dma source(%dma_start3A_233 : memref<10112x128xbf16, #tpu.memory_space<vmem_shared>>) target(%dma_start3A_227 : memref<128x128xbf16, #tpu.memory_space<vmem>>) offsets(%dma_start3A_230 : memref<128xi32, #tpu.memory_space<vmem>>) semaphore(%arg13 : memref<!tpu.dma_semaphore, #tpu.memory_space<semaphore_mem>>)
      %ge3A_234 = arith.constant 1 : i32
      %ge3A_235 = arith.cmpi sge, %add3A_161, %ge3A_234 : i32
      %convert_element_type3A_236 = arith.extui %ge3A_235 : i1 to i32
      %cond3A_237 = arith.constant 0 : i32
      %cond3A_238 = arith.cmpi ne, %convert_element_type3A_236, %cond3A_237 : i32
      scf.if %cond3A_238 {
        %dma_wait3A_924 = arith.constant 0 : i32
        %dma_wait3A_925 = arith.constant 0 : i32
        %dma_wait3A_926 = arith.constant 3 : i32
        %dma_wait3A_927 = arith.constant 0 : i32
        %dma_wait3A_928 = arith.constant 0 : i32
        %dma_wait3A_929 = tpu.memref_slice %arg9[%dma_wait3A_926, %dma_wait3A_927, %dma_wait3A_928] : memref<4x128x128xbf16, #tpu.memory_space<vmem>> -> memref<1x128x128xbf16, #tpu.memory_space<vmem>>
        %dma_wait3A_930 = tpu.memref_squeeze %dma_wait3A_929 : memref<1x128x128xbf16, #tpu.memory_space<vmem>> -> memref<128x128xbf16, #tpu.memory_space<vmem>>
        %dma_wait3A_931 = arith.constant 0 : i32
        %dma_wait3A_932 = tpu.memref_slice %arg7[%dma_wait3A_924, %dma_wait3A_925, %dma_wait3A_931] : memref<2x8x128xi32, #tpu.memory_space<vmem>> -> memref<1x1x128xi32, #tpu.memory_space<vmem>>
        %dma_wait3A_933 = tpu.memref_squeeze %dma_wait3A_932 : memref<1x1x128xi32, #tpu.memory_space<vmem>> -> memref<128xi32, #tpu.memory_space<vmem>>
        %dma_wait3A_934 = arith.constant 0 : i32
        %dma_wait3A_935 = arith.constant 0 : i32
        %dma_wait3A_936 = tpu.memref_slice %arg10[%dma_wait3A_934, %dma_wait3A_935] : memref<10112x128xbf16, #tpu.memory_space<vmem_shared>> -> memref<10112x128xbf16, #tpu.memory_space<vmem_shared>>
        tpu.wait_indirect_dma semaphore(%arg15 : memref<!tpu.dma_semaphore, #tpu.memory_space<semaphore_mem>>) src(%dma_wait3A_936 : memref<10112x128xbf16, #tpu.memory_space<vmem_shared>>) dst(%dma_wait3A_930 : memref<128x128xbf16, #tpu.memory_space<vmem>>)
        %dma_start3A_937 = arith.constant 3 : i32
        %dma_start3A_938 = arith.constant 1 : i32
        %dma_start3A_939 = arith.constant 7 : i32
        %dma_start3A_940 = arith.constant 0 : i32
        %dma_start3A_941 = arith.constant 0 : i32
        %dma_start3A_942 = tpu.memref_slice %arg9[%dma_start3A_937, %dma_start3A_940, %dma_start3A_941] : memref<4x128x128xbf16, #tpu.memory_space<vmem>> -> memref<1x128x128xbf16, #tpu.memory_space<vmem>>
        %dma_start3A_943 = tpu.memref_squeeze %dma_start3A_942 : memref<1x128x128xbf16, #tpu.memory_space<vmem>> -> memref<128x128xbf16, #tpu.memory_space<vmem>>
        %dma_start3A_944 = arith.constant 0 : i32
        %dma_start3A_945 = tpu.memref_slice %arg8[%dma_start3A_938, %dma_start3A_939, %dma_start3A_944] : memref<2x8x128xi32, #tpu.memory_space<vmem>> -> memref<1x1x128xi32, #tpu.memory_space<vmem>>
        %dma_start3A_946 = tpu.memref_squeeze %dma_start3A_945 : memref<1x1x128xi32, #tpu.memory_space<vmem>> -> memref<128xi32, #tpu.memory_space<vmem>>
        %dma_start3A_947 = arith.constant 0 : i32
        %dma_start3A_948 = arith.constant 0 : i32
        %dma_start3A_949 = tpu.memref_slice %arg11[%dma_start3A_947, %dma_start3A_948] : memref<10112x128xbf16, #tpu.memory_space<vmem_shared>> -> memref<10112x128xbf16, #tpu.memory_space<vmem_shared>>
        tpu.enqueue_indirect_dma source(%dma_start3A_943 : memref<128x128xbf16, #tpu.memory_space<vmem>>) target(%dma_start3A_949 : memref<10112x128xbf16, #tpu.memory_space<vmem_shared>>) offsets(%dma_start3A_946 : memref<128xi32, #tpu.memory_space<vmem>>) semaphore(%arg19 : memref<!tpu.dma_semaphore, #tpu.memory_space<semaphore_mem>>) {add = true}
      } else {
      }
      %ge3A_239 = arith.constant 1 : i32
      %ge3A_240 = arith.cmpi sge, %add3A_161, %ge3A_239 : i32
      %convert_element_type3A_241 = arith.extui %ge3A_240 : i1 to i32
      %cond3A_242 = arith.constant 0 : i32
      %cond3A_243 = arith.cmpi ne, %convert_element_type3A_241, %cond3A_242 : i32
      scf.if %cond3A_243 {
        %dma_wait3A_924 = arith.constant 2 : i32
        %dma_wait3A_925 = arith.constant 0 : i32
        %dma_wait3A_926 = arith.constant 0 : i32
        %dma_wait3A_927 = arith.constant 0 : i32
        %dma_wait3A_928 = arith.constant 0 : i32
        %dma_wait3A_929 = tpu.memref_slice %arg9[%dma_wait3A_924, %dma_wait3A_927, %dma_wait3A_928] : memref<4x128x128xbf16, #tpu.memory_space<vmem>> -> memref<1x128x128xbf16, #tpu.memory_space<vmem>>
        %dma_wait3A_930 = tpu.memref_squeeze %dma_wait3A_929 : memref<1x128x128xbf16, #tpu.memory_space<vmem>> -> memref<128x128xbf16, #tpu.memory_space<vmem>>
        %dma_wait3A_931 = arith.constant 0 : i32
        %dma_wait3A_932 = tpu.memref_slice %arg8[%dma_wait3A_925, %dma_wait3A_926, %dma_wait3A_931] : memref<2x8x128xi32, #tpu.memory_space<vmem>> -> memref<1x1x128xi32, #tpu.memory_space<vmem>>
        %dma_wait3A_933 = tpu.memref_squeeze %dma_wait3A_932 : memref<1x1x128xi32, #tpu.memory_space<vmem>> -> memref<128xi32, #tpu.memory_space<vmem>>
        %dma_wait3A_934 = arith.constant 0 : i32
        %dma_wait3A_935 = arith.constant 0 : i32
        %dma_wait3A_936 = tpu.memref_slice %arg11[%dma_wait3A_934, %dma_wait3A_935] : memref<10112x128xbf16, #tpu.memory_space<vmem_shared>> -> memref<10112x128xbf16, #tpu.memory_space<vmem_shared>>
        tpu.wait_indirect_dma semaphore(%arg18 : memref<!tpu.dma_semaphore, #tpu.memory_space<semaphore_mem>>) src(%dma_wait3A_930 : memref<128x128xbf16, #tpu.memory_space<vmem>>) dst(%dma_wait3A_936 : memref<10112x128xbf16, #tpu.memory_space<vmem_shared>>)
      } else {
      }
      %dma_start3A_244 = arith.constant 0 : i32
      %dma_start3A_245 = arith.constant 2 : i32
      %dma_start3A_246 = arith.constant 2 : i32
      %dma_start3A_247 = arith.constant 0 : i32
      %dma_start3A_248 = arith.constant 0 : i32
      %dma_start3A_249 = tpu.memref_slice %arg9[%dma_start3A_246, %dma_start3A_247, %dma_start3A_248] : memref<4x128x128xbf16, #tpu.memory_space<vmem>> -> memref<1x128x128xbf16, #tpu.memory_space<vmem>>
      %dma_start3A_250 = tpu.memref_squeeze %dma_start3A_249 : memref<1x128x128xbf16, #tpu.memory_space<vmem>> -> memref<128x128xbf16, #tpu.memory_space<vmem>>
      %dma_start3A_251 = arith.constant 0 : i32
      %dma_start3A_252 = tpu.memref_slice %arg7[%dma_start3A_244, %dma_start3A_245, %dma_start3A_251] : memref<2x8x128xi32, #tpu.memory_space<vmem>> -> memref<1x1x128xi32, #tpu.memory_space<vmem>>
      %dma_start3A_253 = tpu.memref_squeeze %dma_start3A_252 : memref<1x1x128xi32, #tpu.memory_space<vmem>> -> memref<128xi32, #tpu.memory_space<vmem>>
      %dma_start3A_254 = arith.constant 0 : i32
      %dma_start3A_255 = arith.constant 0 : i32
      %dma_start3A_256 = tpu.memref_slice %arg10[%dma_start3A_254, %dma_start3A_255] : memref<10112x128xbf16, #tpu.memory_space<vmem_shared>> -> memref<10112x128xbf16, #tpu.memory_space<vmem_shared>>
      tpu.enqueue_indirect_dma source(%dma_start3A_256 : memref<10112x128xbf16, #tpu.memory_space<vmem_shared>>) target(%dma_start3A_250 : memref<128x128xbf16, #tpu.memory_space<vmem>>) offsets(%dma_start3A_253 : memref<128xi32, #tpu.memory_space<vmem>>) semaphore(%arg14 : memref<!tpu.dma_semaphore, #tpu.memory_space<semaphore_mem>>)
      %dma_wait3A_257 = arith.constant 0 : i32
      %dma_wait3A_258 = arith.constant 0 : i32
      %dma_wait3A_259 = arith.constant 0 : i32
      %dma_wait3A_260 = arith.constant 0 : i32
      %dma_wait3A_261 = arith.constant 0 : i32
      %dma_wait3A_262 = tpu.memref_slice %arg9[%dma_wait3A_259, %dma_wait3A_260, %dma_wait3A_261] : memref<4x128x128xbf16, #tpu.memory_space<vmem>> -> memref<1x128x128xbf16, #tpu.memory_space<vmem>>
      %dma_wait3A_263 = tpu.memref_squeeze %dma_wait3A_262 : memref<1x128x128xbf16, #tpu.memory_space<vmem>> -> memref<128x128xbf16, #tpu.memory_space<vmem>>
      %dma_wait3A_264 = arith.constant 0 : i32
      %dma_wait3A_265 = tpu.memref_slice %arg7[%dma_wait3A_257, %dma_wait3A_258, %dma_wait3A_264] : memref<2x8x128xi32, #tpu.memory_space<vmem>> -> memref<1x1x128xi32, #tpu.memory_space<vmem>>
      %dma_wait3A_266 = tpu.memref_squeeze %dma_wait3A_265 : memref<1x1x128xi32, #tpu.memory_space<vmem>> -> memref<128xi32, #tpu.memory_space<vmem>>
      %dma_wait3A_267 = arith.constant 0 : i32
      %dma_wait3A_268 = arith.constant 0 : i32
      %dma_wait3A_269 = tpu.memref_slice %arg10[%dma_wait3A_267, %dma_wait3A_268] : memref<10112x128xbf16, #tpu.memory_space<vmem_shared>> -> memref<10112x128xbf16, #tpu.memory_space<vmem_shared>>
      tpu.wait_indirect_dma semaphore(%arg12 : memref<!tpu.dma_semaphore, #tpu.memory_space<semaphore_mem>>) src(%dma_wait3A_269 : memref<10112x128xbf16, #tpu.memory_space<vmem_shared>>) dst(%dma_wait3A_263 : memref<128x128xbf16, #tpu.memory_space<vmem>>)
      %dma_start3A_270 = arith.constant 0 : i32
      %dma_start3A_271 = arith.constant 0 : i32
      %dma_start3A_272 = arith.constant 0 : i32
      %dma_start3A_273 = arith.constant 0 : i32
      %dma_start3A_274 = arith.constant 0 : i32
      %dma_start3A_275 = tpu.memref_slice %arg9[%dma_start3A_270, %dma_start3A_273, %dma_start3A_274] : memref<4x128x128xbf16, #tpu.memory_space<vmem>> -> memref<1x128x128xbf16, #tpu.memory_space<vmem>>
      %dma_start3A_276 = tpu.memref_squeeze %dma_start3A_275 : memref<1x128x128xbf16, #tpu.memory_space<vmem>> -> memref<128x128xbf16, #tpu.memory_space<vmem>>
      %dma_start3A_277 = arith.constant 0 : i32
      %dma_start3A_278 = tpu.memref_slice %arg8[%dma_start3A_271, %dma_start3A_272, %dma_start3A_277] : memref<2x8x128xi32, #tpu.memory_space<vmem>> -> memref<1x1x128xi32, #tpu.memory_space<vmem>>
      %dma_start3A_279 = tpu.memref_squeeze %dma_start3A_278 : memref<1x1x128xi32, #tpu.memory_space<vmem>> -> memref<128xi32, #tpu.memory_space<vmem>>
      %dma_start3A_280 = arith.constant 0 : i32
      %dma_start3A_281 = arith.constant 0 : i32
      %dma_start3A_282 = tpu.memref_slice %arg11[%dma_start3A_280, %dma_start3A_281] : memref<10112x128xbf16, #tpu.memory_space<vmem_shared>> -> memref<10112x128xbf16, #tpu.memory_space<vmem_shared>>
      tpu.enqueue_indirect_dma source(%dma_start3A_276 : memref<128x128xbf16, #tpu.memory_space<vmem>>) target(%dma_start3A_282 : memref<10112x128xbf16, #tpu.memory_space<vmem_shared>>) offsets(%dma_start3A_279 : memref<128xi32, #tpu.memory_space<vmem>>) semaphore(%arg16 : memref<!tpu.dma_semaphore, #tpu.memory_space<semaphore_mem>>) {add = true}
      %ge3A_283 = arith.constant 1 : i32
      %ge3A_284 = arith.cmpi sge, %add3A_161, %ge3A_283 : i32
      %convert_element_type3A_285 = arith.extui %ge3A_284 : i1 to i32
      %cond3A_286 = arith.constant 0 : i32
      %cond3A_287 = arith.cmpi ne, %convert_element_type3A_285, %cond3A_286 : i32
      scf.if %cond3A_287 {
        %dma_wait3A_924 = arith.constant 3 : i32
        %dma_wait3A_925 = arith.constant 0 : i32
        %dma_wait3A_926 = arith.constant 0 : i32
        %dma_wait3A_927 = arith.constant 0 : i32
        %dma_wait3A_928 = arith.constant 0 : i32
        %dma_wait3A_929 = tpu.memref_slice %arg9[%dma_wait3A_924, %dma_wait3A_927, %dma_wait3A_928] : memref<4x128x128xbf16, #tpu.memory_space<vmem>> -> memref<1x128x128xbf16, #tpu.memory_space<vmem>>
        %dma_wait3A_930 = tpu.memref_squeeze %dma_wait3A_929 : memref<1x128x128xbf16, #tpu.memory_space<vmem>> -> memref<128x128xbf16, #tpu.memory_space<vmem>>
        %dma_wait3A_931 = arith.constant 0 : i32
        %dma_wait3A_932 = tpu.memref_slice %arg8[%dma_wait3A_925, %dma_wait3A_926, %dma_wait3A_931] : memref<2x8x128xi32, #tpu.memory_space<vmem>> -> memref<1x1x128xi32, #tpu.memory_space<vmem>>
        %dma_wait3A_933 = tpu.memref_squeeze %dma_wait3A_932 : memref<1x1x128xi32, #tpu.memory_space<vmem>> -> memref<128xi32, #tpu.memory_space<vmem>>
        %dma_wait3A_934 = arith.constant 0 : i32
        %dma_wait3A_935 = arith.constant 0 : i32
        %dma_wait3A_936 = tpu.memref_slice %arg11[%dma_wait3A_934, %dma_wait3A_935] : memref<10112x128xbf16, #tpu.memory_space<vmem_shared>> -> memref<10112x128xbf16, #tpu.memory_space<vmem_shared>>
        tpu.wait_indirect_dma semaphore(%arg19 : memref<!tpu.dma_semaphore, #tpu.memory_space<semaphore_mem>>) src(%dma_wait3A_930 : memref<128x128xbf16, #tpu.memory_space<vmem>>) dst(%dma_wait3A_936 : memref<10112x128xbf16, #tpu.memory_space<vmem_shared>>)
      } else {
      }
      %dma_start3A_288 = arith.constant 0 : i32
      %dma_start3A_289 = arith.constant 3 : i32
      %dma_start3A_290 = arith.constant 3 : i32
      %dma_start3A_291 = arith.constant 0 : i32
      %dma_start3A_292 = arith.constant 0 : i32
      %dma_start3A_293 = tpu.memref_slice %arg9[%dma_start3A_290, %dma_start3A_291, %dma_start3A_292] : memref<4x128x128xbf16, #tpu.memory_space<vmem>> -> memref<1x128x128xbf16, #tpu.memory_space<vmem>>
      %dma_start3A_294 = tpu.memref_squeeze %dma_start3A_293 : memref<1x128x128xbf16, #tpu.memory_space<vmem>> -> memref<128x128xbf16, #tpu.memory_space<vmem>>
      %dma_start3A_295 = arith.constant 0 : i32
      %dma_start3A_296 = tpu.memref_slice %arg7[%dma_start3A_288, %dma_start3A_289, %dma_start3A_295] : memref<2x8x128xi32, #tpu.memory_space<vmem>> -> memref<1x1x128xi32, #tpu.memory_space<vmem>>
      %dma_start3A_297 = tpu.memref_squeeze %dma_start3A_296 : memref<1x1x128xi32, #tpu.memory_space<vmem>> -> memref<128xi32, #tpu.memory_space<vmem>>
      %dma_start3A_298 = arith.constant 0 : i32
      %dma_start3A_299 = arith.constant 0 : i32
      %dma_start3A_300 = tpu.memref_slice %arg10[%dma_start3A_298, %dma_start3A_299] : memref<10112x128xbf16, #tpu.memory_space<vmem_shared>> -> memref<10112x128xbf16, #tpu.memory_space<vmem_shared>>
      tpu.enqueue_indirect_dma source(%dma_start3A_300 : memref<10112x128xbf16, #tpu.memory_space<vmem_shared>>) target(%dma_start3A_294 : memref<128x128xbf16, #tpu.memory_space<vmem>>) offsets(%dma_start3A_297 : memref<128xi32, #tpu.memory_space<vmem>>) semaphore(%arg15 : memref<!tpu.dma_semaphore, #tpu.memory_space<semaphore_mem>>)
      %dma_wait3A_301 = arith.constant 0 : i32
      %dma_wait3A_302 = arith.constant 0 : i32
      %dma_wait3A_303 = arith.constant 1 : i32
      %dma_wait3A_304 = arith.constant 0 : i32
      %dma_wait3A_305 = arith.constant 0 : i32
      %dma_wait3A_306 = tpu.memref_slice %arg9[%dma_wait3A_303, %dma_wait3A_304, %dma_wait3A_305] : memref<4x128x128xbf16, #tpu.memory_space<vmem>> -> memref<1x128x128xbf16, #tpu.memory_space<vmem>>
      %dma_wait3A_307 = tpu.memref_squeeze %dma_wait3A_306 : memref<1x128x128xbf16, #tpu.memory_space<vmem>> -> memref<128x128xbf16, #tpu.memory_space<vmem>>
      %dma_wait3A_308 = arith.constant 0 : i32
      %dma_wait3A_309 = tpu.memref_slice %arg7[%dma_wait3A_301, %dma_wait3A_302, %dma_wait3A_308] : memref<2x8x128xi32, #tpu.memory_space<vmem>> -> memref<1x1x128xi32, #tpu.memory_space<vmem>>
      %dma_wait3A_310 = tpu.memref_squeeze %dma_wait3A_309 : memref<1x1x128xi32, #tpu.memory_space<vmem>> -> memref<128xi32, #tpu.memory_space<vmem>>
      %dma_wait3A_311 = arith.constant 0 : i32
      %dma_wait3A_312 = arith.constant 0 : i32
      %dma_wait3A_313 = tpu.memref_slice %arg10[%dma_wait3A_311, %dma_wait3A_312] : memref<10112x128xbf16, #tpu.memory_space<vmem_shared>> -> memref<10112x128xbf16, #tpu.memory_space<vmem_shared>>
      tpu.wait_indirect_dma semaphore(%arg13 : memref<!tpu.dma_semaphore, #tpu.memory_space<semaphore_mem>>) src(%dma_wait3A_313 : memref<10112x128xbf16, #tpu.memory_space<vmem_shared>>) dst(%dma_wait3A_307 : memref<128x128xbf16, #tpu.memory_space<vmem>>)
      %dma_start3A_314 = arith.constant 1 : i32
      %dma_start3A_315 = arith.constant 0 : i32
      %dma_start3A_316 = arith.constant 1 : i32
      %dma_start3A_317 = arith.constant 0 : i32
      %dma_start3A_318 = arith.constant 0 : i32
      %dma_start3A_319 = tpu.memref_slice %arg9[%dma_start3A_314, %dma_start3A_317, %dma_start3A_318] : memref<4x128x128xbf16, #tpu.memory_space<vmem>> -> memref<1x128x128xbf16, #tpu.memory_space<vmem>>
      %dma_start3A_320 = tpu.memref_squeeze %dma_start3A_319 : memref<1x128x128xbf16, #tpu.memory_space<vmem>> -> memref<128x128xbf16, #tpu.memory_space<vmem>>
      %dma_start3A_321 = arith.constant 0 : i32
      %dma_start3A_322 = tpu.memref_slice %arg8[%dma_start3A_315, %dma_start3A_316, %dma_start3A_321] : memref<2x8x128xi32, #tpu.memory_space<vmem>> -> memref<1x1x128xi32, #tpu.memory_space<vmem>>
      %dma_start3A_323 = tpu.memref_squeeze %dma_start3A_322 : memref<1x1x128xi32, #tpu.memory_space<vmem>> -> memref<128xi32, #tpu.memory_space<vmem>>
      %dma_start3A_324 = arith.constant 0 : i32
      %dma_start3A_325 = arith.constant 0 : i32
      %dma_start3A_326 = tpu.memref_slice %arg11[%dma_start3A_324, %dma_start3A_325] : memref<10112x128xbf16, #tpu.memory_space<vmem_shared>> -> memref<10112x128xbf16, #tpu.memory_space<vmem_shared>>
      tpu.enqueue_indirect_dma source(%dma_start3A_320 : memref<128x128xbf16, #tpu.memory_space<vmem>>) target(%dma_start3A_326 : memref<10112x128xbf16, #tpu.memory_space<vmem_shared>>) offsets(%dma_start3A_323 : memref<128xi32, #tpu.memory_space<vmem>>) semaphore(%arg17 : memref<!tpu.dma_semaphore, #tpu.memory_space<semaphore_mem>>) {add = true}
      %lt3A = arith.constant 9 : i32
      %lt3A_327 = arith.cmpi slt, %add3A_161, %lt3A : i32
      %convert_element_type3A_328 = arith.extui %lt3A_327 : i1 to i32
      %cond3A_329 = arith.constant 0 : i32
      %cond3A_330 = arith.cmpi ne, %convert_element_type3A_328, %cond3A_329 : i32
      scf.if %cond3A_330 {
        %add3A_924 = arith.constant 1 : i32
        %add3A_925 = arith.addi %add3A_161, %add3A_924 : i32
        %dma_start3A_926 = arith.constant 1 : i32
        %dma_start3A_927 = arith.constant 0 : i32
        %dma_start3A_928 = arith.constant 0 : i32
        %dma_start3A_929 = tpu.memref_slice %arg7[%dma_start3A_926, %dma_start3A_927, %dma_start3A_928] : memref<2x8x128xi32, #tpu.memory_space<vmem>> -> memref<1x8x128xi32, #tpu.memory_space<vmem>>
        %dma_start3A_930 = tpu.memref_squeeze %dma_start3A_929 : memref<1x8x128xi32, #tpu.memory_space<vmem>> -> memref<8x128xi32, #tpu.memory_space<vmem>>
        %dma_start3A_931 = arith.constant 0 : i32
        %dma_start3A_932 = arith.constant 0 : i32
        %dma_start3A_933 = tpu.memref_slice %arg3[%arg1, %add3A_925, %dma_start3A_931, %dma_start3A_932] : memref<16x10x8x128xi32, #tpu.memory_space<hbm>> -> memref<1x1x8x128xi32, #tpu.memory_space<hbm>>
        %dma_start3A_934 = tpu.memref_squeeze %dma_start3A_933 : memref<1x1x8x128xi32, #tpu.memory_space<hbm>> -> memref<8x128xi32, #tpu.memory_space<hbm>>
        %dma_start3A_935 = arith.constant 0 : i32
        %dma_start3A_936 = arith.constant 0 : i32
        %dma_start3A_937 = tpu.memref_slice %arg7[%dma_start3A_926, %dma_start3A_935, %dma_start3A_936] : memref<2x8x128xi32, #tpu.memory_space<vmem>> -> memref<1x8x128xi32, #tpu.memory_space<vmem>>
        %dma_start3A_938 = tpu.memref_squeeze %dma_start3A_937 : memref<1x8x128xi32, #tpu.memory_space<vmem>> -> memref<8x128xi32, #tpu.memory_space<vmem>>
        %dma_start3A_939 = arith.constant 0 : i32
        %dma_start3A_940 = arith.constant 0 : i32
        %dma_start3A_941 = tpu.memref_slice %arg3[%arg1, %add3A_925, %dma_start3A_939, %dma_start3A_940] : memref<16x10x8x128xi32, #tpu.memory_space<hbm>> -> memref<1x1x8x128xi32, #tpu.memory_space<hbm>>
        %dma_start3A_942 = tpu.memref_squeeze %dma_start3A_941 : memref<1x1x8x128xi32, #tpu.memory_space<hbm>> -> memref<8x128xi32, #tpu.memory_space<hbm>>
        tpu.enqueue_dma source(%dma_start3A_942 : memref<8x128xi32, #tpu.memory_space<hbm>>) target(%dma_start3A_938 : memref<8x128xi32, #tpu.memory_space<vmem>>) target_semaphore(%arg21 : memref<!tpu.dma_semaphore, #tpu.memory_space<semaphore_mem>>)
        %add3A_943 = arith.constant 1 : i32
        %add3A_944 = arith.addi %add3A_161, %add3A_943 : i32
        %dma_start3A_945 = arith.constant 1 : i32
        %dma_start3A_946 = arith.constant 0 : i32
        %dma_start3A_947 = arith.constant 0 : i32
        %dma_start3A_948 = tpu.memref_slice %arg8[%dma_start3A_945, %dma_start3A_946, %dma_start3A_947] : memref<2x8x128xi32, #tpu.memory_space<vmem>> -> memref<1x8x128xi32, #tpu.memory_space<vmem>>
        %dma_start3A_949 = tpu.memref_squeeze %dma_start3A_948 : memref<1x8x128xi32, #tpu.memory_space<vmem>> -> memref<8x128xi32, #tpu.memory_space<vmem>>
        %dma_start3A_950 = arith.constant 0 : i32
        %dma_start3A_951 = arith.constant 0 : i32
        %dma_start3A_952 = tpu.memref_slice %arg4[%arg1, %add3A_944, %dma_start3A_950, %dma_start3A_951] : memref<16x10x8x128xi32, #tpu.memory_space<hbm>> -> memref<1x1x8x128xi32, #tpu.memory_space<hbm>>
        %dma_start3A_953 = tpu.memref_squeeze %dma_start3A_952 : memref<1x1x8x128xi32, #tpu.memory_space<hbm>> -> memref<8x128xi32, #tpu.memory_space<hbm>>
        %dma_start3A_954 = arith.constant 0 : i32
        %dma_start3A_955 = arith.constant 0 : i32
        %dma_start3A_956 = tpu.memref_slice %arg8[%dma_start3A_945, %dma_start3A_954, %dma_start3A_955] : memref<2x8x128xi32, #tpu.memory_space<vmem>> -> memref<1x8x128xi32, #tpu.memory_space<vmem>>
        %dma_start3A_957 = tpu.memref_squeeze %dma_start3A_956 : memref<1x8x128xi32, #tpu.memory_space<vmem>> -> memref<8x128xi32, #tpu.memory_space<vmem>>
        %dma_start3A_958 = arith.constant 0 : i32
        %dma_start3A_959 = arith.constant 0 : i32
        %dma_start3A_960 = tpu.memref_slice %arg4[%arg1, %add3A_944, %dma_start3A_958, %dma_start3A_959] : memref<16x10x8x128xi32, #tpu.memory_space<hbm>> -> memref<1x1x8x128xi32, #tpu.memory_space<hbm>>
        %dma_start3A_961 = tpu.memref_squeeze %dma_start3A_960 : memref<1x1x8x128xi32, #tpu.memory_space<hbm>> -> memref<8x128xi32, #tpu.memory_space<hbm>>
        tpu.enqueue_dma source(%dma_start3A_961 : memref<8x128xi32, #tpu.memory_space<hbm>>) target(%dma_start3A_957 : memref<8x128xi32, #tpu.memory_space<vmem>>) target_semaphore(%arg21 : memref<!tpu.dma_semaphore, #tpu.memory_space<semaphore_mem>>)
      } else {
      }
      %dma_wait3A_331 = arith.constant 0 : i32
      %dma_wait3A_332 = arith.constant 0 : i32
      %dma_wait3A_333 = arith.constant 0 : i32
      %dma_wait3A_334 = arith.constant 0 : i32
      %dma_wait3A_335 = arith.constant 0 : i32
      %dma_wait3A_336 = tpu.memref_slice %arg9[%dma_wait3A_331, %dma_wait3A_334, %dma_wait3A_335] : memref<4x128x128xbf16, #tpu.memory_space<vmem>> -> memref<1x128x128xbf16, #tpu.memory_space<vmem>>
      %dma_wait3A_337 = tpu.memref_squeeze %dma_wait3A_336 : memref<1x128x128xbf16, #tpu.memory_space<vmem>> -> memref<128x128xbf16, #tpu.memory_space<vmem>>
      %dma_wait3A_338 = arith.constant 0 : i32
      %dma_wait3A_339 = tpu.memref_slice %arg8[%dma_wait3A_332, %dma_wait3A_333, %dma_wait3A_338] : memref<2x8x128xi32, #tpu.memory_space<vmem>> -> memref<1x1x128xi32, #tpu.memory_space<vmem>>
      %dma_wait3A_340 = tpu.memref_squeeze %dma_wait3A_339 : memref<1x1x128xi32, #tpu.memory_space<vmem>> -> memref<128xi32, #tpu.memory_space<vmem>>
      %dma_wait3A_341 = arith.constant 0 : i32
      %dma_wait3A_342 = arith.constant 0 : i32
      %dma_wait3A_343 = tpu.memref_slice %arg11[%dma_wait3A_341, %dma_wait3A_342] : memref<10112x128xbf16, #tpu.memory_space<vmem_shared>> -> memref<10112x128xbf16, #tpu.memory_space<vmem_shared>>
      tpu.wait_indirect_dma semaphore(%arg16 : memref<!tpu.dma_semaphore, #tpu.memory_space<semaphore_mem>>) src(%dma_wait3A_337 : memref<128x128xbf16, #tpu.memory_space<vmem>>) dst(%dma_wait3A_343 : memref<10112x128xbf16, #tpu.memory_space<vmem_shared>>)
      %dma_start3A_344 = arith.constant 0 : i32
      %dma_start3A_345 = arith.constant 4 : i32
      %dma_start3A_346 = arith.constant 0 : i32
      %dma_start3A_347 = arith.constant 0 : i32
      %dma_start3A_348 = arith.constant 0 : i32
      %dma_start3A_349 = tpu.memref_slice %arg9[%dma_start3A_346, %dma_start3A_347, %dma_start3A_348] : memref<4x128x128xbf16, #tpu.memory_space<vmem>> -> memref<1x128x128xbf16, #tpu.memory_space<vmem>>
      %dma_start3A_350 = tpu.memref_squeeze %dma_start3A_349 : memref<1x128x128xbf16, #tpu.memory_space<vmem>> -> memref<128x128xbf16, #tpu.memory_space<vmem>>
      %dma_start3A_351 = arith.constant 0 : i32
      %dma_start3A_352 = tpu.memref_slice %arg7[%dma_start3A_344, %dma_start3A_345, %dma_start3A_351] : memref<2x8x128xi32, #tpu.memory_space<vmem>> -> memref<1x1x128xi32, #tpu.memory_space<vmem>>
      %dma_start3A_353 = tpu.memref_squeeze %dma_start3A_352 : memref<1x1x128xi32, #tpu.memory_space<vmem>> -> memref<128xi32, #tpu.memory_space<vmem>>
      %dma_start3A_354 = arith.constant 0 : i32
      %dma_start3A_355 = arith.constant 0 : i32
      %dma_start3A_356 = tpu.memref_slice %arg10[%dma_start3A_354, %dma_start3A_355] : memref<10112x128xbf16, #tpu.memory_space<vmem_shared>> -> memref<10112x128xbf16, #tpu.memory_space<vmem_shared>>
      tpu.enqueue_indirect_dma source(%dma_start3A_356 : memref<10112x128xbf16, #tpu.memory_space<vmem_shared>>) target(%dma_start3A_350 : memref<128x128xbf16, #tpu.memory_space<vmem>>) offsets(%dma_start3A_353 : memref<128xi32, #tpu.memory_space<vmem>>) semaphore(%arg12 : memref<!tpu.dma_semaphore, #tpu.memory_space<semaphore_mem>>)
      %dma_wait3A_357 = arith.constant 0 : i32
      %dma_wait3A_358 = arith.constant 0 : i32
      %dma_wait3A_359 = arith.constant 2 : i32
      %dma_wait3A_360 = arith.constant 0 : i32
      %dma_wait3A_361 = arith.constant 0 : i32
      %dma_wait3A_362 = tpu.memref_slice %arg9[%dma_wait3A_359, %dma_wait3A_360, %dma_wait3A_361] : memref<4x128x128xbf16, #tpu.memory_space<vmem>> -> memref<1x128x128xbf16, #tpu.memory_space<vmem>>
      %dma_wait3A_363 = tpu.memref_squeeze %dma_wait3A_362 : memref<1x128x128xbf16, #tpu.memory_space<vmem>> -> memref<128x128xbf16, #tpu.memory_space<vmem>>
      %dma_wait3A_364 = arith.constant 0 : i32
      %dma_wait3A_365 = tpu.memref_slice %arg7[%dma_wait3A_357, %dma_wait3A_358, %dma_wait3A_364] : memref<2x8x128xi32, #tpu.memory_space<vmem>> -> memref<1x1x128xi32, #tpu.memory_space<vmem>>
      %dma_wait3A_366 = tpu.memref_squeeze %dma_wait3A_365 : memref<1x1x128xi32, #tpu.memory_space<vmem>> -> memref<128xi32, #tpu.memory_space<vmem>>
      %dma_wait3A_367 = arith.constant 0 : i32
      %dma_wait3A_368 = arith.constant 0 : i32
      %dma_wait3A_369 = tpu.memref_slice %arg10[%dma_wait3A_367, %dma_wait3A_368] : memref<10112x128xbf16, #tpu.memory_space<vmem_shared>> -> memref<10112x128xbf16, #tpu.memory_space<vmem_shared>>
      tpu.wait_indirect_dma semaphore(%arg14 : memref<!tpu.dma_semaphore, #tpu.memory_space<semaphore_mem>>) src(%dma_wait3A_369 : memref<10112x128xbf16, #tpu.memory_space<vmem_shared>>) dst(%dma_wait3A_363 : memref<128x128xbf16, #tpu.memory_space<vmem>>)
      %dma_start3A_370 = arith.constant 2 : i32
      %dma_start3A_371 = arith.constant 0 : i32
      %dma_start3A_372 = arith.constant 2 : i32
      %dma_start3A_373 = arith.constant 0 : i32
      %dma_start3A_374 = arith.constant 0 : i32
      %dma_start3A_375 = tpu.memref_slice %arg9[%dma_start3A_370, %dma_start3A_373, %dma_start3A_374] : memref<4x128x128xbf16, #tpu.memory_space<vmem>> -> memref<1x128x128xbf16, #tpu.memory_space<vmem>>
      %dma_start3A_376 = tpu.memref_squeeze %dma_start3A_375 : memref<1x128x128xbf16, #tpu.memory_space<vmem>> -> memref<128x128xbf16, #tpu.memory_space<vmem>>
      %dma_start3A_377 = arith.constant 0 : i32
      %dma_start3A_378 = tpu.memref_slice %arg8[%dma_start3A_371, %dma_start3A_372, %dma_start3A_377] : memref<2x8x128xi32, #tpu.memory_space<vmem>> -> memref<1x1x128xi32, #tpu.memory_space<vmem>>
      %dma_start3A_379 = tpu.memref_squeeze %dma_start3A_378 : memref<1x1x128xi32, #tpu.memory_space<vmem>> -> memref<128xi32, #tpu.memory_space<vmem>>
      %dma_start3A_380 = arith.constant 0 : i32
      %dma_start3A_381 = arith.constant 0 : i32
      %dma_start3A_382 = tpu.memref_slice %arg11[%dma_start3A_380, %dma_start3A_381] : memref<10112x128xbf16, #tpu.memory_space<vmem_shared>> -> memref<10112x128xbf16, #tpu.memory_space<vmem_shared>>
      tpu.enqueue_indirect_dma source(%dma_start3A_376 : memref<128x128xbf16, #tpu.memory_space<vmem>>) target(%dma_start3A_382 : memref<10112x128xbf16, #tpu.memory_space<vmem_shared>>) offsets(%dma_start3A_379 : memref<128xi32, #tpu.memory_space<vmem>>) semaphore(%arg18 : memref<!tpu.dma_semaphore, #tpu.memory_space<semaphore_mem>>) {add = true}
      %dma_wait3A_383 = arith.constant 1 : i32
      %dma_wait3A_384 = arith.constant 0 : i32
      %dma_wait3A_385 = arith.constant 0 : i32
      %dma_wait3A_386 = arith.constant 0 : i32
      %dma_wait3A_387 = arith.constant 0 : i32
      %dma_wait3A_388 = tpu.memref_slice %arg9[%dma_wait3A_383, %dma_wait3A_386, %dma_wait3A_387] : memref<4x128x128xbf16, #tpu.memory_space<vmem>> -> memref<1x128x128xbf16, #tpu.memory_space<vmem>>
      %dma_wait3A_389 = tpu.memref_squeeze %dma_wait3A_388 : memref<1x128x128xbf16, #tpu.memory_space<vmem>> -> memref<128x128xbf16, #tpu.memory_space<vmem>>
      %dma_wait3A_390 = arith.constant 0 : i32
      %dma_wait3A_391 = tpu.memref_slice %arg8[%dma_wait3A_384, %dma_wait3A_385, %dma_wait3A_390] : memref<2x8x128xi32, #tpu.memory_space<vmem>> -> memref<1x1x128xi32, #tpu.memory_space<vmem>>
      %dma_wait3A_392 = tpu.memref_squeeze %dma_wait3A_391 : memref<1x1x128xi32, #tpu.memory_space<vmem>> -> memref<128xi32, #tpu.memory_space<vmem>>
      %dma_wait3A_393 = arith.constant 0 : i32
      %dma_wait3A_394 = arith.constant 0 : i32
      %dma_wait3A_395 = tpu.memref_slice %arg11[%dma_wait3A_393, %dma_wait3A_394] : memref<10112x128xbf16, #tpu.memory_space<vmem_shared>> -> memref<10112x128xbf16, #tpu.memory_space<vmem_shared>>
      tpu.wait_indirect_dma semaphore(%arg17 : memref<!tpu.dma_semaphore, #tpu.memory_space<semaphore_mem>>) src(%dma_wait3A_389 : memref<128x128xbf16, #tpu.memory_space<vmem>>) dst(%dma_wait3A_395 : memref<10112x128xbf16, #tpu.memory_space<vmem_shared>>)
      %dma_start3A_396 = arith.constant 0 : i32
      %dma_start3A_397 = arith.constant 5 : i32
      %dma_start3A_398 = arith.constant 1 : i32
      %dma_start3A_399 = arith.constant 0 : i32
      %dma_start3A_400 = arith.constant 0 : i32
      %dma_start3A_401 = tpu.memref_slice %arg9[%dma_start3A_398, %dma_start3A_399, %dma_start3A_400] : memref<4x128x128xbf16, #tpu.memory_space<vmem>> -> memref<1x128x128xbf16, #tpu.memory_space<vmem>>
      %dma_start3A_402 = tpu.memref_squeeze %dma_start3A_401 : memref<1x128x128xbf16, #tpu.memory_space<vmem>> -> memref<128x128xbf16, #tpu.memory_space<vmem>>
      %dma_start3A_403 = arith.constant 0 : i32
      %dma_start3A_404 = tpu.memref_slice %arg7[%dma_start3A_396, %dma_start3A_397, %dma_start3A_403] : memref<2x8x128xi32, #tpu.memory_space<vmem>> -> memref<1x1x128xi32, #tpu.memory_space<vmem>>
      %dma_start3A_405 = tpu.memref_squeeze %dma_start3A_404 : memref<1x1x128xi32, #tpu.memory_space<vmem>> -> memref<128xi32, #tpu.memory_space<vmem>>
      %dma_start3A_406 = arith.constant 0 : i32
      %dma_start3A_407 = arith.constant 0 : i32
      %dma_start3A_408 = tpu.memref_slice %arg10[%dma_start3A_406, %dma_start3A_407] : memref<10112x128xbf16, #tpu.memory_space<vmem_shared>> -> memref<10112x128xbf16, #tpu.memory_space<vmem_shared>>
      tpu.enqueue_indirect_dma source(%dma_start3A_408 : memref<10112x128xbf16, #tpu.memory_space<vmem_shared>>) target(%dma_start3A_402 : memref<128x128xbf16, #tpu.memory_space<vmem>>) offsets(%dma_start3A_405 : memref<128xi32, #tpu.memory_space<vmem>>) semaphore(%arg13 : memref<!tpu.dma_semaphore, #tpu.memory_space<semaphore_mem>>)
      %dma_wait3A_409 = arith.constant 0 : i32
      %dma_wait3A_410 = arith.constant 0 : i32
      %dma_wait3A_411 = arith.constant 3 : i32
      %dma_wait3A_412 = arith.constant 0 : i32
      %dma_wait3A_413 = arith.constant 0 : i32
      %dma_wait3A_414 = tpu.memref_slice %arg9[%dma_wait3A_411, %dma_wait3A_412, %dma_wait3A_413] : memref<4x128x128xbf16, #tpu.memory_space<vmem>> -> memref<1x128x128xbf16, #tpu.memory_space<vmem>>
      %dma_wait3A_415 = tpu.memref_squeeze %dma_wait3A_414 : memref<1x128x128xbf16, #tpu.memory_space<vmem>> -> memref<128x128xbf16, #tpu.memory_space<vmem>>
      %dma_wait3A_416 = arith.constant 0 : i32
      %dma_wait3A_417 = tpu.memref_slice %arg7[%dma_wait3A_409, %dma_wait3A_410, %dma_wait3A_416] : memref<2x8x128xi32, #tpu.memory_space<vmem>> -> memref<1x1x128xi32, #tpu.memory_space<vmem>>
      %dma_wait3A_418 = tpu.memref_squeeze %dma_wait3A_417 : memref<1x1x128xi32, #tpu.memory_space<vmem>> -> memref<128xi32, #tpu.memory_space<vmem>>
      %dma_wait3A_419 = arith.constant 0 : i32
      %dma_wait3A_420 = arith.constant 0 : i32
      %dma_wait3A_421 = tpu.memref_slice %arg10[%dma_wait3A_419, %dma_wait3A_420] : memref<10112x128xbf16, #tpu.memory_space<vmem_shared>> -> memref<10112x128xbf16, #tpu.memory_space<vmem_shared>>
      tpu.wait_indirect_dma semaphore(%arg15 : memref<!tpu.dma_semaphore, #tpu.memory_space<semaphore_mem>>) src(%dma_wait3A_421 : memref<10112x128xbf16, #tpu.memory_space<vmem_shared>>) dst(%dma_wait3A_415 : memref<128x128xbf16, #tpu.memory_space<vmem>>)
      %dma_start3A_422 = arith.constant 3 : i32
      %dma_start3A_423 = arith.constant 0 : i32
      %dma_start3A_424 = arith.constant 3 : i32
      %dma_start3A_425 = arith.constant 0 : i32
      %dma_start3A_426 = arith.constant 0 : i32
      %dma_start3A_427 = tpu.memref_slice %arg9[%dma_start3A_422, %dma_start3A_425, %dma_start3A_426] : memref<4x128x128xbf16, #tpu.memory_space<vmem>> -> memref<1x128x128xbf16, #tpu.memory_space<vmem>>
      %dma_start3A_428 = tpu.memref_squeeze %dma_start3A_427 : memref<1x128x128xbf16, #tpu.memory_space<vmem>> -> memref<128x128xbf16, #tpu.memory_space<vmem>>
      %dma_start3A_429 = arith.constant 0 : i32
      %dma_start3A_430 = tpu.memref_slice %arg8[%dma_start3A_423, %dma_start3A_424, %dma_start3A_429] : memref<2x8x128xi32, #tpu.memory_space<vmem>> -> memref<1x1x128xi32, #tpu.memory_space<vmem>>
      %dma_start3A_431 = tpu.memref_squeeze %dma_start3A_430 : memref<1x1x128xi32, #tpu.memory_space<vmem>> -> memref<128xi32, #tpu.memory_space<vmem>>
      %dma_start3A_432 = arith.constant 0 : i32
      %dma_start3A_433 = arith.constant 0 : i32
      %dma_start3A_434 = tpu.memref_slice %arg11[%dma_start3A_432, %dma_start3A_433] : memref<10112x128xbf16, #tpu.memory_space<vmem_shared>> -> memref<10112x128xbf16, #tpu.memory_space<vmem_shared>>
      tpu.enqueue_indirect_dma source(%dma_start3A_428 : memref<128x128xbf16, #tpu.memory_space<vmem>>) target(%dma_start3A_434 : memref<10112x128xbf16, #tpu.memory_space<vmem_shared>>) offsets(%dma_start3A_431 : memref<128xi32, #tpu.memory_space<vmem>>) semaphore(%arg19 : memref<!tpu.dma_semaphore, #tpu.memory_space<semaphore_mem>>) {add = true}
      %dma_wait3A_435 = arith.constant 2 : i32
      %dma_wait3A_436 = arith.constant 0 : i32
      %dma_wait3A_437 = arith.constant 0 : i32
      %dma_wait3A_438 = arith.constant 0 : i32
      %dma_wait3A_439 = arith.constant 0 : i32
      %dma_wait3A_440 = tpu.memref_slice %arg9[%dma_wait3A_435, %dma_wait3A_438, %dma_wait3A_439] : memref<4x128x128xbf16, #tpu.memory_space<vmem>> -> memref<1x128x128xbf16, #tpu.memory_space<vmem>>
      %dma_wait3A_441 = tpu.memref_squeeze %dma_wait3A_440 : memref<1x128x128xbf16, #tpu.memory_space<vmem>> -> memref<128x128xbf16, #tpu.memory_space<vmem>>
      %dma_wait3A_442 = arith.constant 0 : i32
      %dma_wait3A_443 = tpu.memref_slice %arg8[%dma_wait3A_436, %dma_wait3A_437, %dma_wait3A_442] : memref<2x8x128xi32, #tpu.memory_space<vmem>> -> memref<1x1x128xi32, #tpu.memory_space<vmem>>
      %dma_wait3A_444 = tpu.memref_squeeze %dma_wait3A_443 : memref<1x1x128xi32, #tpu.memory_space<vmem>> -> memref<128xi32, #tpu.memory_space<vmem>>
      %dma_wait3A_445 = arith.constant 0 : i32
      %dma_wait3A_446 = arith.constant 0 : i32
      %dma_wait3A_447 = tpu.memref_slice %arg11[%dma_wait3A_445, %dma_wait3A_446] : memref<10112x128xbf16, #tpu.memory_space<vmem_shared>> -> memref<10112x128xbf16, #tpu.memory_space<vmem_shared>>
      tpu.wait_indirect_dma semaphore(%arg18 : memref<!tpu.dma_semaphore, #tpu.memory_space<semaphore_mem>>) src(%dma_wait3A_441 : memref<128x128xbf16, #tpu.memory_space<vmem>>) dst(%dma_wait3A_447 : memref<10112x128xbf16, #tpu.memory_space<vmem_shared>>)
      %dma_start3A_448 = arith.constant 0 : i32
      %dma_start3A_449 = arith.constant 6 : i32
      %dma_start3A_450 = arith.constant 2 : i32
      %dma_start3A_451 = arith.constant 0 : i32
      %dma_start3A_452 = arith.constant 0 : i32
      %dma_start3A_453 = tpu.memref_slice %arg9[%dma_start3A_450, %dma_start3A_451, %dma_start3A_452] : memref<4x128x128xbf16, #tpu.memory_space<vmem>> -> memref<1x128x128xbf16, #tpu.memory_space<vmem>>
      %dma_start3A_454 = tpu.memref_squeeze %dma_start3A_453 : memref<1x128x128xbf16, #tpu.memory_space<vmem>> -> memref<128x128xbf16, #tpu.memory_space<vmem>>
      %dma_start3A_455 = arith.constant 0 : i32
      %dma_start3A_456 = tpu.memref_slice %arg7[%dma_start3A_448, %dma_start3A_449, %dma_start3A_455] : memref<2x8x128xi32, #tpu.memory_space<vmem>> -> memref<1x1x128xi32, #tpu.memory_space<vmem>>
      %dma_start3A_457 = tpu.memref_squeeze %dma_start3A_456 : memref<1x1x128xi32, #tpu.memory_space<vmem>> -> memref<128xi32, #tpu.memory_space<vmem>>
      %dma_start3A_458 = arith.constant 0 : i32
      %dma_start3A_459 = arith.constant 0 : i32
      %dma_start3A_460 = tpu.memref_slice %arg10[%dma_start3A_458, %dma_start3A_459] : memref<10112x128xbf16, #tpu.memory_space<vmem_shared>> -> memref<10112x128xbf16, #tpu.memory_space<vmem_shared>>
      tpu.enqueue_indirect_dma source(%dma_start3A_460 : memref<10112x128xbf16, #tpu.memory_space<vmem_shared>>) target(%dma_start3A_454 : memref<128x128xbf16, #tpu.memory_space<vmem>>) offsets(%dma_start3A_457 : memref<128xi32, #tpu.memory_space<vmem>>) semaphore(%arg14 : memref<!tpu.dma_semaphore, #tpu.memory_space<semaphore_mem>>)
      %dma_wait3A_461 = arith.constant 0 : i32
      %dma_wait3A_462 = arith.constant 0 : i32
      %dma_wait3A_463 = arith.constant 0 : i32
      %dma_wait3A_464 = arith.constant 0 : i32
      %dma_wait3A_465 = arith.constant 0 : i32
      %dma_wait3A_466 = tpu.memref_slice %arg9[%dma_wait3A_463, %dma_wait3A_464, %dma_wait3A_465] : memref<4x128x128xbf16, #tpu.memory_space<vmem>> -> memref<1x128x128xbf16, #tpu.memory_space<vmem>>
      %dma_wait3A_467 = tpu.memref_squeeze %dma_wait3A_466 : memref<1x128x128xbf16, #tpu.memory_space<vmem>> -> memref<128x128xbf16, #tpu.memory_space<vmem>>
      %dma_wait3A_468 = arith.constant 0 : i32
      %dma_wait3A_469 = tpu.memref_slice %arg7[%dma_wait3A_461, %dma_wait3A_462, %dma_wait3A_468] : memref<2x8x128xi32, #tpu.memory_space<vmem>> -> memref<1x1x128xi32, #tpu.memory_space<vmem>>
      %dma_wait3A_470 = tpu.memref_squeeze %dma_wait3A_469 : memref<1x1x128xi32, #tpu.memory_space<vmem>> -> memref<128xi32, #tpu.memory_space<vmem>>
      %dma_wait3A_471 = arith.constant 0 : i32
      %dma_wait3A_472 = arith.constant 0 : i32
      %dma_wait3A_473 = tpu.memref_slice %arg10[%dma_wait3A_471, %dma_wait3A_472] : memref<10112x128xbf16, #tpu.memory_space<vmem_shared>> -> memref<10112x128xbf16, #tpu.memory_space<vmem_shared>>
      tpu.wait_indirect_dma semaphore(%arg12 : memref<!tpu.dma_semaphore, #tpu.memory_space<semaphore_mem>>) src(%dma_wait3A_473 : memref<10112x128xbf16, #tpu.memory_space<vmem_shared>>) dst(%dma_wait3A_467 : memref<128x128xbf16, #tpu.memory_space<vmem>>)
      %dma_start3A_474 = arith.constant 0 : i32
      %dma_start3A_475 = arith.constant 0 : i32
      %dma_start3A_476 = arith.constant 4 : i32
      %dma_start3A_477 = arith.constant 0 : i32
      %dma_start3A_478 = arith.constant 0 : i32
      %dma_start3A_479 = tpu.memref_slice %arg9[%dma_start3A_474, %dma_start3A_477, %dma_start3A_478] : memref<4x128x128xbf16, #tpu.memory_space<vmem>> -> memref<1x128x128xbf16, #tpu.memory_space<vmem>>
      %dma_start3A_480 = tpu.memref_squeeze %dma_start3A_479 : memref<1x128x128xbf16, #tpu.memory_space<vmem>> -> memref<128x128xbf16, #tpu.memory_space<vmem>>
      %dma_start3A_481 = arith.constant 0 : i32
      %dma_start3A_482 = tpu.memref_slice %arg8[%dma_start3A_475, %dma_start3A_476, %dma_start3A_481] : memref<2x8x128xi32, #tpu.memory_space<vmem>> -> memref<1x1x128xi32, #tpu.memory_space<vmem>>
      %dma_start3A_483 = tpu.memref_squeeze %dma_start3A_482 : memref<1x1x128xi32, #tpu.memory_space<vmem>> -> memref<128xi32, #tpu.memory_space<vmem>>
      %dma_start3A_484 = arith.constant 0 : i32
      %dma_start3A_485 = arith.constant 0 : i32
      %dma_start3A_486 = tpu.memref_slice %arg11[%dma_start3A_484, %dma_start3A_485] : memref<10112x128xbf16, #tpu.memory_space<vmem_shared>> -> memref<10112x128xbf16, #tpu.memory_space<vmem_shared>>
      tpu.enqueue_indirect_dma source(%dma_start3A_480 : memref<128x128xbf16, #tpu.memory_space<vmem>>) target(%dma_start3A_486 : memref<10112x128xbf16, #tpu.memory_space<vmem_shared>>) offsets(%dma_start3A_483 : memref<128xi32, #tpu.memory_space<vmem>>) semaphore(%arg16 : memref<!tpu.dma_semaphore, #tpu.memory_space<semaphore_mem>>) {add = true}
      %dma_wait3A_487 = arith.constant 3 : i32
      %dma_wait3A_488 = arith.constant 0 : i32
      %dma_wait3A_489 = arith.constant 0 : i32
      %dma_wait3A_490 = arith.constant 0 : i32
      %dma_wait3A_491 = arith.constant 0 : i32
      %dma_wait3A_492 = tpu.memref_slice %arg9[%dma_wait3A_487, %dma_wait3A_490, %dma_wait3A_491] : memref<4x128x128xbf16, #tpu.memory_space<vmem>> -> memref<1x128x128xbf16, #tpu.memory_space<vmem>>
      %dma_wait3A_493 = tpu.memref_squeeze %dma_wait3A_492 : memref<1x128x128xbf16, #tpu.memory_space<vmem>> -> memref<128x128xbf16, #tpu.memory_space<vmem>>
      %dma_wait3A_494 = arith.constant 0 : i32
      %dma_wait3A_495 = tpu.memref_slice %arg8[%dma_wait3A_488, %dma_wait3A_489, %dma_wait3A_494] : memref<2x8x128xi32, #tpu.memory_space<vmem>> -> memref<1x1x128xi32, #tpu.memory_space<vmem>>
      %dma_wait3A_496 = tpu.memref_squeeze %dma_wait3A_495 : memref<1x1x128xi32, #tpu.memory_space<vmem>> -> memref<128xi32, #tpu.memory_space<vmem>>
      %dma_wait3A_497 = arith.constant 0 : i32
      %dma_wait3A_498 = arith.constant 0 : i32
      %dma_wait3A_499 = tpu.memref_slice %arg11[%dma_wait3A_497, %dma_wait3A_498] : memref<10112x128xbf16, #tpu.memory_space<vmem_shared>> -> memref<10112x128xbf16, #tpu.memory_space<vmem_shared>>
      tpu.wait_indirect_dma semaphore(%arg19 : memref<!tpu.dma_semaphore, #tpu.memory_space<semaphore_mem>>) src(%dma_wait3A_493 : memref<128x128xbf16, #tpu.memory_space<vmem>>) dst(%dma_wait3A_499 : memref<10112x128xbf16, #tpu.memory_space<vmem_shared>>)
      %dma_start3A_500 = arith.constant 0 : i32
      %dma_start3A_501 = arith.constant 7 : i32
      %dma_start3A_502 = arith.constant 3 : i32
      %dma_start3A_503 = arith.constant 0 : i32
      %dma_start3A_504 = arith.constant 0 : i32
      %dma_start3A_505 = tpu.memref_slice %arg9[%dma_start3A_502, %dma_start3A_503, %dma_start3A_504] : memref<4x128x128xbf16, #tpu.memory_space<vmem>> -> memref<1x128x128xbf16, #tpu.memory_space<vmem>>
      %dma_start3A_506 = tpu.memref_squeeze %dma_start3A_505 : memref<1x128x128xbf16, #tpu.memory_space<vmem>> -> memref<128x128xbf16, #tpu.memory_space<vmem>>
      %dma_start3A_507 = arith.constant 0 : i32
      %dma_start3A_508 = tpu.memref_slice %arg7[%dma_start3A_500, %dma_start3A_501, %dma_start3A_507] : memref<2x8x128xi32, #tpu.memory_space<vmem>> -> memref<1x1x128xi32, #tpu.memory_space<vmem>>
      %dma_start3A_509 = tpu.memref_squeeze %dma_start3A_508 : memref<1x1x128xi32, #tpu.memory_space<vmem>> -> memref<128xi32, #tpu.memory_space<vmem>>
      %dma_start3A_510 = arith.constant 0 : i32
      %dma_start3A_511 = arith.constant 0 : i32
      %dma_start3A_512 = tpu.memref_slice %arg10[%dma_start3A_510, %dma_start3A_511] : memref<10112x128xbf16, #tpu.memory_space<vmem_shared>> -> memref<10112x128xbf16, #tpu.memory_space<vmem_shared>>
      tpu.enqueue_indirect_dma source(%dma_start3A_512 : memref<10112x128xbf16, #tpu.memory_space<vmem_shared>>) target(%dma_start3A_506 : memref<128x128xbf16, #tpu.memory_space<vmem>>) offsets(%dma_start3A_509 : memref<128xi32, #tpu.memory_space<vmem>>) semaphore(%arg15 : memref<!tpu.dma_semaphore, #tpu.memory_space<semaphore_mem>>)
      %dma_wait3A_513 = arith.constant 0 : i32
      %dma_wait3A_514 = arith.constant 0 : i32
      %dma_wait3A_515 = arith.constant 1 : i32
      %dma_wait3A_516 = arith.constant 0 : i32
      %dma_wait3A_517 = arith.constant 0 : i32
      %dma_wait3A_518 = tpu.memref_slice %arg9[%dma_wait3A_515, %dma_wait3A_516, %dma_wait3A_517] : memref<4x128x128xbf16, #tpu.memory_space<vmem>> -> memref<1x128x128xbf16, #tpu.memory_space<vmem>>
      %dma_wait3A_519 = tpu.memref_squeeze %dma_wait3A_518 : memref<1x128x128xbf16, #tpu.memory_space<vmem>> -> memref<128x128xbf16, #tpu.memory_space<vmem>>
      %dma_wait3A_520 = arith.constant 0 : i32
      %dma_wait3A_521 = tpu.memref_slice %arg7[%dma_wait3A_513, %dma_wait3A_514, %dma_wait3A_520] : memref<2x8x128xi32, #tpu.memory_space<vmem>> -> memref<1x1x128xi32, #tpu.memory_space<vmem>>
      %dma_wait3A_522 = tpu.memref_squeeze %dma_wait3A_521 : memref<1x1x128xi32, #tpu.memory_space<vmem>> -> memref<128xi32, #tpu.memory_space<vmem>>
      %dma_wait3A_523 = arith.constant 0 : i32
      %dma_wait3A_524 = arith.constant 0 : i32
      %dma_wait3A_525 = tpu.memref_slice %arg10[%dma_wait3A_523, %dma_wait3A_524] : memref<10112x128xbf16, #tpu.memory_space<vmem_shared>> -> memref<10112x128xbf16, #tpu.memory_space<vmem_shared>>
      tpu.wait_indirect_dma semaphore(%arg13 : memref<!tpu.dma_semaphore, #tpu.memory_space<semaphore_mem>>) src(%dma_wait3A_525 : memref<10112x128xbf16, #tpu.memory_space<vmem_shared>>) dst(%dma_wait3A_519 : memref<128x128xbf16, #tpu.memory_space<vmem>>)
      %dma_start3A_526 = arith.constant 1 : i32
      %dma_start3A_527 = arith.constant 0 : i32
      %dma_start3A_528 = arith.constant 5 : i32
      %dma_start3A_529 = arith.constant 0 : i32
      %dma_start3A_530 = arith.constant 0 : i32
      %dma_start3A_531 = tpu.memref_slice %arg9[%dma_start3A_526, %dma_start3A_529, %dma_start3A_530] : memref<4x128x128xbf16, #tpu.memory_space<vmem>> -> memref<1x128x128xbf16, #tpu.memory_space<vmem>>
      %dma_start3A_532 = tpu.memref_squeeze %dma_start3A_531 : memref<1x128x128xbf16, #tpu.memory_space<vmem>> -> memref<128x128xbf16, #tpu.memory_space<vmem>>
      %dma_start3A_533 = arith.constant 0 : i32
      %dma_start3A_534 = tpu.memref_slice %arg8[%dma_start3A_527, %dma_start3A_528, %dma_start3A_533] : memref<2x8x128xi32, #tpu.memory_space<vmem>> -> memref<1x1x128xi32, #tpu.memory_space<vmem>>
      %dma_start3A_535 = tpu.memref_squeeze %dma_start3A_534 : memref<1x1x128xi32, #tpu.memory_space<vmem>> -> memref<128xi32, #tpu.memory_space<vmem>>
      %dma_start3A_536 = arith.constant 0 : i32
      %dma_start3A_537 = arith.constant 0 : i32
      %dma_start3A_538 = tpu.memref_slice %arg11[%dma_start3A_536, %dma_start3A_537] : memref<10112x128xbf16, #tpu.memory_space<vmem_shared>> -> memref<10112x128xbf16, #tpu.memory_space<vmem_shared>>
      tpu.enqueue_indirect_dma source(%dma_start3A_532 : memref<128x128xbf16, #tpu.memory_space<vmem>>) target(%dma_start3A_538 : memref<10112x128xbf16, #tpu.memory_space<vmem_shared>>) offsets(%dma_start3A_535 : memref<128xi32, #tpu.memory_space<vmem>>) semaphore(%arg17 : memref<!tpu.dma_semaphore, #tpu.memory_space<semaphore_mem>>) {add = true}
      %mul3A_539 = arith.constant 2 : i32
      %mul3A_540 = arith.muli %scan3A_157, %mul3A_539 : i32
      %add3A_541 = arith.constant 1 : i32
      %add3A_542 = arith.addi %mul3A_540, %add3A_541 : i32
      %dma_wait3A_543 = arith.constant 1 : i32
      %dma_wait3A_544 = arith.constant 0 : i32
      %dma_wait3A_545 = arith.constant 0 : i32
      %dma_wait3A_546 = tpu.memref_slice %arg7[%dma_wait3A_543, %dma_wait3A_544, %dma_wait3A_545] : memref<2x8x128xi32, #tpu.memory_space<vmem>> -> memref<1x8x128xi32, #tpu.memory_space<vmem>>
      %dma_wait3A_547 = tpu.memref_squeeze %dma_wait3A_546 : memref<1x8x128xi32, #tpu.memory_space<vmem>> -> memref<8x128xi32, #tpu.memory_space<vmem>>
      %dma_wait3A_548 = arith.constant 0 : i32
      %dma_wait3A_549 = arith.constant 0 : i32
      %dma_wait3A_550 = tpu.memref_slice %arg3[%arg1, %add3A_542, %dma_wait3A_548, %dma_wait3A_549] : memref<16x10x8x128xi32, #tpu.memory_space<hbm>> -> memref<1x1x8x128xi32, #tpu.memory_space<hbm>>
      %dma_wait3A_551 = tpu.memref_squeeze %dma_wait3A_550 : memref<1x1x8x128xi32, #tpu.memory_space<hbm>> -> memref<8x128xi32, #tpu.memory_space<hbm>>
      %dma_wait3A_552 = arith.constant 0 : i32
      %dma_wait3A_553 = arith.constant 0 : i32
      %dma_wait3A_554 = tpu.memref_slice %arg7[%dma_wait3A_543, %dma_wait3A_552, %dma_wait3A_553] : memref<2x8x128xi32, #tpu.memory_space<vmem>> -> memref<1x8x128xi32, #tpu.memory_space<vmem>>
      %dma_wait3A_555 = tpu.memref_squeeze %dma_wait3A_554 : memref<1x8x128xi32, #tpu.memory_space<vmem>> -> memref<8x128xi32, #tpu.memory_space<vmem>>
      %dma_wait3A_556 = arith.constant 0 : i32
      %dma_wait3A_557 = arith.constant 0 : i32
      %dma_wait3A_558 = tpu.memref_slice %arg3[%arg1, %add3A_542, %dma_wait3A_556, %dma_wait3A_557] : memref<16x10x8x128xi32, #tpu.memory_space<hbm>> -> memref<1x1x8x128xi32, #tpu.memory_space<hbm>>
      %dma_wait3A_559 = tpu.memref_squeeze %dma_wait3A_558 : memref<1x1x8x128xi32, #tpu.memory_space<hbm>> -> memref<8x128xi32, #tpu.memory_space<hbm>>
      tpu.wait_dma2 semaphore(%arg21 : memref<!tpu.dma_semaphore, #tpu.memory_space<semaphore_mem>>) src(%dma_wait3A_559 : memref<8x128xi32, #tpu.memory_space<hbm>>) dst(%dma_wait3A_555 : memref<8x128xi32, #tpu.memory_space<vmem>>)
      %dma_wait3A_560 = arith.constant 1 : i32
      %dma_wait3A_561 = arith.constant 0 : i32
      %dma_wait3A_562 = arith.constant 0 : i32
      %dma_wait3A_563 = tpu.memref_slice %arg8[%dma_wait3A_560, %dma_wait3A_561, %dma_wait3A_562] : memref<2x8x128xi32, #tpu.memory_space<vmem>> -> memref<1x8x128xi32, #tpu.memory_space<vmem>>
      %dma_wait3A_564 = tpu.memref_squeeze %dma_wait3A_563 : memref<1x8x128xi32, #tpu.memory_space<vmem>> -> memref<8x128xi32, #tpu.memory_space<vmem>>
      %dma_wait3A_565 = arith.constant 0 : i32
      %dma_wait3A_566 = arith.constant 0 : i32
      %dma_wait3A_567 = tpu.memref_slice %arg4[%arg1, %add3A_542, %dma_wait3A_565, %dma_wait3A_566] : memref<16x10x8x128xi32, #tpu.memory_space<hbm>> -> memref<1x1x8x128xi32, #tpu.memory_space<hbm>>
      %dma_wait3A_568 = tpu.memref_squeeze %dma_wait3A_567 : memref<1x1x8x128xi32, #tpu.memory_space<hbm>> -> memref<8x128xi32, #tpu.memory_space<hbm>>
      %dma_wait3A_569 = arith.constant 0 : i32
      %dma_wait3A_570 = arith.constant 0 : i32
      %dma_wait3A_571 = tpu.memref_slice %arg8[%dma_wait3A_560, %dma_wait3A_569, %dma_wait3A_570] : memref<2x8x128xi32, #tpu.memory_space<vmem>> -> memref<1x8x128xi32, #tpu.memory_space<vmem>>
      %dma_wait3A_572 = tpu.memref_squeeze %dma_wait3A_571 : memref<1x8x128xi32, #tpu.memory_space<vmem>> -> memref<8x128xi32, #tpu.memory_space<vmem>>
      %dma_wait3A_573 = arith.constant 0 : i32
      %dma_wait3A_574 = arith.constant 0 : i32
      %dma_wait3A_575 = tpu.memref_slice %arg4[%arg1, %add3A_542, %dma_wait3A_573, %dma_wait3A_574] : memref<16x10x8x128xi32, #tpu.memory_space<hbm>> -> memref<1x1x8x128xi32, #tpu.memory_space<hbm>>
      %dma_wait3A_576 = tpu.memref_squeeze %dma_wait3A_575 : memref<1x1x8x128xi32, #tpu.memory_space<hbm>> -> memref<8x128xi32, #tpu.memory_space<hbm>>
      tpu.wait_dma2 semaphore(%arg21 : memref<!tpu.dma_semaphore, #tpu.memory_space<semaphore_mem>>) src(%dma_wait3A_576 : memref<8x128xi32, #tpu.memory_space<hbm>>) dst(%dma_wait3A_572 : memref<8x128xi32, #tpu.memory_space<vmem>>)
      %ge3A_577 = arith.constant 1 : i32
      %ge3A_578 = arith.cmpi sge, %add3A_542, %ge3A_577 : i32
      %convert_element_type3A_579 = arith.extui %ge3A_578 : i1 to i32
      %cond3A_580 = arith.constant 0 : i32
      %cond3A_581 = arith.cmpi ne, %convert_element_type3A_579, %cond3A_580 : i32
      scf.if %cond3A_581 {
        %dma_wait3A_924 = arith.constant 0 : i32
        %dma_wait3A_925 = arith.constant 1 : i32
        %dma_wait3A_926 = arith.constant 0 : i32
        %dma_wait3A_927 = arith.constant 0 : i32
        %dma_wait3A_928 = arith.constant 0 : i32
        %dma_wait3A_929 = tpu.memref_slice %arg9[%dma_wait3A_924, %dma_wait3A_927, %dma_wait3A_928] : memref<4x128x128xbf16, #tpu.memory_space<vmem>> -> memref<1x128x128xbf16, #tpu.memory_space<vmem>>
        %dma_wait3A_930 = tpu.memref_squeeze %dma_wait3A_929 : memref<1x128x128xbf16, #tpu.memory_space<vmem>> -> memref<128x128xbf16, #tpu.memory_space<vmem>>
        %dma_wait3A_931 = arith.constant 0 : i32
        %dma_wait3A_932 = tpu.memref_slice %arg8[%dma_wait3A_925, %dma_wait3A_926, %dma_wait3A_931] : memref<2x8x128xi32, #tpu.memory_space<vmem>> -> memref<1x1x128xi32, #tpu.memory_space<vmem>>
        %dma_wait3A_933 = tpu.memref_squeeze %dma_wait3A_932 : memref<1x1x128xi32, #tpu.memory_space<vmem>> -> memref<128xi32, #tpu.memory_space<vmem>>
        %dma_wait3A_934 = arith.constant 0 : i32
        %dma_wait3A_935 = arith.constant 0 : i32
        %dma_wait3A_936 = tpu.memref_slice %arg11[%dma_wait3A_934, %dma_wait3A_935] : memref<10112x128xbf16, #tpu.memory_space<vmem_shared>> -> memref<10112x128xbf16, #tpu.memory_space<vmem_shared>>
        tpu.wait_indirect_dma semaphore(%arg16 : memref<!tpu.dma_semaphore, #tpu.memory_space<semaphore_mem>>) src(%dma_wait3A_930 : memref<128x128xbf16, #tpu.memory_space<vmem>>) dst(%dma_wait3A_936 : memref<10112x128xbf16, #tpu.memory_space<vmem_shared>>)
      } else {
      }
      %dma_start3A_582 = arith.constant 1 : i32
      %dma_start3A_583 = arith.constant 0 : i32
      %dma_start3A_584 = arith.constant 0 : i32
      %dma_start3A_585 = arith.constant 0 : i32
      %dma_start3A_586 = arith.constant 0 : i32
      %dma_start3A_587 = tpu.memref_slice %arg9[%dma_start3A_584, %dma_start3A_585, %dma_start3A_586] : memref<4x128x128xbf16, #tpu.memory_space<vmem>> -> memref<1x128x128xbf16, #tpu.memory_space<vmem>>
      %dma_start3A_588 = tpu.memref_squeeze %dma_start3A_587 : memref<1x128x128xbf16, #tpu.memory_space<vmem>> -> memref<128x128xbf16, #tpu.memory_space<vmem>>
      %dma_start3A_589 = arith.constant 0 : i32
      %dma_start3A_590 = tpu.memref_slice %arg7[%dma_start3A_582, %dma_start3A_583, %dma_start3A_589] : memref<2x8x128xi32, #tpu.memory_space<vmem>> -> memref<1x1x128xi32, #tpu.memory_space<vmem>>
      %dma_start3A_591 = tpu.memref_squeeze %dma_start3A_590 : memref<1x1x128xi32, #tpu.memory_space<vmem>> -> memref<128xi32, #tpu.memory_space<vmem>>
      %dma_start3A_592 = arith.constant 0 : i32
      %dma_start3A_593 = arith.constant 0 : i32
      %dma_start3A_594 = tpu.memref_slice %arg10[%dma_start3A_592, %dma_start3A_593] : memref<10112x128xbf16, #tpu.memory_space<vmem_shared>> -> memref<10112x128xbf16, #tpu.memory_space<vmem_shared>>
      tpu.enqueue_indirect_dma source(%dma_start3A_594 : memref<10112x128xbf16, #tpu.memory_space<vmem_shared>>) target(%dma_start3A_588 : memref<128x128xbf16, #tpu.memory_space<vmem>>) offsets(%dma_start3A_591 : memref<128xi32, #tpu.memory_space<vmem>>) semaphore(%arg12 : memref<!tpu.dma_semaphore, #tpu.memory_space<semaphore_mem>>)
      %ge3A_595 = arith.constant 1 : i32
      %ge3A_596 = arith.cmpi sge, %add3A_542, %ge3A_595 : i32
      %convert_element_type3A_597 = arith.extui %ge3A_596 : i1 to i32
      %cond3A_598 = arith.constant 0 : i32
      %cond3A_599 = arith.cmpi ne, %convert_element_type3A_597, %cond3A_598 : i32
      scf.if %cond3A_599 {
        %dma_wait3A_924 = arith.constant 1 : i32
        %dma_wait3A_925 = arith.constant 0 : i32
        %dma_wait3A_926 = arith.constant 2 : i32
        %dma_wait3A_927 = arith.constant 0 : i32
        %dma_wait3A_928 = arith.constant 0 : i32
        %dma_wait3A_929 = tpu.memref_slice %arg9[%dma_wait3A_926, %dma_wait3A_927, %dma_wait3A_928] : memref<4x128x128xbf16, #tpu.memory_space<vmem>> -> memref<1x128x128xbf16, #tpu.memory_space<vmem>>
        %dma_wait3A_930 = tpu.memref_squeeze %dma_wait3A_929 : memref<1x128x128xbf16, #tpu.memory_space<vmem>> -> memref<128x128xbf16, #tpu.memory_space<vmem>>
        %dma_wait3A_931 = arith.constant 0 : i32
        %dma_wait3A_932 = tpu.memref_slice %arg7[%dma_wait3A_924, %dma_wait3A_925, %dma_wait3A_931] : memref<2x8x128xi32, #tpu.memory_space<vmem>> -> memref<1x1x128xi32, #tpu.memory_space<vmem>>
        %dma_wait3A_933 = tpu.memref_squeeze %dma_wait3A_932 : memref<1x1x128xi32, #tpu.memory_space<vmem>> -> memref<128xi32, #tpu.memory_space<vmem>>
        %dma_wait3A_934 = arith.constant 0 : i32
        %dma_wait3A_935 = arith.constant 0 : i32
        %dma_wait3A_936 = tpu.memref_slice %arg10[%dma_wait3A_934, %dma_wait3A_935] : memref<10112x128xbf16, #tpu.memory_space<vmem_shared>> -> memref<10112x128xbf16, #tpu.memory_space<vmem_shared>>
        tpu.wait_indirect_dma semaphore(%arg14 : memref<!tpu.dma_semaphore, #tpu.memory_space<semaphore_mem>>) src(%dma_wait3A_936 : memref<10112x128xbf16, #tpu.memory_space<vmem_shared>>) dst(%dma_wait3A_930 : memref<128x128xbf16, #tpu.memory_space<vmem>>)
        %dma_start3A_937 = arith.constant 2 : i32
        %dma_start3A_938 = arith.constant 0 : i32
        %dma_start3A_939 = arith.constant 6 : i32
        %dma_start3A_940 = arith.constant 0 : i32
        %dma_start3A_941 = arith.constant 0 : i32
        %dma_start3A_942 = tpu.memref_slice %arg9[%dma_start3A_937, %dma_start3A_940, %dma_start3A_941] : memref<4x128x128xbf16, #tpu.memory_space<vmem>> -> memref<1x128x128xbf16, #tpu.memory_space<vmem>>
        %dma_start3A_943 = tpu.memref_squeeze %dma_start3A_942 : memref<1x128x128xbf16, #tpu.memory_space<vmem>> -> memref<128x128xbf16, #tpu.memory_space<vmem>>
        %dma_start3A_944 = arith.constant 0 : i32
        %dma_start3A_945 = tpu.memref_slice %arg8[%dma_start3A_938, %dma_start3A_939, %dma_start3A_944] : memref<2x8x128xi32, #tpu.memory_space<vmem>> -> memref<1x1x128xi32, #tpu.memory_space<vmem>>
        %dma_start3A_946 = tpu.memref_squeeze %dma_start3A_945 : memref<1x1x128xi32, #tpu.memory_space<vmem>> -> memref<128xi32, #tpu.memory_space<vmem>>
        %dma_start3A_947 = arith.constant 0 : i32
        %dma_start3A_948 = arith.constant 0 : i32
        %dma_start3A_949 = tpu.memref_slice %arg11[%dma_start3A_947, %dma_start3A_948] : memref<10112x128xbf16, #tpu.memory_space<vmem_shared>> -> memref<10112x128xbf16, #tpu.memory_space<vmem_shared>>
        tpu.enqueue_indirect_dma source(%dma_start3A_943 : memref<128x128xbf16, #tpu.memory_space<vmem>>) target(%dma_start3A_949 : memref<10112x128xbf16, #tpu.memory_space<vmem_shared>>) offsets(%dma_start3A_946 : memref<128xi32, #tpu.memory_space<vmem>>) semaphore(%arg18 : memref<!tpu.dma_semaphore, #tpu.memory_space<semaphore_mem>>) {add = true}
      } else {
      }
      %ge3A_600 = arith.constant 1 : i32
      %ge3A_601 = arith.cmpi sge, %add3A_542, %ge3A_600 : i32
      %convert_element_type3A_602 = arith.extui %ge3A_601 : i1 to i32
      %cond3A_603 = arith.constant 0 : i32
      %cond3A_604 = arith.cmpi ne, %convert_element_type3A_602, %cond3A_603 : i32
      scf.if %cond3A_604 {
        %dma_wait3A_924 = arith.constant 1 : i32
        %dma_wait3A_925 = arith.constant 1 : i32
        %dma_wait3A_926 = arith.constant 0 : i32
        %dma_wait3A_927 = arith.constant 0 : i32
        %dma_wait3A_928 = arith.constant 0 : i32
        %dma_wait3A_929 = tpu.memref_slice %arg9[%dma_wait3A_924, %dma_wait3A_927, %dma_wait3A_928] : memref<4x128x128xbf16, #tpu.memory_space<vmem>> -> memref<1x128x128xbf16, #tpu.memory_space<vmem>>
        %dma_wait3A_930 = tpu.memref_squeeze %dma_wait3A_929 : memref<1x128x128xbf16, #tpu.memory_space<vmem>> -> memref<128x128xbf16, #tpu.memory_space<vmem>>
        %dma_wait3A_931 = arith.constant 0 : i32
        %dma_wait3A_932 = tpu.memref_slice %arg8[%dma_wait3A_925, %dma_wait3A_926, %dma_wait3A_931] : memref<2x8x128xi32, #tpu.memory_space<vmem>> -> memref<1x1x128xi32, #tpu.memory_space<vmem>>
        %dma_wait3A_933 = tpu.memref_squeeze %dma_wait3A_932 : memref<1x1x128xi32, #tpu.memory_space<vmem>> -> memref<128xi32, #tpu.memory_space<vmem>>
        %dma_wait3A_934 = arith.constant 0 : i32
        %dma_wait3A_935 = arith.constant 0 : i32
        %dma_wait3A_936 = tpu.memref_slice %arg11[%dma_wait3A_934, %dma_wait3A_935] : memref<10112x128xbf16, #tpu.memory_space<vmem_shared>> -> memref<10112x128xbf16, #tpu.memory_space<vmem_shared>>
        tpu.wait_indirect_dma semaphore(%arg17 : memref<!tpu.dma_semaphore, #tpu.memory_space<semaphore_mem>>) src(%dma_wait3A_930 : memref<128x128xbf16, #tpu.memory_space<vmem>>) dst(%dma_wait3A_936 : memref<10112x128xbf16, #tpu.memory_space<vmem_shared>>)
      } else {
      }
      %dma_start3A_605 = arith.constant 1 : i32
      %dma_start3A_606 = arith.constant 1 : i32
      %dma_start3A_607 = arith.constant 1 : i32
      %dma_start3A_608 = arith.constant 0 : i32
      %dma_start3A_609 = arith.constant 0 : i32
      %dma_start3A_610 = tpu.memref_slice %arg9[%dma_start3A_607, %dma_start3A_608, %dma_start3A_609] : memref<4x128x128xbf16, #tpu.memory_space<vmem>> -> memref<1x128x128xbf16, #tpu.memory_space<vmem>>
      %dma_start3A_611 = tpu.memref_squeeze %dma_start3A_610 : memref<1x128x128xbf16, #tpu.memory_space<vmem>> -> memref<128x128xbf16, #tpu.memory_space<vmem>>
      %dma_start3A_612 = arith.constant 0 : i32
      %dma_start3A_613 = tpu.memref_slice %arg7[%dma_start3A_605, %dma_start3A_606, %dma_start3A_612] : memref<2x8x128xi32, #tpu.memory_space<vmem>> -> memref<1x1x128xi32, #tpu.memory_space<vmem>>
      %dma_start3A_614 = tpu.memref_squeeze %dma_start3A_613 : memref<1x1x128xi32, #tpu.memory_space<vmem>> -> memref<128xi32, #tpu.memory_space<vmem>>
      %dma_start3A_615 = arith.constant 0 : i32
      %dma_start3A_616 = arith.constant 0 : i32
      %dma_start3A_617 = tpu.memref_slice %arg10[%dma_start3A_615, %dma_start3A_616] : memref<10112x128xbf16, #tpu.memory_space<vmem_shared>> -> memref<10112x128xbf16, #tpu.memory_space<vmem_shared>>
      tpu.enqueue_indirect_dma source(%dma_start3A_617 : memref<10112x128xbf16, #tpu.memory_space<vmem_shared>>) target(%dma_start3A_611 : memref<128x128xbf16, #tpu.memory_space<vmem>>) offsets(%dma_start3A_614 : memref<128xi32, #tpu.memory_space<vmem>>) semaphore(%arg13 : memref<!tpu.dma_semaphore, #tpu.memory_space<semaphore_mem>>)
      %ge3A_618 = arith.constant 1 : i32
      %ge3A_619 = arith.cmpi sge, %add3A_542, %ge3A_618 : i32
      %convert_element_type3A_620 = arith.extui %ge3A_619 : i1 to i32
      %cond3A_621 = arith.constant 0 : i32
      %cond3A_622 = arith.cmpi ne, %convert_element_type3A_620, %cond3A_621 : i32
      scf.if %cond3A_622 {
        %dma_wait3A_924 = arith.constant 1 : i32
        %dma_wait3A_925 = arith.constant 0 : i32
        %dma_wait3A_926 = arith.constant 3 : i32
        %dma_wait3A_927 = arith.constant 0 : i32
        %dma_wait3A_928 = arith.constant 0 : i32
        %dma_wait3A_929 = tpu.memref_slice %arg9[%dma_wait3A_926, %dma_wait3A_927, %dma_wait3A_928] : memref<4x128x128xbf16, #tpu.memory_space<vmem>> -> memref<1x128x128xbf16, #tpu.memory_space<vmem>>
        %dma_wait3A_930 = tpu.memref_squeeze %dma_wait3A_929 : memref<1x128x128xbf16, #tpu.memory_space<vmem>> -> memref<128x128xbf16, #tpu.memory_space<vmem>>
        %dma_wait3A_931 = arith.constant 0 : i32
        %dma_wait3A_932 = tpu.memref_slice %arg7[%dma_wait3A_924, %dma_wait3A_925, %dma_wait3A_931] : memref<2x8x128xi32, #tpu.memory_space<vmem>> -> memref<1x1x128xi32, #tpu.memory_space<vmem>>
        %dma_wait3A_933 = tpu.memref_squeeze %dma_wait3A_932 : memref<1x1x128xi32, #tpu.memory_space<vmem>> -> memref<128xi32, #tpu.memory_space<vmem>>
        %dma_wait3A_934 = arith.constant 0 : i32
        %dma_wait3A_935 = arith.constant 0 : i32
        %dma_wait3A_936 = tpu.memref_slice %arg10[%dma_wait3A_934, %dma_wait3A_935] : memref<10112x128xbf16, #tpu.memory_space<vmem_shared>> -> memref<10112x128xbf16, #tpu.memory_space<vmem_shared>>
        tpu.wait_indirect_dma semaphore(%arg15 : memref<!tpu.dma_semaphore, #tpu.memory_space<semaphore_mem>>) src(%dma_wait3A_936 : memref<10112x128xbf16, #tpu.memory_space<vmem_shared>>) dst(%dma_wait3A_930 : memref<128x128xbf16, #tpu.memory_space<vmem>>)
        %dma_start3A_937 = arith.constant 3 : i32
        %dma_start3A_938 = arith.constant 0 : i32
        %dma_start3A_939 = arith.constant 7 : i32
        %dma_start3A_940 = arith.constant 0 : i32
        %dma_start3A_941 = arith.constant 0 : i32
        %dma_start3A_942 = tpu.memref_slice %arg9[%dma_start3A_937, %dma_start3A_940, %dma_start3A_941] : memref<4x128x128xbf16, #tpu.memory_space<vmem>> -> memref<1x128x128xbf16, #tpu.memory_space<vmem>>
        %dma_start3A_943 = tpu.memref_squeeze %dma_start3A_942 : memref<1x128x128xbf16, #tpu.memory_space<vmem>> -> memref<128x128xbf16, #tpu.memory_space<vmem>>
        %dma_start3A_944 = arith.constant 0 : i32
        %dma_start3A_945 = tpu.memref_slice %arg8[%dma_start3A_938, %dma_start3A_939, %dma_start3A_944] : memref<2x8x128xi32, #tpu.memory_space<vmem>> -> memref<1x1x128xi32, #tpu.memory_space<vmem>>
        %dma_start3A_946 = tpu.memref_squeeze %dma_start3A_945 : memref<1x1x128xi32, #tpu.memory_space<vmem>> -> memref<128xi32, #tpu.memory_space<vmem>>
        %dma_start3A_947 = arith.constant 0 : i32
        %dma_start3A_948 = arith.constant 0 : i32
        %dma_start3A_949 = tpu.memref_slice %arg11[%dma_start3A_947, %dma_start3A_948] : memref<10112x128xbf16, #tpu.memory_space<vmem_shared>> -> memref<10112x128xbf16, #tpu.memory_space<vmem_shared>>
        tpu.enqueue_indirect_dma source(%dma_start3A_943 : memref<128x128xbf16, #tpu.memory_space<vmem>>) target(%dma_start3A_949 : memref<10112x128xbf16, #tpu.memory_space<vmem_shared>>) offsets(%dma_start3A_946 : memref<128xi32, #tpu.memory_space<vmem>>) semaphore(%arg19 : memref<!tpu.dma_semaphore, #tpu.memory_space<semaphore_mem>>) {add = true}
      } else {
      }
      %ge3A_623 = arith.constant 1 : i32
      %ge3A_624 = arith.cmpi sge, %add3A_542, %ge3A_623 : i32
      %convert_element_type3A_625 = arith.extui %ge3A_624 : i1 to i32
      %cond3A_626 = arith.constant 0 : i32
      %cond3A_627 = arith.cmpi ne, %convert_element_type3A_625, %cond3A_626 : i32
      scf.if %cond3A_627 {
        %dma_wait3A_924 = arith.constant 2 : i32
        %dma_wait3A_925 = arith.constant 1 : i32
        %dma_wait3A_926 = arith.constant 0 : i32
        %dma_wait3A_927 = arith.constant 0 : i32
        %dma_wait3A_928 = arith.constant 0 : i32
        %dma_wait3A_929 = tpu.memref_slice %arg9[%dma_wait3A_924, %dma_wait3A_927, %dma_wait3A_928] : memref<4x128x128xbf16, #tpu.memory_space<vmem>> -> memref<1x128x128xbf16, #tpu.memory_space<vmem>>
        %dma_wait3A_930 = tpu.memref_squeeze %dma_wait3A_929 : memref<1x128x128xbf16, #tpu.memory_space<vmem>> -> memref<128x128xbf16, #tpu.memory_space<vmem>>
        %dma_wait3A_931 = arith.constant 0 : i32
        %dma_wait3A_932 = tpu.memref_slice %arg8[%dma_wait3A_925, %dma_wait3A_926, %dma_wait3A_931] : memref<2x8x128xi32, #tpu.memory_space<vmem>> -> memref<1x1x128xi32, #tpu.memory_space<vmem>>
        %dma_wait3A_933 = tpu.memref_squeeze %dma_wait3A_932 : memref<1x1x128xi32, #tpu.memory_space<vmem>> -> memref<128xi32, #tpu.memory_space<vmem>>
        %dma_wait3A_934 = arith.constant 0 : i32
        %dma_wait3A_935 = arith.constant 0 : i32
        %dma_wait3A_936 = tpu.memref_slice %arg11[%dma_wait3A_934, %dma_wait3A_935] : memref<10112x128xbf16, #tpu.memory_space<vmem_shared>> -> memref<10112x128xbf16, #tpu.memory_space<vmem_shared>>
        tpu.wait_indirect_dma semaphore(%arg18 : memref<!tpu.dma_semaphore, #tpu.memory_space<semaphore_mem>>) src(%dma_wait3A_930 : memref<128x128xbf16, #tpu.memory_space<vmem>>) dst(%dma_wait3A_936 : memref<10112x128xbf16, #tpu.memory_space<vmem_shared>>)
      } else {
      }
      %dma_start3A_628 = arith.constant 1 : i32
      %dma_start3A_629 = arith.constant 2 : i32
      %dma_start3A_630 = arith.constant 2 : i32
      %dma_start3A_631 = arith.constant 0 : i32
      %dma_start3A_632 = arith.constant 0 : i32
      %dma_start3A_633 = tpu.memref_slice %arg9[%dma_start3A_630, %dma_start3A_631, %dma_start3A_632] : memref<4x128x128xbf16, #tpu.memory_space<vmem>> -> memref<1x128x128xbf16, #tpu.memory_space<vmem>>
      %dma_start3A_634 = tpu.memref_squeeze %dma_start3A_633 : memref<1x128x128xbf16, #tpu.memory_space<vmem>> -> memref<128x128xbf16, #tpu.memory_space<vmem>>
      %dma_start3A_635 = arith.constant 0 : i32
      %dma_start3A_636 = tpu.memref_slice %arg7[%dma_start3A_628, %dma_start3A_629, %dma_start3A_635] : memref<2x8x128xi32, #tpu.memory_space<vmem>> -> memref<1x1x128xi32, #tpu.memory_space<vmem>>
      %dma_start3A_637 = tpu.memref_squeeze %dma_start3A_636 : memref<1x1x128xi32, #tpu.memory_space<vmem>> -> memref<128xi32, #tpu.memory_space<vmem>>
      %dma_start3A_638 = arith.constant 0 : i32
      %dma_start3A_639 = arith.constant 0 : i32
      %dma_start3A_640 = tpu.memref_slice %arg10[%dma_start3A_638, %dma_start3A_639] : memref<10112x128xbf16, #tpu.memory_space<vmem_shared>> -> memref<10112x128xbf16, #tpu.memory_space<vmem_shared>>
      tpu.enqueue_indirect_dma source(%dma_start3A_640 : memref<10112x128xbf16, #tpu.memory_space<vmem_shared>>) target(%dma_start3A_634 : memref<128x128xbf16, #tpu.memory_space<vmem>>) offsets(%dma_start3A_637 : memref<128xi32, #tpu.memory_space<vmem>>) semaphore(%arg14 : memref<!tpu.dma_semaphore, #tpu.memory_space<semaphore_mem>>)
      %dma_wait3A_641 = arith.constant 1 : i32
      %dma_wait3A_642 = arith.constant 0 : i32
      %dma_wait3A_643 = arith.constant 0 : i32
      %dma_wait3A_644 = arith.constant 0 : i32
      %dma_wait3A_645 = arith.constant 0 : i32
      %dma_wait3A_646 = tpu.memref_slice %arg9[%dma_wait3A_643, %dma_wait3A_644, %dma_wait3A_645] : memref<4x128x128xbf16, #tpu.memory_space<vmem>> -> memref<1x128x128xbf16, #tpu.memory_space<vmem>>
      %dma_wait3A_647 = tpu.memref_squeeze %dma_wait3A_646 : memref<1x128x128xbf16, #tpu.memory_space<vmem>> -> memref<128x128xbf16, #tpu.memory_space<vmem>>
      %dma_wait3A_648 = arith.constant 0 : i32
      %dma_wait3A_649 = tpu.memref_slice %arg7[%dma_wait3A_641, %dma_wait3A_642, %dma_wait3A_648] : memref<2x8x128xi32, #tpu.memory_space<vmem>> -> memref<1x1x128xi32, #tpu.memory_space<vmem>>
      %dma_wait3A_650 = tpu.memref_squeeze %dma_wait3A_649 : memref<1x1x128xi32, #tpu.memory_space<vmem>> -> memref<128xi32, #tpu.memory_space<vmem>>
      %dma_wait3A_651 = arith.constant 0 : i32
      %dma_wait3A_652 = arith.constant 0 : i32
      %dma_wait3A_653 = tpu.memref_slice %arg10[%dma_wait3A_651, %dma_wait3A_652] : memref<10112x128xbf16, #tpu.memory_space<vmem_shared>> -> memref<10112x128xbf16, #tpu.memory_space<vmem_shared>>
      tpu.wait_indirect_dma semaphore(%arg12 : memref<!tpu.dma_semaphore, #tpu.memory_space<semaphore_mem>>) src(%dma_wait3A_653 : memref<10112x128xbf16, #tpu.memory_space<vmem_shared>>) dst(%dma_wait3A_647 : memref<128x128xbf16, #tpu.memory_space<vmem>>)
      %dma_start3A_654 = arith.constant 0 : i32
      %dma_start3A_655 = arith.constant 1 : i32
      %dma_start3A_656 = arith.constant 0 : i32
      %dma_start3A_657 = arith.constant 0 : i32
      %dma_start3A_658 = arith.constant 0 : i32
      %dma_start3A_659 = tpu.memref_slice %arg9[%dma_start3A_654, %dma_start3A_657, %dma_start3A_658] : memref<4x128x128xbf16, #tpu.memory_space<vmem>> -> memref<1x128x128xbf16, #tpu.memory_space<vmem>>
      %dma_start3A_660 = tpu.memref_squeeze %dma_start3A_659 : memref<1x128x128xbf16, #tpu.memory_space<vmem>> -> memref<128x128xbf16, #tpu.memory_space<vmem>>
      %dma_start3A_661 = arith.constant 0 : i32
      %dma_start3A_662 = tpu.memref_slice %arg8[%dma_start3A_655, %dma_start3A_656, %dma_start3A_661] : memref<2x8x128xi32, #tpu.memory_space<vmem>> -> memref<1x1x128xi32, #tpu.memory_space<vmem>>
      %dma_start3A_663 = tpu.memref_squeeze %dma_start3A_662 : memref<1x1x128xi32, #tpu.memory_space<vmem>> -> memref<128xi32, #tpu.memory_space<vmem>>
      %dma_start3A_664 = arith.constant 0 : i32
      %dma_start3A_665 = arith.constant 0 : i32
      %dma_start3A_666 = tpu.memref_slice %arg11[%dma_start3A_664, %dma_start3A_665] : memref<10112x128xbf16, #tpu.memory_space<vmem_shared>> -> memref<10112x128xbf16, #tpu.memory_space<vmem_shared>>
      tpu.enqueue_indirect_dma source(%dma_start3A_660 : memref<128x128xbf16, #tpu.memory_space<vmem>>) target(%dma_start3A_666 : memref<10112x128xbf16, #tpu.memory_space<vmem_shared>>) offsets(%dma_start3A_663 : memref<128xi32, #tpu.memory_space<vmem>>) semaphore(%arg16 : memref<!tpu.dma_semaphore, #tpu.memory_space<semaphore_mem>>) {add = true}
      %ge3A_667 = arith.constant 1 : i32
      %ge3A_668 = arith.cmpi sge, %add3A_542, %ge3A_667 : i32
      %convert_element_type3A_669 = arith.extui %ge3A_668 : i1 to i32
      %cond3A_670 = arith.constant 0 : i32
      %cond3A_671 = arith.cmpi ne, %convert_element_type3A_669, %cond3A_670 : i32
      scf.if %cond3A_671 {
        %dma_wait3A_924 = arith.constant 3 : i32
        %dma_wait3A_925 = arith.constant 1 : i32
        %dma_wait3A_926 = arith.constant 0 : i32
        %dma_wait3A_927 = arith.constant 0 : i32
        %dma_wait3A_928 = arith.constant 0 : i32
        %dma_wait3A_929 = tpu.memref_slice %arg9[%dma_wait3A_924, %dma_wait3A_927, %dma_wait3A_928] : memref<4x128x128xbf16, #tpu.memory_space<vmem>> -> memref<1x128x128xbf16, #tpu.memory_space<vmem>>
        %dma_wait3A_930 = tpu.memref_squeeze %dma_wait3A_929 : memref<1x128x128xbf16, #tpu.memory_space<vmem>> -> memref<128x128xbf16, #tpu.memory_space<vmem>>
        %dma_wait3A_931 = arith.constant 0 : i32
        %dma_wait3A_932 = tpu.memref_slice %arg8[%dma_wait3A_925, %dma_wait3A_926, %dma_wait3A_931] : memref<2x8x128xi32, #tpu.memory_space<vmem>> -> memref<1x1x128xi32, #tpu.memory_space<vmem>>
        %dma_wait3A_933 = tpu.memref_squeeze %dma_wait3A_932 : memref<1x1x128xi32, #tpu.memory_space<vmem>> -> memref<128xi32, #tpu.memory_space<vmem>>
        %dma_wait3A_934 = arith.constant 0 : i32
        %dma_wait3A_935 = arith.constant 0 : i32
        %dma_wait3A_936 = tpu.memref_slice %arg11[%dma_wait3A_934, %dma_wait3A_935] : memref<10112x128xbf16, #tpu.memory_space<vmem_shared>> -> memref<10112x128xbf16, #tpu.memory_space<vmem_shared>>
        tpu.wait_indirect_dma semaphore(%arg19 : memref<!tpu.dma_semaphore, #tpu.memory_space<semaphore_mem>>) src(%dma_wait3A_930 : memref<128x128xbf16, #tpu.memory_space<vmem>>) dst(%dma_wait3A_936 : memref<10112x128xbf16, #tpu.memory_space<vmem_shared>>)
      } else {
      }
      %dma_start3A_672 = arith.constant 1 : i32
      %dma_start3A_673 = arith.constant 3 : i32
      %dma_start3A_674 = arith.constant 3 : i32
      %dma_start3A_675 = arith.constant 0 : i32
      %dma_start3A_676 = arith.constant 0 : i32
      %dma_start3A_677 = tpu.memref_slice %arg9[%dma_start3A_674, %dma_start3A_675, %dma_start3A_676] : memref<4x128x128xbf16, #tpu.memory_space<vmem>> -> memref<1x128x128xbf16, #tpu.memory_space<vmem>>
      %dma_start3A_678 = tpu.memref_squeeze %dma_start3A_677 : memref<1x128x128xbf16, #tpu.memory_space<vmem>> -> memref<128x128xbf16, #tpu.memory_space<vmem>>
      %dma_start3A_679 = arith.constant 0 : i32
      %dma_start3A_680 = tpu.memref_slice %arg7[%dma_start3A_672, %dma_start3A_673, %dma_start3A_679] : memref<2x8x128xi32, #tpu.memory_space<vmem>> -> memref<1x1x128xi32, #tpu.memory_space<vmem>>
      %dma_start3A_681 = tpu.memref_squeeze %dma_start3A_680 : memref<1x1x128xi32, #tpu.memory_space<vmem>> -> memref<128xi32, #tpu.memory_space<vmem>>
      %dma_start3A_682 = arith.constant 0 : i32
      %dma_start3A_683 = arith.constant 0 : i32
      %dma_start3A_684 = tpu.memref_slice %arg10[%dma_start3A_682, %dma_start3A_683] : memref<10112x128xbf16, #tpu.memory_space<vmem_shared>> -> memref<10112x128xbf16, #tpu.memory_space<vmem_shared>>
      tpu.enqueue_indirect_dma source(%dma_start3A_684 : memref<10112x128xbf16, #tpu.memory_space<vmem_shared>>) target(%dma_start3A_678 : memref<128x128xbf16, #tpu.memory_space<vmem>>) offsets(%dma_start3A_681 : memref<128xi32, #tpu.memory_space<vmem>>) semaphore(%arg15 : memref<!tpu.dma_semaphore, #tpu.memory_space<semaphore_mem>>)
      %dma_wait3A_685 = arith.constant 1 : i32
      %dma_wait3A_686 = arith.constant 0 : i32
      %dma_wait3A_687 = arith.constant 1 : i32
      %dma_wait3A_688 = arith.constant 0 : i32
      %dma_wait3A_689 = arith.constant 0 : i32
      %dma_wait3A_690 = tpu.memref_slice %arg9[%dma_wait3A_687, %dma_wait3A_688, %dma_wait3A_689] : memref<4x128x128xbf16, #tpu.memory_space<vmem>> -> memref<1x128x128xbf16, #tpu.memory_space<vmem>>
      %dma_wait3A_691 = tpu.memref_squeeze %dma_wait3A_690 : memref<1x128x128xbf16, #tpu.memory_space<vmem>> -> memref<128x128xbf16, #tpu.memory_space<vmem>>
      %dma_wait3A_692 = arith.constant 0 : i32
      %dma_wait3A_693 = tpu.memref_slice %arg7[%dma_wait3A_685, %dma_wait3A_686, %dma_wait3A_692] : memref<2x8x128xi32, #tpu.memory_space<vmem>> -> memref<1x1x128xi32, #tpu.memory_space<vmem>>
      %dma_wait3A_694 = tpu.memref_squeeze %dma_wait3A_693 : memref<1x1x128xi32, #tpu.memory_space<vmem>> -> memref<128xi32, #tpu.memory_space<vmem>>
      %dma_wait3A_695 = arith.constant 0 : i32
      %dma_wait3A_696 = arith.constant 0 : i32
      %dma_wait3A_697 = tpu.memref_slice %arg10[%dma_wait3A_695, %dma_wait3A_696] : memref<10112x128xbf16, #tpu.memory_space<vmem_shared>> -> memref<10112x128xbf16, #tpu.memory_space<vmem_shared>>
      tpu.wait_indirect_dma semaphore(%arg13 : memref<!tpu.dma_semaphore, #tpu.memory_space<semaphore_mem>>) src(%dma_wait3A_697 : memref<10112x128xbf16, #tpu.memory_space<vmem_shared>>) dst(%dma_wait3A_691 : memref<128x128xbf16, #tpu.memory_space<vmem>>)
      %dma_start3A_698 = arith.constant 1 : i32
      %dma_start3A_699 = arith.constant 1 : i32
      %dma_start3A_700 = arith.constant 1 : i32
      %dma_start3A_701 = arith.constant 0 : i32
      %dma_start3A_702 = arith.constant 0 : i32
      %dma_start3A_703 = tpu.memref_slice %arg9[%dma_start3A_698, %dma_start3A_701, %dma_start3A_702] : memref<4x128x128xbf16, #tpu.memory_space<vmem>> -> memref<1x128x128xbf16, #tpu.memory_space<vmem>>
      %dma_start3A_704 = tpu.memref_squeeze %dma_start3A_703 : memref<1x128x128xbf16, #tpu.memory_space<vmem>> -> memref<128x128xbf16, #tpu.memory_space<vmem>>
      %dma_start3A_705 = arith.constant 0 : i32
      %dma_start3A_706 = tpu.memref_slice %arg8[%dma_start3A_699, %dma_start3A_700, %dma_start3A_705] : memref<2x8x128xi32, #tpu.memory_space<vmem>> -> memref<1x1x128xi32, #tpu.memory_space<vmem>>
      %dma_start3A_707 = tpu.memref_squeeze %dma_start3A_706 : memref<1x1x128xi32, #tpu.memory_space<vmem>> -> memref<128xi32, #tpu.memory_space<vmem>>
      %dma_start3A_708 = arith.constant 0 : i32
      %dma_start3A_709 = arith.constant 0 : i32
      %dma_start3A_710 = tpu.memref_slice %arg11[%dma_start3A_708, %dma_start3A_709] : memref<10112x128xbf16, #tpu.memory_space<vmem_shared>> -> memref<10112x128xbf16, #tpu.memory_space<vmem_shared>>
      tpu.enqueue_indirect_dma source(%dma_start3A_704 : memref<128x128xbf16, #tpu.memory_space<vmem>>) target(%dma_start3A_710 : memref<10112x128xbf16, #tpu.memory_space<vmem_shared>>) offsets(%dma_start3A_707 : memref<128xi32, #tpu.memory_space<vmem>>) semaphore(%arg17 : memref<!tpu.dma_semaphore, #tpu.memory_space<semaphore_mem>>) {add = true}
      %lt3A_711 = arith.constant 9 : i32
      %lt3A_712 = arith.cmpi slt, %add3A_542, %lt3A_711 : i32
      %convert_element_type3A_713 = arith.extui %lt3A_712 : i1 to i32
      %cond3A_714 = arith.constant 0 : i32
      %cond3A_715 = arith.cmpi ne, %convert_element_type3A_713, %cond3A_714 : i32
      scf.if %cond3A_715 {
        %add3A_924 = arith.constant 1 : i32
        %add3A_925 = arith.addi %add3A_542, %add3A_924 : i32
        %dma_start3A_926 = arith.constant 0 : i32
        %dma_start3A_927 = arith.constant 0 : i32
        %dma_start3A_928 = arith.constant 0 : i32
        %dma_start3A_929 = tpu.memref_slice %arg7[%dma_start3A_926, %dma_start3A_927, %dma_start3A_928] : memref<2x8x128xi32, #tpu.memory_space<vmem>> -> memref<1x8x128xi32, #tpu.memory_space<vmem>>
        %dma_start3A_930 = tpu.memref_squeeze %dma_start3A_929 : memref<1x8x128xi32, #tpu.memory_space<vmem>> -> memref<8x128xi32, #tpu.memory_space<vmem>>
        %dma_start3A_931 = arith.constant 0 : i32
        %dma_start3A_932 = arith.constant 0 : i32
        %dma_start3A_933 = tpu.memref_slice %arg3[%arg1, %add3A_925, %dma_start3A_931, %dma_start3A_932] : memref<16x10x8x128xi32, #tpu.memory_space<hbm>> -> memref<1x1x8x128xi32, #tpu.memory_space<hbm>>
        %dma_start3A_934 = tpu.memref_squeeze %dma_start3A_933 : memref<1x1x8x128xi32, #tpu.memory_space<hbm>> -> memref<8x128xi32, #tpu.memory_space<hbm>>
        %dma_start3A_935 = arith.constant 0 : i32
        %dma_start3A_936 = arith.constant 0 : i32
        %dma_start3A_937 = tpu.memref_slice %arg7[%dma_start3A_926, %dma_start3A_935, %dma_start3A_936] : memref<2x8x128xi32, #tpu.memory_space<vmem>> -> memref<1x8x128xi32, #tpu.memory_space<vmem>>
        %dma_start3A_938 = tpu.memref_squeeze %dma_start3A_937 : memref<1x8x128xi32, #tpu.memory_space<vmem>> -> memref<8x128xi32, #tpu.memory_space<vmem>>
        %dma_start3A_939 = arith.constant 0 : i32
        %dma_start3A_940 = arith.constant 0 : i32
        %dma_start3A_941 = tpu.memref_slice %arg3[%arg1, %add3A_925, %dma_start3A_939, %dma_start3A_940] : memref<16x10x8x128xi32, #tpu.memory_space<hbm>> -> memref<1x1x8x128xi32, #tpu.memory_space<hbm>>
        %dma_start3A_942 = tpu.memref_squeeze %dma_start3A_941 : memref<1x1x8x128xi32, #tpu.memory_space<hbm>> -> memref<8x128xi32, #tpu.memory_space<hbm>>
        tpu.enqueue_dma source(%dma_start3A_942 : memref<8x128xi32, #tpu.memory_space<hbm>>) target(%dma_start3A_938 : memref<8x128xi32, #tpu.memory_space<vmem>>) target_semaphore(%arg20 : memref<!tpu.dma_semaphore, #tpu.memory_space<semaphore_mem>>)
        %add3A_943 = arith.constant 1 : i32
        %add3A_944 = arith.addi %add3A_542, %add3A_943 : i32
        %dma_start3A_945 = arith.constant 0 : i32
        %dma_start3A_946 = arith.constant 0 : i32
        %dma_start3A_947 = arith.constant 0 : i32
        %dma_start3A_948 = tpu.memref_slice %arg8[%dma_start3A_945, %dma_start3A_946, %dma_start3A_947] : memref<2x8x128xi32, #tpu.memory_space<vmem>> -> memref<1x8x128xi32, #tpu.memory_space<vmem>>
        %dma_start3A_949 = tpu.memref_squeeze %dma_start3A_948 : memref<1x8x128xi32, #tpu.memory_space<vmem>> -> memref<8x128xi32, #tpu.memory_space<vmem>>
        %dma_start3A_950 = arith.constant 0 : i32
        %dma_start3A_951 = arith.constant 0 : i32
        %dma_start3A_952 = tpu.memref_slice %arg4[%arg1, %add3A_944, %dma_start3A_950, %dma_start3A_951] : memref<16x10x8x128xi32, #tpu.memory_space<hbm>> -> memref<1x1x8x128xi32, #tpu.memory_space<hbm>>
        %dma_start3A_953 = tpu.memref_squeeze %dma_start3A_952 : memref<1x1x8x128xi32, #tpu.memory_space<hbm>> -> memref<8x128xi32, #tpu.memory_space<hbm>>
        %dma_start3A_954 = arith.constant 0 : i32
        %dma_start3A_955 = arith.constant 0 : i32
        %dma_start3A_956 = tpu.memref_slice %arg8[%dma_start3A_945, %dma_start3A_954, %dma_start3A_955] : memref<2x8x128xi32, #tpu.memory_space<vmem>> -> memref<1x8x128xi32, #tpu.memory_space<vmem>>
        %dma_start3A_957 = tpu.memref_squeeze %dma_start3A_956 : memref<1x8x128xi32, #tpu.memory_space<vmem>> -> memref<8x128xi32, #tpu.memory_space<vmem>>
        %dma_start3A_958 = arith.constant 0 : i32
        %dma_start3A_959 = arith.constant 0 : i32
        %dma_start3A_960 = tpu.memref_slice %arg4[%arg1, %add3A_944, %dma_start3A_958, %dma_start3A_959] : memref<16x10x8x128xi32, #tpu.memory_space<hbm>> -> memref<1x1x8x128xi32, #tpu.memory_space<hbm>>
        %dma_start3A_961 = tpu.memref_squeeze %dma_start3A_960 : memref<1x1x8x128xi32, #tpu.memory_space<hbm>> -> memref<8x128xi32, #tpu.memory_space<hbm>>
        tpu.enqueue_dma source(%dma_start3A_961 : memref<8x128xi32, #tpu.memory_space<hbm>>) target(%dma_start3A_957 : memref<8x128xi32, #tpu.memory_space<vmem>>) target_semaphore(%arg20 : memref<!tpu.dma_semaphore, #tpu.memory_space<semaphore_mem>>)
      } else {
      }
      %dma_wait3A_716 = arith.constant 0 : i32
      %dma_wait3A_717 = arith.constant 1 : i32
      %dma_wait3A_718 = arith.constant 0 : i32
      %dma_wait3A_719 = arith.constant 0 : i32
      %dma_wait3A_720 = arith.constant 0 : i32
      %dma_wait3A_721 = tpu.memref_slice %arg9[%dma_wait3A_716, %dma_wait3A_719, %dma_wait3A_720] : memref<4x128x128xbf16, #tpu.memory_space<vmem>> -> memref<1x128x128xbf16, #tpu.memory_space<vmem>>
      %dma_wait3A_722 = tpu.memref_squeeze %dma_wait3A_721 : memref<1x128x128xbf16, #tpu.memory_space<vmem>> -> memref<128x128xbf16, #tpu.memory_space<vmem>>
      %dma_wait3A_723 = arith.constant 0 : i32
      %dma_wait3A_724 = tpu.memref_slice %arg8[%dma_wait3A_717, %dma_wait3A_718, %dma_wait3A_723] : memref<2x8x128xi32, #tpu.memory_space<vmem>> -> memref<1x1x128xi32, #tpu.memory_space<vmem>>
      %dma_wait3A_725 = tpu.memref_squeeze %dma_wait3A_724 : memref<1x1x128xi32, #tpu.memory_space<vmem>> -> memref<128xi32, #tpu.memory_space<vmem>>
      %dma_wait3A_726 = arith.constant 0 : i32
      %dma_wait3A_727 = arith.constant 0 : i32
      %dma_wait3A_728 = tpu.memref_slice %arg11[%dma_wait3A_726, %dma_wait3A_727] : memref<10112x128xbf16, #tpu.memory_space<vmem_shared>> -> memref<10112x128xbf16, #tpu.memory_space<vmem_shared>>
      tpu.wait_indirect_dma semaphore(%arg16 : memref<!tpu.dma_semaphore, #tpu.memory_space<semaphore_mem>>) src(%dma_wait3A_722 : memref<128x128xbf16, #tpu.memory_space<vmem>>) dst(%dma_wait3A_728 : memref<10112x128xbf16, #tpu.memory_space<vmem_shared>>)
      %dma_start3A_729 = arith.constant 1 : i32
      %dma_start3A_730 = arith.constant 4 : i32
      %dma_start3A_731 = arith.constant 0 : i32
      %dma_start3A_732 = arith.constant 0 : i32
      %dma_start3A_733 = arith.constant 0 : i32
      %dma_start3A_734 = tpu.memref_slice %arg9[%dma_start3A_731, %dma_start3A_732, %dma_start3A_733] : memref<4x128x128xbf16, #tpu.memory_space<vmem>> -> memref<1x128x128xbf16, #tpu.memory_space<vmem>>
      %dma_start3A_735 = tpu.memref_squeeze %dma_start3A_734 : memref<1x128x128xbf16, #tpu.memory_space<vmem>> -> memref<128x128xbf16, #tpu.memory_space<vmem>>
      %dma_start3A_736 = arith.constant 0 : i32
      %dma_start3A_737 = tpu.memref_slice %arg7[%dma_start3A_729, %dma_start3A_730, %dma_start3A_736] : memref<2x8x128xi32, #tpu.memory_space<vmem>> -> memref<1x1x128xi32, #tpu.memory_space<vmem>>
      %dma_start3A_738 = tpu.memref_squeeze %dma_start3A_737 : memref<1x1x128xi32, #tpu.memory_space<vmem>> -> memref<128xi32, #tpu.memory_space<vmem>>
      %dma_start3A_739 = arith.constant 0 : i32
      %dma_start3A_740 = arith.constant 0 : i32
      %dma_start3A_741 = tpu.memref_slice %arg10[%dma_start3A_739, %dma_start3A_740] : memref<10112x128xbf16, #tpu.memory_space<vmem_shared>> -> memref<10112x128xbf16, #tpu.memory_space<vmem_shared>>
      tpu.enqueue_indirect_dma source(%dma_start3A_741 : memref<10112x128xbf16, #tpu.memory_space<vmem_shared>>) target(%dma_start3A_735 : memref<128x128xbf16, #tpu.memory_space<vmem>>) offsets(%dma_start3A_738 : memref<128xi32, #tpu.memory_space<vmem>>) semaphore(%arg12 : memref<!tpu.dma_semaphore, #tpu.memory_space<semaphore_mem>>)
      %dma_wait3A_742 = arith.constant 1 : i32
      %dma_wait3A_743 = arith.constant 0 : i32
      %dma_wait3A_744 = arith.constant 2 : i32
      %dma_wait3A_745 = arith.constant 0 : i32
      %dma_wait3A_746 = arith.constant 0 : i32
      %dma_wait3A_747 = tpu.memref_slice %arg9[%dma_wait3A_744, %dma_wait3A_745, %dma_wait3A_746] : memref<4x128x128xbf16, #tpu.memory_space<vmem>> -> memref<1x128x128xbf16, #tpu.memory_space<vmem>>
      %dma_wait3A_748 = tpu.memref_squeeze %dma_wait3A_747 : memref<1x128x128xbf16, #tpu.memory_space<vmem>> -> memref<128x128xbf16, #tpu.memory_space<vmem>>
      %dma_wait3A_749 = arith.constant 0 : i32
      %dma_wait3A_750 = tpu.memref_slice %arg7[%dma_wait3A_742, %dma_wait3A_743, %dma_wait3A_749] : memref<2x8x128xi32, #tpu.memory_space<vmem>> -> memref<1x1x128xi32, #tpu.memory_space<vmem>>
      %dma_wait3A_751 = tpu.memref_squeeze %dma_wait3A_750 : memref<1x1x128xi32, #tpu.memory_space<vmem>> -> memref<128xi32, #tpu.memory_space<vmem>>
      %dma_wait3A_752 = arith.constant 0 : i32
      %dma_wait3A_753 = arith.constant 0 : i32
      %dma_wait3A_754 = tpu.memref_slice %arg10[%dma_wait3A_752, %dma_wait3A_753] : memref<10112x128xbf16, #tpu.memory_space<vmem_shared>> -> memref<10112x128xbf16, #tpu.memory_space<vmem_shared>>
      tpu.wait_indirect_dma semaphore(%arg14 : memref<!tpu.dma_semaphore, #tpu.memory_space<semaphore_mem>>) src(%dma_wait3A_754 : memref<10112x128xbf16, #tpu.memory_space<vmem_shared>>) dst(%dma_wait3A_748 : memref<128x128xbf16, #tpu.memory_space<vmem>>)
      %dma_start3A_755 = arith.constant 2 : i32
      %dma_start3A_756 = arith.constant 1 : i32
      %dma_start3A_757 = arith.constant 2 : i32
      %dma_start3A_758 = arith.constant 0 : i32
      %dma_start3A_759 = arith.constant 0 : i32
      %dma_start3A_760 = tpu.memref_slice %arg9[%dma_start3A_755, %dma_start3A_758, %dma_start3A_759] : memref<4x128x128xbf16, #tpu.memory_space<vmem>> -> memref<1x128x128xbf16, #tpu.memory_space<vmem>>
      %dma_start3A_761 = tpu.memref_squeeze %dma_start3A_760 : memref<1x128x128xbf16, #tpu.memory_space<vmem>> -> memref<128x128xbf16, #tpu.memory_space<vmem>>
      %dma_start3A_762 = arith.constant 0 : i32
      %dma_start3A_763 = tpu.memref_slice %arg8[%dma_start3A_756, %dma_start3A_757, %dma_start3A_762] : memref<2x8x128xi32, #tpu.memory_space<vmem>> -> memref<1x1x128xi32, #tpu.memory_space<vmem>>
      %dma_start3A_764 = tpu.memref_squeeze %dma_start3A_763 : memref<1x1x128xi32, #tpu.memory_space<vmem>> -> memref<128xi32, #tpu.memory_space<vmem>>
      %dma_start3A_765 = arith.constant 0 : i32
      %dma_start3A_766 = arith.constant 0 : i32
      %dma_start3A_767 = tpu.memref_slice %arg11[%dma_start3A_765, %dma_start3A_766] : memref<10112x128xbf16, #tpu.memory_space<vmem_shared>> -> memref<10112x128xbf16, #tpu.memory_space<vmem_shared>>
      tpu.enqueue_indirect_dma source(%dma_start3A_761 : memref<128x128xbf16, #tpu.memory_space<vmem>>) target(%dma_start3A_767 : memref<10112x128xbf16, #tpu.memory_space<vmem_shared>>) offsets(%dma_start3A_764 : memref<128xi32, #tpu.memory_space<vmem>>) semaphore(%arg18 : memref<!tpu.dma_semaphore, #tpu.memory_space<semaphore_mem>>) {add = true}
      %dma_wait3A_768 = arith.constant 1 : i32
      %dma_wait3A_769 = arith.constant 1 : i32
      %dma_wait3A_770 = arith.constant 0 : i32
      %dma_wait3A_771 = arith.constant 0 : i32
      %dma_wait3A_772 = arith.constant 0 : i32
      %dma_wait3A_773 = tpu.memref_slice %arg9[%dma_wait3A_768, %dma_wait3A_771, %dma_wait3A_772] : memref<4x128x128xbf16, #tpu.memory_space<vmem>> -> memref<1x128x128xbf16, #tpu.memory_space<vmem>>
      %dma_wait3A_774 = tpu.memref_squeeze %dma_wait3A_773 : memref<1x128x128xbf16, #tpu.memory_space<vmem>> -> memref<128x128xbf16, #tpu.memory_space<vmem>>
      %dma_wait3A_775 = arith.constant 0 : i32
      %dma_wait3A_776 = tpu.memref_slice %arg8[%dma_wait3A_769, %dma_wait3A_770, %dma_wait3A_775] : memref<2x8x128xi32, #tpu.memory_space<vmem>> -> memref<1x1x128xi32, #tpu.memory_space<vmem>>
      %dma_wait3A_777 = tpu.memref_squeeze %dma_wait3A_776 : memref<1x1x128xi32, #tpu.memory_space<vmem>> -> memref<128xi32, #tpu.memory_space<vmem>>
      %dma_wait3A_778 = arith.constant 0 : i32
      %dma_wait3A_779 = arith.constant 0 : i32
      %dma_wait3A_780 = tpu.memref_slice %arg11[%dma_wait3A_778, %dma_wait3A_779] : memref<10112x128xbf16, #tpu.memory_space<vmem_shared>> -> memref<10112x128xbf16, #tpu.memory_space<vmem_shared>>
      tpu.wait_indirect_dma semaphore(%arg17 : memref<!tpu.dma_semaphore, #tpu.memory_space<semaphore_mem>>) src(%dma_wait3A_774 : memref<128x128xbf16, #tpu.memory_space<vmem>>) dst(%dma_wait3A_780 : memref<10112x128xbf16, #tpu.memory_space<vmem_shared>>)
      %dma_start3A_781 = arith.constant 1 : i32
      %dma_start3A_782 = arith.constant 5 : i32
      %dma_start3A_783 = arith.constant 1 : i32
      %dma_start3A_784 = arith.constant 0 : i32
      %dma_start3A_785 = arith.constant 0 : i32
      %dma_start3A_786 = tpu.memref_slice %arg9[%dma_start3A_783, %dma_start3A_784, %dma_start3A_785] : memref<4x128x128xbf16, #tpu.memory_space<vmem>> -> memref<1x128x128xbf16, #tpu.memory_space<vmem>>
      %dma_start3A_787 = tpu.memref_squeeze %dma_start3A_786 : memref<1x128x128xbf16, #tpu.memory_space<vmem>> -> memref<128x128xbf16, #tpu.memory_space<vmem>>
      %dma_start3A_788 = arith.constant 0 : i32
      %dma_start3A_789 = tpu.memref_slice %arg7[%dma_start3A_781, %dma_start3A_782, %dma_start3A_788] : memref<2x8x128xi32, #tpu.memory_space<vmem>> -> memref<1x1x128xi32, #tpu.memory_space<vmem>>
      %dma_start3A_790 = tpu.memref_squeeze %dma_start3A_789 : memref<1x1x128xi32, #tpu.memory_space<vmem>> -> memref<128xi32, #tpu.memory_space<vmem>>
      %dma_start3A_791 = arith.constant 0 : i32
      %dma_start3A_792 = arith.constant 0 : i32
      %dma_start3A_793 = tpu.memref_slice %arg10[%dma_start3A_791, %dma_start3A_792] : memref<10112x128xbf16, #tpu.memory_space<vmem_shared>> -> memref<10112x128xbf16, #tpu.memory_space<vmem_shared>>
      tpu.enqueue_indirect_dma source(%dma_start3A_793 : memref<10112x128xbf16, #tpu.memory_space<vmem_shared>>) target(%dma_start3A_787 : memref<128x128xbf16, #tpu.memory_space<vmem>>) offsets(%dma_start3A_790 : memref<128xi32, #tpu.memory_space<vmem>>) semaphore(%arg13 : memref<!tpu.dma_semaphore, #tpu.memory_space<semaphore_mem>>)
      %dma_wait3A_794 = arith.constant 1 : i32
      %dma_wait3A_795 = arith.constant 0 : i32
      %dma_wait3A_796 = arith.constant 3 : i32
      %dma_wait3A_797 = arith.constant 0 : i32
      %dma_wait3A_798 = arith.constant 0 : i32
      %dma_wait3A_799 = tpu.memref_slice %arg9[%dma_wait3A_796, %dma_wait3A_797, %dma_wait3A_798] : memref<4x128x128xbf16, #tpu.memory_space<vmem>> -> memref<1x128x128xbf16, #tpu.memory_space<vmem>>
      %dma_wait3A_800 = tpu.memref_squeeze %dma_wait3A_799 : memref<1x128x128xbf16, #tpu.memory_space<vmem>> -> memref<128x128xbf16, #tpu.memory_space<vmem>>
      %dma_wait3A_801 = arith.constant 0 : i32
      %dma_wait3A_802 = tpu.memref_slice %arg7[%dma_wait3A_794, %dma_wait3A_795, %dma_wait3A_801] : memref<2x8x128xi32, #tpu.memory_space<vmem>> -> memref<1x1x128xi32, #tpu.memory_space<vmem>>
      %dma_wait3A_803 = tpu.memref_squeeze %dma_wait3A_802 : memref<1x1x128xi32, #tpu.memory_space<vmem>> -> memref<128xi32, #tpu.memory_space<vmem>>
      %dma_wait3A_804 = arith.constant 0 : i32
      %dma_wait3A_805 = arith.constant 0 : i32
      %dma_wait3A_806 = tpu.memref_slice %arg10[%dma_wait3A_804, %dma_wait3A_805] : memref<10112x128xbf16, #tpu.memory_space<vmem_shared>> -> memref<10112x128xbf16, #tpu.memory_space<vmem_shared>>
      tpu.wait_indirect_dma semaphore(%arg15 : memref<!tpu.dma_semaphore, #tpu.memory_space<semaphore_mem>>) src(%dma_wait3A_806 : memref<10112x128xbf16, #tpu.memory_space<vmem_shared>>) dst(%dma_wait3A_800 : memref<128x128xbf16, #tpu.memory_space<vmem>>)
      %dma_start3A_807 = arith.constant 3 : i32
      %dma_start3A_808 = arith.constant 1 : i32
      %dma_start3A_809 = arith.constant 3 : i32
      %dma_start3A_810 = arith.constant 0 : i32
      %dma_start3A_811 = arith.constant 0 : i32
      %dma_start3A_812 = tpu.memref_slice %arg9[%dma_start3A_807, %dma_start3A_810, %dma_start3A_811] : memref<4x128x128xbf16, #tpu.memory_space<vmem>> -> memref<1x128x128xbf16, #tpu.memory_space<vmem>>
      %dma_start3A_813 = tpu.memref_squeeze %dma_start3A_812 : memref<1x128x128xbf16, #tpu.memory_space<vmem>> -> memref<128x128xbf16, #tpu.memory_space<vmem>>
      %dma_start3A_814 = arith.constant 0 : i32
      %dma_start3A_815 = tpu.memref_slice %arg8[%dma_start3A_808, %dma_start3A_809, %dma_start3A_814] : memref<2x8x128xi32, #tpu.memory_space<vmem>> -> memref<1x1x128xi32, #tpu.memory_space<vmem>>
      %dma_start3A_816 = tpu.memref_squeeze %dma_start3A_815 : memref<1x1x128xi32, #tpu.memory_space<vmem>> -> memref<128xi32, #tpu.memory_space<vmem>>
      %dma_start3A_817 = arith.constant 0 : i32
      %dma_start3A_818 = arith.constant 0 : i32
      %dma_start3A_819 = tpu.memref_slice %arg11[%dma_start3A_817, %dma_start3A_818] : memref<10112x128xbf16, #tpu.memory_space<vmem_shared>> -> memref<10112x128xbf16, #tpu.memory_space<vmem_shared>>
      tpu.enqueue_indirect_dma source(%dma_start3A_813 : memref<128x128xbf16, #tpu.memory_space<vmem>>) target(%dma_start3A_819 : memref<10112x128xbf16, #tpu.memory_space<vmem_shared>>) offsets(%dma_start3A_816 : memref<128xi32, #tpu.memory_space<vmem>>) semaphore(%arg19 : memref<!tpu.dma_semaphore, #tpu.memory_space<semaphore_mem>>) {add = true}
      %dma_wait3A_820 = arith.constant 2 : i32
      %dma_wait3A_821 = arith.constant 1 : i32
      %dma_wait3A_822 = arith.constant 0 : i32
      %dma_wait3A_823 = arith.constant 0 : i32
      %dma_wait3A_824 = arith.constant 0 : i32
      %dma_wait3A_825 = tpu.memref_slice %arg9[%dma_wait3A_820, %dma_wait3A_823, %dma_wait3A_824] : memref<4x128x128xbf16, #tpu.memory_space<vmem>> -> memref<1x128x128xbf16, #tpu.memory_space<vmem>>
      %dma_wait3A_826 = tpu.memref_squeeze %dma_wait3A_825 : memref<1x128x128xbf16, #tpu.memory_space<vmem>> -> memref<128x128xbf16, #tpu.memory_space<vmem>>
      %dma_wait3A_827 = arith.constant 0 : i32
      %dma_wait3A_828 = tpu.memref_slice %arg8[%dma_wait3A_821, %dma_wait3A_822, %dma_wait3A_827] : memref<2x8x128xi32, #tpu.memory_space<vmem>> -> memref<1x1x128xi32, #tpu.memory_space<vmem>>
      %dma_wait3A_829 = tpu.memref_squeeze %dma_wait3A_828 : memref<1x1x128xi32, #tpu.memory_space<vmem>> -> memref<128xi32, #tpu.memory_space<vmem>>
      %dma_wait3A_830 = arith.constant 0 : i32
      %dma_wait3A_831 = arith.constant 0 : i32
      %dma_wait3A_832 = tpu.memref_slice %arg11[%dma_wait3A_830, %dma_wait3A_831] : memref<10112x128xbf16, #tpu.memory_space<vmem_shared>> -> memref<10112x128xbf16, #tpu.memory_space<vmem_shared>>
      tpu.wait_indirect_dma semaphore(%arg18 : memref<!tpu.dma_semaphore, #tpu.memory_space<semaphore_mem>>) src(%dma_wait3A_826 : memref<128x128xbf16, #tpu.memory_space<vmem>>) dst(%dma_wait3A_832 : memref<10112x128xbf16, #tpu.memory_space<vmem_shared>>)
      %dma_start3A_833 = arith.constant 1 : i32
      %dma_start3A_834 = arith.constant 6 : i32
      %dma_start3A_835 = arith.constant 2 : i32
      %dma_start3A_836 = arith.constant 0 : i32
      %dma_start3A_837 = arith.constant 0 : i32
      %dma_start3A_838 = tpu.memref_slice %arg9[%dma_start3A_835, %dma_start3A_836, %dma_start3A_837] : memref<4x128x128xbf16, #tpu.memory_space<vmem>> -> memref<1x128x128xbf16, #tpu.memory_space<vmem>>
      %dma_start3A_839 = tpu.memref_squeeze %dma_start3A_838 : memref<1x128x128xbf16, #tpu.memory_space<vmem>> -> memref<128x128xbf16, #tpu.memory_space<vmem>>
      %dma_start3A_840 = arith.constant 0 : i32
      %dma_start3A_841 = tpu.memref_slice %arg7[%dma_start3A_833, %dma_start3A_834, %dma_start3A_840] : memref<2x8x128xi32, #tpu.memory_space<vmem>> -> memref<1x1x128xi32, #tpu.memory_space<vmem>>
      %dma_start3A_842 = tpu.memref_squeeze %dma_start3A_841 : memref<1x1x128xi32, #tpu.memory_space<vmem>> -> memref<128xi32, #tpu.memory_space<vmem>>
      %dma_start3A_843 = arith.constant 0 : i32
      %dma_start3A_844 = arith.constant 0 : i32
      %dma_start3A_845 = tpu.memref_slice %arg10[%dma_start3A_843, %dma_start3A_844] : memref<10112x128xbf16, #tpu.memory_space<vmem_shared>> -> memref<10112x128xbf16, #tpu.memory_space<vmem_shared>>
      tpu.enqueue_indirect_dma source(%dma_start3A_845 : memref<10112x128xbf16, #tpu.memory_space<vmem_shared>>) target(%dma_start3A_839 : memref<128x128xbf16, #tpu.memory_space<vmem>>) offsets(%dma_start3A_842 : memref<128xi32, #tpu.memory_space<vmem>>) semaphore(%arg14 : memref<!tpu.dma_semaphore, #tpu.memory_space<semaphore_mem>>)
      %dma_wait3A_846 = arith.constant 1 : i32
      %dma_wait3A_847 = arith.constant 0 : i32
      %dma_wait3A_848 = arith.constant 0 : i32
      %dma_wait3A_849 = arith.constant 0 : i32
      %dma_wait3A_850 = arith.constant 0 : i32
      %dma_wait3A_851 = tpu.memref_slice %arg9[%dma_wait3A_848, %dma_wait3A_849, %dma_wait3A_850] : memref<4x128x128xbf16, #tpu.memory_space<vmem>> -> memref<1x128x128xbf16, #tpu.memory_space<vmem>>
      %dma_wait3A_852 = tpu.memref_squeeze %dma_wait3A_851 : memref<1x128x128xbf16, #tpu.memory_space<vmem>> -> memref<128x128xbf16, #tpu.memory_space<vmem>>
      %dma_wait3A_853 = arith.constant 0 : i32
      %dma_wait3A_854 = tpu.memref_slice %arg7[%dma_wait3A_846, %dma_wait3A_847, %dma_wait3A_853] : memref<2x8x128xi32, #tpu.memory_space<vmem>> -> memref<1x1x128xi32, #tpu.memory_space<vmem>>
      %dma_wait3A_855 = tpu.memref_squeeze %dma_wait3A_854 : memref<1x1x128xi32, #tpu.memory_space<vmem>> -> memref<128xi32, #tpu.memory_space<vmem>>
      %dma_wait3A_856 = arith.constant 0 : i32
      %dma_wait3A_857 = arith.constant 0 : i32
      %dma_wait3A_858 = tpu.memref_slice %arg10[%dma_wait3A_856, %dma_wait3A_857] : memref<10112x128xbf16, #tpu.memory_space<vmem_shared>> -> memref<10112x128xbf16, #tpu.memory_space<vmem_shared>>
      tpu.wait_indirect_dma semaphore(%arg12 : memref<!tpu.dma_semaphore, #tpu.memory_space<semaphore_mem>>) src(%dma_wait3A_858 : memref<10112x128xbf16, #tpu.memory_space<vmem_shared>>) dst(%dma_wait3A_852 : memref<128x128xbf16, #tpu.memory_space<vmem>>)
      %dma_start3A_859 = arith.constant 0 : i32
      %dma_start3A_860 = arith.constant 1 : i32
      %dma_start3A_861 = arith.constant 4 : i32
      %dma_start3A_862 = arith.constant 0 : i32
      %dma_start3A_863 = arith.constant 0 : i32
      %dma_start3A_864 = tpu.memref_slice %arg9[%dma_start3A_859, %dma_start3A_862, %dma_start3A_863] : memref<4x128x128xbf16, #tpu.memory_space<vmem>> -> memref<1x128x128xbf16, #tpu.memory_space<vmem>>
      %dma_start3A_865 = tpu.memref_squeeze %dma_start3A_864 : memref<1x128x128xbf16, #tpu.memory_space<vmem>> -> memref<128x128xbf16, #tpu.memory_space<vmem>>
      %dma_start3A_866 = arith.constant 0 : i32
      %dma_start3A_867 = tpu.memref_slice %arg8[%dma_start3A_860, %dma_start3A_861, %dma_start3A_866] : memref<2x8x128xi32, #tpu.memory_space<vmem>> -> memref<1x1x128xi32, #tpu.memory_space<vmem>>
      %dma_start3A_868 = tpu.memref_squeeze %dma_start3A_867 : memref<1x1x128xi32, #tpu.memory_space<vmem>> -> memref<128xi32, #tpu.memory_space<vmem>>
      %dma_start3A_869 = arith.constant 0 : i32
      %dma_start3A_870 = arith.constant 0 : i32
      %dma_start3A_871 = tpu.memref_slice %arg11[%dma_start3A_869, %dma_start3A_870] : memref<10112x128xbf16, #tpu.memory_space<vmem_shared>> -> memref<10112x128xbf16, #tpu.memory_space<vmem_shared>>
      tpu.enqueue_indirect_dma source(%dma_start3A_865 : memref<128x128xbf16, #tpu.memory_space<vmem>>) target(%dma_start3A_871 : memref<10112x128xbf16, #tpu.memory_space<vmem_shared>>) offsets(%dma_start3A_868 : memref<128xi32, #tpu.memory_space<vmem>>) semaphore(%arg16 : memref<!tpu.dma_semaphore, #tpu.memory_space<semaphore_mem>>) {add = true}
      %dma_wait3A_872 = arith.constant 3 : i32
      %dma_wait3A_873 = arith.constant 1 : i32
      %dma_wait3A_874 = arith.constant 0 : i32
      %dma_wait3A_875 = arith.constant 0 : i32
      %dma_wait3A_876 = arith.constant 0 : i32
      %dma_wait3A_877 = tpu.memref_slice %arg9[%dma_wait3A_872, %dma_wait3A_875, %dma_wait3A_876] : memref<4x128x128xbf16, #tpu.memory_space<vmem>> -> memref<1x128x128xbf16, #tpu.memory_space<vmem>>
      %dma_wait3A_878 = tpu.memref_squeeze %dma_wait3A_877 : memref<1x128x128xbf16, #tpu.memory_space<vmem>> -> memref<128x128xbf16, #tpu.memory_space<vmem>>
      %dma_wait3A_879 = arith.constant 0 : i32
      %dma_wait3A_880 = tpu.memref_slice %arg8[%dma_wait3A_873, %dma_wait3A_874, %dma_wait3A_879] : memref<2x8x128xi32, #tpu.memory_space<vmem>> -> memref<1x1x128xi32, #tpu.memory_space<vmem>>
      %dma_wait3A_881 = tpu.memref_squeeze %dma_wait3A_880 : memref<1x1x128xi32, #tpu.memory_space<vmem>> -> memref<128xi32, #tpu.memory_space<vmem>>
      %dma_wait3A_882 = arith.constant 0 : i32
      %dma_wait3A_883 = arith.constant 0 : i32
      %dma_wait3A_884 = tpu.memref_slice %arg11[%dma_wait3A_882, %dma_wait3A_883] : memref<10112x128xbf16, #tpu.memory_space<vmem_shared>> -> memref<10112x128xbf16, #tpu.memory_space<vmem_shared>>
      tpu.wait_indirect_dma semaphore(%arg19 : memref<!tpu.dma_semaphore, #tpu.memory_space<semaphore_mem>>) src(%dma_wait3A_878 : memref<128x128xbf16, #tpu.memory_space<vmem>>) dst(%dma_wait3A_884 : memref<10112x128xbf16, #tpu.memory_space<vmem_shared>>)
      %dma_start3A_885 = arith.constant 1 : i32
      %dma_start3A_886 = arith.constant 7 : i32
      %dma_start3A_887 = arith.constant 3 : i32
      %dma_start3A_888 = arith.constant 0 : i32
      %dma_start3A_889 = arith.constant 0 : i32
      %dma_start3A_890 = tpu.memref_slice %arg9[%dma_start3A_887, %dma_start3A_888, %dma_start3A_889] : memref<4x128x128xbf16, #tpu.memory_space<vmem>> -> memref<1x128x128xbf16, #tpu.memory_space<vmem>>
      %dma_start3A_891 = tpu.memref_squeeze %dma_start3A_890 : memref<1x128x128xbf16, #tpu.memory_space<vmem>> -> memref<128x128xbf16, #tpu.memory_space<vmem>>
      %dma_start3A_892 = arith.constant 0 : i32
      %dma_start3A_893 = tpu.memref_slice %arg7[%dma_start3A_885, %dma_start3A_886, %dma_start3A_892] : memref<2x8x128xi32, #tpu.memory_space<vmem>> -> memref<1x1x128xi32, #tpu.memory_space<vmem>>
      %dma_start3A_894 = tpu.memref_squeeze %dma_start3A_893 : memref<1x1x128xi32, #tpu.memory_space<vmem>> -> memref<128xi32, #tpu.memory_space<vmem>>
      %dma_start3A_895 = arith.constant 0 : i32
      %dma_start3A_896 = arith.constant 0 : i32
      %dma_start3A_897 = tpu.memref_slice %arg10[%dma_start3A_895, %dma_start3A_896] : memref<10112x128xbf16, #tpu.memory_space<vmem_shared>> -> memref<10112x128xbf16, #tpu.memory_space<vmem_shared>>
      tpu.enqueue_indirect_dma source(%dma_start3A_897 : memref<10112x128xbf16, #tpu.memory_space<vmem_shared>>) target(%dma_start3A_891 : memref<128x128xbf16, #tpu.memory_space<vmem>>) offsets(%dma_start3A_894 : memref<128xi32, #tpu.memory_space<vmem>>) semaphore(%arg15 : memref<!tpu.dma_semaphore, #tpu.memory_space<semaphore_mem>>)
      %dma_wait3A_898 = arith.constant 1 : i32
      %dma_wait3A_899 = arith.constant 0 : i32
      %dma_wait3A_900 = arith.constant 1 : i32
      %dma_wait3A_901 = arith.constant 0 : i32
      %dma_wait3A_902 = arith.constant 0 : i32
      %dma_wait3A_903 = tpu.memref_slice %arg9[%dma_wait3A_900, %dma_wait3A_901, %dma_wait3A_902] : memref<4x128x128xbf16, #tpu.memory_space<vmem>> -> memref<1x128x128xbf16, #tpu.memory_space<vmem>>
      %dma_wait3A_904 = tpu.memref_squeeze %dma_wait3A_903 : memref<1x128x128xbf16, #tpu.memory_space<vmem>> -> memref<128x128xbf16, #tpu.memory_space<vmem>>
      %dma_wait3A_905 = arith.constant 0 : i32
      %dma_wait3A_906 = tpu.memref_slice %arg7[%dma_wait3A_898, %dma_wait3A_899, %dma_wait3A_905] : memref<2x8x128xi32, #tpu.memory_space<vmem>> -> memref<1x1x128xi32, #tpu.memory_space<vmem>>
      %dma_wait3A_907 = tpu.memref_squeeze %dma_wait3A_906 : memref<1x1x128xi32, #tpu.memory_space<vmem>> -> memref<128xi32, #tpu.memory_space<vmem>>
      %dma_wait3A_908 = arith.constant 0 : i32
      %dma_wait3A_909 = arith.constant 0 : i32
      %dma_wait3A_910 = tpu.memref_slice %arg10[%dma_wait3A_908, %dma_wait3A_909] : memref<10112x128xbf16, #tpu.memory_space<vmem_shared>> -> memref<10112x128xbf16, #tpu.memory_space<vmem_shared>>
      tpu.wait_indirect_dma semaphore(%arg13 : memref<!tpu.dma_semaphore, #tpu.memory_space<semaphore_mem>>) src(%dma_wait3A_910 : memref<10112x128xbf16, #tpu.memory_space<vmem_shared>>) dst(%dma_wait3A_904 : memref<128x128xbf16, #tpu.memory_space<vmem>>)
      %dma_start3A_911 = arith.constant 1 : i32
      %dma_start3A_912 = arith.constant 1 : i32
      %dma_start3A_913 = arith.constant 5 : i32
      %dma_start3A_914 = arith.constant 0 : i32
      %dma_start3A_915 = arith.constant 0 : i32
      %dma_start3A_916 = tpu.memref_slice %arg9[%dma_start3A_911, %dma_start3A_914, %dma_start3A_915] : memref<4x128x128xbf16, #tpu.memory_space<vmem>> -> memref<1x128x128xbf16, #tpu.memory_space<vmem>>
      %dma_start3A_917 = tpu.memref_squeeze %dma_start3A_916 : memref<1x128x128xbf16, #tpu.memory_space<vmem>> -> memref<128x128xbf16, #tpu.memory_space<vmem>>
      %dma_start3A_918 = arith.constant 0 : i32
      %dma_start3A_919 = tpu.memref_slice %arg8[%dma_start3A_912, %dma_start3A_913, %dma_start3A_918] : memref<2x8x128xi32, #tpu.memory_space<vmem>> -> memref<1x1x128xi32, #tpu.memory_space<vmem>>
      %dma_start3A_920 = tpu.memref_squeeze %dma_start3A_919 : memref<1x1x128xi32, #tpu.memory_space<vmem>> -> memref<128xi32, #tpu.memory_space<vmem>>
      %dma_start3A_921 = arith.constant 0 : i32
      %dma_start3A_922 = arith.constant 0 : i32
      %dma_start3A_923 = tpu.memref_slice %arg11[%dma_start3A_921, %dma_start3A_922] : memref<10112x128xbf16, #tpu.memory_space<vmem_shared>> -> memref<10112x128xbf16, #tpu.memory_space<vmem_shared>>
      tpu.enqueue_indirect_dma source(%dma_start3A_917 : memref<128x128xbf16, #tpu.memory_space<vmem>>) target(%dma_start3A_923 : memref<10112x128xbf16, #tpu.memory_space<vmem_shared>>) offsets(%dma_start3A_920 : memref<128xi32, #tpu.memory_space<vmem>>) semaphore(%arg17 : memref<!tpu.dma_semaphore, #tpu.memory_space<semaphore_mem>>) {add = true}
    }
    %scan3A_48 = arith.constant 5 : i32
    %dma_wait3A = arith.constant 1 : i32
    %dma_wait3A_49 = arith.constant 6 : i32
    %dma_wait3A_50 = arith.constant 2 : i32
    %dma_wait3A_51 = arith.constant 0 : i32
    %dma_wait3A_52 = arith.constant 0 : i32
    %dma_wait3A_53 = tpu.memref_slice %arg9[%dma_wait3A_50, %dma_wait3A_51, %dma_wait3A_52] : memref<4x128x128xbf16, #tpu.memory_space<vmem>> -> memref<1x128x128xbf16, #tpu.memory_space<vmem>>
    %dma_wait3A_54 = tpu.memref_squeeze %dma_wait3A_53 : memref<1x128x128xbf16, #tpu.memory_space<vmem>> -> memref<128x128xbf16, #tpu.memory_space<vmem>>
    %dma_wait3A_55 = arith.constant 0 : i32
    %dma_wait3A_56 = tpu.memref_slice %arg7[%dma_wait3A, %dma_wait3A_49, %dma_wait3A_55] : memref<2x8x128xi32, #tpu.memory_space<vmem>> -> memref<1x1x128xi32, #tpu.memory_space<vmem>>
    %dma_wait3A_57 = tpu.memref_squeeze %dma_wait3A_56 : memref<1x1x128xi32, #tpu.memory_space<vmem>> -> memref<128xi32, #tpu.memory_space<vmem>>
    %dma_wait3A_58 = arith.constant 0 : i32
    %dma_wait3A_59 = arith.constant 0 : i32
    %dma_wait3A_60 = tpu.memref_slice %arg10[%dma_wait3A_58, %dma_wait3A_59] : memref<10112x128xbf16, #tpu.memory_space<vmem_shared>> -> memref<10112x128xbf16, #tpu.memory_space<vmem_shared>>
    tpu.wait_indirect_dma semaphore(%arg14 : memref<!tpu.dma_semaphore, #tpu.memory_space<semaphore_mem>>) src(%dma_wait3A_60 : memref<10112x128xbf16, #tpu.memory_space<vmem_shared>>) dst(%dma_wait3A_54 : memref<128x128xbf16, #tpu.memory_space<vmem>>)
    %dma_start3A_61 = arith.constant 2 : i32
    %dma_start3A_62 = arith.constant 1 : i32
    %dma_start3A_63 = arith.constant 6 : i32
    %dma_start3A_64 = arith.constant 0 : i32
    %dma_start3A_65 = arith.constant 0 : i32
    %dma_start3A_66 = tpu.memref_slice %arg9[%dma_start3A_61, %dma_start3A_64, %dma_start3A_65] : memref<4x128x128xbf16, #tpu.memory_space<vmem>> -> memref<1x128x128xbf16, #tpu.memory_space<vmem>>
    %dma_start3A_67 = tpu.memref_squeeze %dma_start3A_66 : memref<1x128x128xbf16, #tpu.memory_space<vmem>> -> memref<128x128xbf16, #tpu.memory_space<vmem>>
    %dma_start3A_68 = arith.constant 0 : i32
    %dma_start3A_69 = tpu.memref_slice %arg8[%dma_start3A_62, %dma_start3A_63, %dma_start3A_68] : memref<2x8x128xi32, #tpu.memory_space<vmem>> -> memref<1x1x128xi32, #tpu.memory_space<vmem>>
    %dma_start3A_70 = tpu.memref_squeeze %dma_start3A_69 : memref<1x1x128xi32, #tpu.memory_space<vmem>> -> memref<128xi32, #tpu.memory_space<vmem>>
    %dma_start3A_71 = arith.constant 0 : i32
    %dma_start3A_72 = arith.constant 0 : i32
    %dma_start3A_73 = tpu.memref_slice %arg11[%dma_start3A_71, %dma_start3A_72] : memref<10112x128xbf16, #tpu.memory_space<vmem_shared>> -> memref<10112x128xbf16, #tpu.memory_space<vmem_shared>>
    tpu.enqueue_indirect_dma source(%dma_start3A_67 : memref<128x128xbf16, #tpu.memory_space<vmem>>) target(%dma_start3A_73 : memref<10112x128xbf16, #tpu.memory_space<vmem_shared>>) offsets(%dma_start3A_70 : memref<128xi32, #tpu.memory_space<vmem>>) semaphore(%arg18 : memref<!tpu.dma_semaphore, #tpu.memory_space<semaphore_mem>>) {add = true}
    %dma_wait3A_74 = arith.constant 1 : i32
    %dma_wait3A_75 = arith.constant 7 : i32
    %dma_wait3A_76 = arith.constant 3 : i32
    %dma_wait3A_77 = arith.constant 0 : i32
    %dma_wait3A_78 = arith.constant 0 : i32
    %dma_wait3A_79 = tpu.memref_slice %arg9[%dma_wait3A_76, %dma_wait3A_77, %dma_wait3A_78] : memref<4x128x128xbf16, #tpu.memory_space<vmem>> -> memref<1x128x128xbf16, #tpu.memory_space<vmem>>
    %dma_wait3A_80 = tpu.memref_squeeze %dma_wait3A_79 : memref<1x128x128xbf16, #tpu.memory_space<vmem>> -> memref<128x128xbf16, #tpu.memory_space<vmem>>
    %dma_wait3A_81 = arith.constant 0 : i32
    %dma_wait3A_82 = tpu.memref_slice %arg7[%dma_wait3A_74, %dma_wait3A_75, %dma_wait3A_81] : memref<2x8x128xi32, #tpu.memory_space<vmem>> -> memref<1x1x128xi32, #tpu.memory_space<vmem>>
    %dma_wait3A_83 = tpu.memref_squeeze %dma_wait3A_82 : memref<1x1x128xi32, #tpu.memory_space<vmem>> -> memref<128xi32, #tpu.memory_space<vmem>>
    %dma_wait3A_84 = arith.constant 0 : i32
    %dma_wait3A_85 = arith.constant 0 : i32
    %dma_wait3A_86 = tpu.memref_slice %arg10[%dma_wait3A_84, %dma_wait3A_85] : memref<10112x128xbf16, #tpu.memory_space<vmem_shared>> -> memref<10112x128xbf16, #tpu.memory_space<vmem_shared>>
    tpu.wait_indirect_dma semaphore(%arg15 : memref<!tpu.dma_semaphore, #tpu.memory_space<semaphore_mem>>) src(%dma_wait3A_86 : memref<10112x128xbf16, #tpu.memory_space<vmem_shared>>) dst(%dma_wait3A_80 : memref<128x128xbf16, #tpu.memory_space<vmem>>)
    %dma_start3A_87 = arith.constant 3 : i32
    %dma_start3A_88 = arith.constant 1 : i32
    %dma_start3A_89 = arith.constant 7 : i32
    %dma_start3A_90 = arith.constant 0 : i32
    %dma_start3A_91 = arith.constant 0 : i32
    %dma_start3A_92 = tpu.memref_slice %arg9[%dma_start3A_87, %dma_start3A_90, %dma_start3A_91] : memref<4x128x128xbf16, #tpu.memory_space<vmem>> -> memref<1x128x128xbf16, #tpu.memory_space<vmem>>
    %dma_start3A_93 = tpu.memref_squeeze %dma_start3A_92 : memref<1x128x128xbf16, #tpu.memory_space<vmem>> -> memref<128x128xbf16, #tpu.memory_space<vmem>>
    %dma_start3A_94 = arith.constant 0 : i32
    %dma_start3A_95 = tpu.memref_slice %arg8[%dma_start3A_88, %dma_start3A_89, %dma_start3A_94] : memref<2x8x128xi32, #tpu.memory_space<vmem>> -> memref<1x1x128xi32, #tpu.memory_space<vmem>>
    %dma_start3A_96 = tpu.memref_squeeze %dma_start3A_95 : memref<1x1x128xi32, #tpu.memory_space<vmem>> -> memref<128xi32, #tpu.memory_space<vmem>>
    %dma_start3A_97 = arith.constant 0 : i32
    %dma_start3A_98 = arith.constant 0 : i32
    %dma_start3A_99 = tpu.memref_slice %arg11[%dma_start3A_97, %dma_start3A_98] : memref<10112x128xbf16, #tpu.memory_space<vmem_shared>> -> memref<10112x128xbf16, #tpu.memory_space<vmem_shared>>
    tpu.enqueue_indirect_dma source(%dma_start3A_93 : memref<128x128xbf16, #tpu.memory_space<vmem>>) target(%dma_start3A_99 : memref<10112x128xbf16, #tpu.memory_space<vmem_shared>>) offsets(%dma_start3A_96 : memref<128xi32, #tpu.memory_space<vmem>>) semaphore(%arg19 : memref<!tpu.dma_semaphore, #tpu.memory_space<semaphore_mem>>) {add = true}
    %dma_wait3A_100 = arith.constant 0 : i32
    %dma_wait3A_101 = arith.constant 1 : i32
    %dma_wait3A_102 = arith.constant 0 : i32
    %dma_wait3A_103 = arith.constant 0 : i32
    %dma_wait3A_104 = arith.constant 0 : i32
    %dma_wait3A_105 = tpu.memref_slice %arg9[%dma_wait3A_100, %dma_wait3A_103, %dma_wait3A_104] : memref<4x128x128xbf16, #tpu.memory_space<vmem>> -> memref<1x128x128xbf16, #tpu.memory_space<vmem>>
    %dma_wait3A_106 = tpu.memref_squeeze %dma_wait3A_105 : memref<1x128x128xbf16, #tpu.memory_space<vmem>> -> memref<128x128xbf16, #tpu.memory_space<vmem>>
    %dma_wait3A_107 = arith.constant 0 : i32
    %dma_wait3A_108 = tpu.memref_slice %arg8[%dma_wait3A_101, %dma_wait3A_102, %dma_wait3A_107] : memref<2x8x128xi32, #tpu.memory_space<vmem>> -> memref<1x1x128xi32, #tpu.memory_space<vmem>>
    %dma_wait3A_109 = tpu.memref_squeeze %dma_wait3A_108 : memref<1x1x128xi32, #tpu.memory_space<vmem>> -> memref<128xi32, #tpu.memory_space<vmem>>
    %dma_wait3A_110 = arith.constant 0 : i32
    %dma_wait3A_111 = arith.constant 0 : i32
    %dma_wait3A_112 = tpu.memref_slice %arg11[%dma_wait3A_110, %dma_wait3A_111] : memref<10112x128xbf16, #tpu.memory_space<vmem_shared>> -> memref<10112x128xbf16, #tpu.memory_space<vmem_shared>>
    tpu.wait_indirect_dma semaphore(%arg16 : memref<!tpu.dma_semaphore, #tpu.memory_space<semaphore_mem>>) src(%dma_wait3A_106 : memref<128x128xbf16, #tpu.memory_space<vmem>>) dst(%dma_wait3A_112 : memref<10112x128xbf16, #tpu.memory_space<vmem_shared>>)
    %dma_wait3A_113 = arith.constant 1 : i32
    %dma_wait3A_114 = arith.constant 1 : i32
    %dma_wait3A_115 = arith.constant 0 : i32
    %dma_wait3A_116 = arith.constant 0 : i32
    %dma_wait3A_117 = arith.constant 0 : i32
    %dma_wait3A_118 = tpu.memref_slice %arg9[%dma_wait3A_113, %dma_wait3A_116, %dma_wait3A_117] : memref<4x128x128xbf16, #tpu.memory_space<vmem>> -> memref<1x128x128xbf16, #tpu.memory_space<vmem>>
    %dma_wait3A_119 = tpu.memref_squeeze %dma_wait3A_118 : memref<1x128x128xbf16, #tpu.memory_space<vmem>> -> memref<128x128xbf16, #tpu.memory_space<vmem>>
    %dma_wait3A_120 = arith.constant 0 : i32
    %dma_wait3A_121 = tpu.memref_slice %arg8[%dma_wait3A_114, %dma_wait3A_115, %dma_wait3A_120] : memref<2x8x128xi32, #tpu.memory_space<vmem>> -> memref<1x1x128xi32, #tpu.memory_space<vmem>>
    %dma_wait3A_122 = tpu.memref_squeeze %dma_wait3A_121 : memref<1x1x128xi32, #tpu.memory_space<vmem>> -> memref<128xi32, #tpu.memory_space<vmem>>
    %dma_wait3A_123 = arith.constant 0 : i32
    %dma_wait3A_124 = arith.constant 0 : i32
    %dma_wait3A_125 = tpu.memref_slice %arg11[%dma_wait3A_123, %dma_wait3A_124] : memref<10112x128xbf16, #tpu.memory_space<vmem_shared>> -> memref<10112x128xbf16, #tpu.memory_space<vmem_shared>>
    tpu.wait_indirect_dma semaphore(%arg17 : memref<!tpu.dma_semaphore, #tpu.memory_space<semaphore_mem>>) src(%dma_wait3A_119 : memref<128x128xbf16, #tpu.memory_space<vmem>>) dst(%dma_wait3A_125 : memref<10112x128xbf16, #tpu.memory_space<vmem_shared>>)
    %dma_wait3A_126 = arith.constant 2 : i32
    %dma_wait3A_127 = arith.constant 1 : i32
    %dma_wait3A_128 = arith.constant 0 : i32
    %dma_wait3A_129 = arith.constant 0 : i32
    %dma_wait3A_130 = arith.constant 0 : i32
    %dma_wait3A_131 = tpu.memref_slice %arg9[%dma_wait3A_126, %dma_wait3A_129, %dma_wait3A_130] : memref<4x128x128xbf16, #tpu.memory_space<vmem>> -> memref<1x128x128xbf16, #tpu.memory_space<vmem>>
    %dma_wait3A_132 = tpu.memref_squeeze %dma_wait3A_131 : memref<1x128x128xbf16, #tpu.memory_space<vmem>> -> memref<128x128xbf16, #tpu.memory_space<vmem>>
    %dma_wait3A_133 = arith.constant 0 : i32
    %dma_wait3A_134 = tpu.memref_slice %arg8[%dma_wait3A_127, %dma_wait3A_128, %dma_wait3A_133] : memref<2x8x128xi32, #tpu.memory_space<vmem>> -> memref<1x1x128xi32, #tpu.memory_space<vmem>>
    %dma_wait3A_135 = tpu.memref_squeeze %dma_wait3A_134 : memref<1x1x128xi32, #tpu.memory_space<vmem>> -> memref<128xi32, #tpu.memory_space<vmem>>
    %dma_wait3A_136 = arith.constant 0 : i32
    %dma_wait3A_137 = arith.constant 0 : i32
    %dma_wait3A_138 = tpu.memref_slice %arg11[%dma_wait3A_136, %dma_wait3A_137] : memref<10112x128xbf16, #tpu.memory_space<vmem_shared>> -> memref<10112x128xbf16, #tpu.memory_space<vmem_shared>>
    tpu.wait_indirect_dma semaphore(%arg18 : memref<!tpu.dma_semaphore, #tpu.memory_space<semaphore_mem>>) src(%dma_wait3A_132 : memref<128x128xbf16, #tpu.memory_space<vmem>>) dst(%dma_wait3A_138 : memref<10112x128xbf16, #tpu.memory_space<vmem_shared>>)
    %dma_wait3A_139 = arith.constant 3 : i32
    %dma_wait3A_140 = arith.constant 1 : i32
    %dma_wait3A_141 = arith.constant 0 : i32
    %dma_wait3A_142 = arith.constant 0 : i32
    %dma_wait3A_143 = arith.constant 0 : i32
    %dma_wait3A_144 = tpu.memref_slice %arg9[%dma_wait3A_139, %dma_wait3A_142, %dma_wait3A_143] : memref<4x128x128xbf16, #tpu.memory_space<vmem>> -> memref<1x128x128xbf16, #tpu.memory_space<vmem>>
    %dma_wait3A_145 = tpu.memref_squeeze %dma_wait3A_144 : memref<1x128x128xbf16, #tpu.memory_space<vmem>> -> memref<128x128xbf16, #tpu.memory_space<vmem>>
    %dma_wait3A_146 = arith.constant 0 : i32
    %dma_wait3A_147 = tpu.memref_slice %arg8[%dma_wait3A_140, %dma_wait3A_141, %dma_wait3A_146] : memref<2x8x128xi32, #tpu.memory_space<vmem>> -> memref<1x1x128xi32, #tpu.memory_space<vmem>>
    %dma_wait3A_148 = tpu.memref_squeeze %dma_wait3A_147 : memref<1x1x128xi32, #tpu.memory_space<vmem>> -> memref<128xi32, #tpu.memory_space<vmem>>
    %dma_wait3A_149 = arith.constant 0 : i32
    %dma_wait3A_150 = arith.constant 0 : i32
    %dma_wait3A_151 = tpu.memref_slice %arg11[%dma_wait3A_149, %dma_wait3A_150] : memref<10112x128xbf16, #tpu.memory_space<vmem_shared>> -> memref<10112x128xbf16, #tpu.memory_space<vmem_shared>>
    tpu.wait_indirect_dma semaphore(%arg19 : memref<!tpu.dma_semaphore, #tpu.memory_space<semaphore_mem>>) src(%dma_wait3A_145 : memref<128x128xbf16, #tpu.memory_space<vmem>>) dst(%dma_wait3A_151 : memref<10112x128xbf16, #tpu.memory_space<vmem_shared>>)
    %barrier3A_152 = arith.constant 0 : index
    tpu.barrier barrier_id(%barrier3A_152)
    %mul3A_153 = arith.constant 632 : i32
    %mul3A_154 = arith.muli %arg1, %mul3A_153 : i32
    %mul3A_155 = arith.constant 632 : i32
    %mul3A_156 = arith.muli %arg1, %mul3A_155 : i32
    "tpu.region"() ({
      %run_scoped3A = tpu.sem_alloc : memref<!tpu.dma_semaphore, #tpu.memory_space<semaphore_mem>>
      %dma_start3A_157 = arith.constant 0 : i32
      %dma_start3A_158 = tpu.memref_slice %arg6[%arg0, %mul3A_156, %dma_start3A_157] : memref<2x10112x128xbf16, #tpu.memory_space<hbm>> -> memref<1x632x128xbf16, #tpu.memory_space<hbm>>
      %dma_start3A_159 = tpu.memref_squeeze %dma_start3A_158 : memref<1x632x128xbf16, #tpu.memory_space<hbm>> -> memref<632x128xbf16, #tpu.memory_space<hbm>>
      %dma_start3A_160 = arith.constant 0 : i32
      %dma_start3A_161 = tpu.memref_slice %arg11[%mul3A_154, %dma_start3A_160] : memref<10112x128xbf16, #tpu.memory_space<vmem_shared>> -> memref<632x128xbf16, #tpu.memory_space<vmem_shared>>
      tpu.enqueue_dma source(%dma_start3A_161 : memref<632x128xbf16, #tpu.memory_space<vmem_shared>>) target(%dma_start3A_159 : memref<632x128xbf16, #tpu.memory_space<hbm>>) target_semaphore(%run_scoped3A : memref<!tpu.dma_semaphore, #tpu.memory_space<semaphore_mem>>)
      %dma_wait3A_162 = arith.constant 0 : i32
      %dma_wait3A_163 = tpu.memref_slice %arg6[%arg0, %mul3A_156, %dma_wait3A_162] : memref<2x10112x128xbf16, #tpu.memory_space<hbm>> -> memref<1x632x128xbf16, #tpu.memory_space<hbm>>
      %dma_wait3A_164 = tpu.memref_squeeze %dma_wait3A_163 : memref<1x632x128xbf16, #tpu.memory_space<hbm>> -> memref<632x128xbf16, #tpu.memory_space<hbm>>
      %dma_wait3A_165 = arith.constant 0 : i32
      %dma_wait3A_166 = tpu.memref_slice %arg11[%mul3A_154, %dma_wait3A_165] : memref<10112x128xbf16, #tpu.memory_space<vmem_shared>> -> memref<632x128xbf16, #tpu.memory_space<vmem_shared>>
      tpu.wait_dma2 semaphore(%run_scoped3A : memref<!tpu.dma_semaphore, #tpu.memory_space<semaphore_mem>>) src(%dma_wait3A_166 : memref<632x128xbf16, #tpu.memory_space<vmem_shared>>) dst(%dma_wait3A_164 : memref<632x128xbf16, #tpu.memory_space<hbm>>)
      tpu.yield
    }) : () -> ()
    return
  }
}

#map = affine_map<(d0, d1) -> (0, 0, 0, 0)>
#map1 = affine_map<(d0, d1) -> (0, 0)>
#map2 = affine_map<(d0, d1) -> (0, 0, 0)>
module attributes {stable_mosaic.version = 14 : i64} {
  func.func @_deg_body(%arg0: i32, %arg1: i32, %arg2: memref<2x16x80x128xi32, #tpu.memory_space<hbm>>, %arg3: memref<10112x8xf32, #tpu.memory_space<hbm>>, %arg4: memref<128x8xf32, #tpu.memory_space<hbm>>, %arg5: memref<2x10112x8xf32, #tpu.memory_space<hbm>>, %arg6: memref<80x128xi32, #tpu.memory_space<vmem>>, %arg7: memref<128x8xf32, #tpu.memory_space<vmem>>, %arg8: memref<10112x8xf32, #tpu.memory_space<vmem_shared>>, %arg9: memref<!tpu.dma_semaphore, #tpu.memory_space<semaphore_mem>>) attributes {dimension_semantics = [#tpu.dimension_semantics<core_parallel>, #tpu.dimension_semantics<subcore_parallel>], iteration_bounds = array<i64: 2, 16>, scalar_prefetch = 0 : i64, scratch_operands = 4 : i64, tpu.core_type = #tpu.core_type<sc_vector_subcore>, window_params = [{transform_indices = #map}, {transform_indices = #map1}, {transform_indices = #map1}, {transform_indices = #map2}]} {
    %mul3A = arith.constant 632 : i32
    %mul3A_0 = arith.muli %arg1, %mul3A : i32
    %mul3A_1 = arith.constant 632 : i32
    %mul3A_2 = arith.muli %arg1, %mul3A_1 : i32
    "tpu.region"() ({
      %run_scoped3A = tpu.sem_alloc : memref<!tpu.dma_semaphore, #tpu.memory_space<semaphore_mem>>
      %dma_start3A = arith.constant 0 : i32
      %dma_start3A_13 = tpu.memref_slice %arg8[%mul3A_2, %dma_start3A] : memref<10112x8xf32, #tpu.memory_space<vmem_shared>> -> memref<632x8xf32, #tpu.memory_space<vmem_shared>>
      %dma_start3A_14 = arith.constant 0 : i32
      %dma_start3A_15 = tpu.memref_slice %arg3[%mul3A_0, %dma_start3A_14] : memref<10112x8xf32, #tpu.memory_space<hbm>> -> memref<632x8xf32, #tpu.memory_space<hbm>>
      tpu.enqueue_dma source(%dma_start3A_15 : memref<632x8xf32, #tpu.memory_space<hbm>>) target(%dma_start3A_13 : memref<632x8xf32, #tpu.memory_space<vmem_shared>>) target_semaphore(%run_scoped3A : memref<!tpu.dma_semaphore, #tpu.memory_space<semaphore_mem>>)
      %dma_wait3A = arith.constant 0 : i32
      %dma_wait3A_16 = tpu.memref_slice %arg8[%mul3A_2, %dma_wait3A] : memref<10112x8xf32, #tpu.memory_space<vmem_shared>> -> memref<632x8xf32, #tpu.memory_space<vmem_shared>>
      %dma_wait3A_17 = arith.constant 0 : i32
      %dma_wait3A_18 = tpu.memref_slice %arg3[%mul3A_0, %dma_wait3A_17] : memref<10112x8xf32, #tpu.memory_space<hbm>> -> memref<632x8xf32, #tpu.memory_space<hbm>>
      tpu.wait_dma2 semaphore(%run_scoped3A : memref<!tpu.dma_semaphore, #tpu.memory_space<semaphore_mem>>) src(%dma_wait3A_18 : memref<632x8xf32, #tpu.memory_space<hbm>>) dst(%dma_wait3A_16 : memref<632x8xf32, #tpu.memory_space<vmem_shared>>)
      tpu.yield
    }) : () -> ()
    "tpu.region"() ({
      %run_scoped3A = tpu.sem_alloc : memref<!tpu.dma_semaphore, #tpu.memory_space<semaphore_mem>>
      tpu.enqueue_dma source(%arg4 : memref<128x8xf32, #tpu.memory_space<hbm>>) target(%arg7 : memref<128x8xf32, #tpu.memory_space<vmem>>) target_semaphore(%run_scoped3A : memref<!tpu.dma_semaphore, #tpu.memory_space<semaphore_mem>>)
      tpu.wait_dma2 semaphore(%run_scoped3A : memref<!tpu.dma_semaphore, #tpu.memory_space<semaphore_mem>>) src(%arg4 : memref<128x8xf32, #tpu.memory_space<hbm>>) dst(%arg7 : memref<128x8xf32, #tpu.memory_space<vmem>>)
      tpu.yield
    }) : () -> ()
    "tpu.region"() ({
      %run_scoped3A = tpu.sem_alloc : memref<!tpu.dma_semaphore, #tpu.memory_space<semaphore_mem>>
      %dma_start3A = arith.constant 0 : i32
      %dma_start3A_13 = arith.constant 0 : i32
      %dma_start3A_14 = tpu.memref_slice %arg2[%arg0, %arg1, %dma_start3A, %dma_start3A_13] : memref<2x16x80x128xi32, #tpu.memory_space<hbm>> -> memref<1x1x80x128xi32, #tpu.memory_space<hbm>>
      %dma_start3A_15 = tpu.memref_squeeze %dma_start3A_14 : memref<1x1x80x128xi32, #tpu.memory_space<hbm>> -> memref<80x128xi32, #tpu.memory_space<hbm>>
      %dma_start3A_16 = arith.constant 0 : i32
      %dma_start3A_17 = arith.constant 0 : i32
      %dma_start3A_18 = tpu.memref_slice %arg2[%arg0, %arg1, %dma_start3A_16, %dma_start3A_17] : memref<2x16x80x128xi32, #tpu.memory_space<hbm>> -> memref<1x1x80x128xi32, #tpu.memory_space<hbm>>
      %dma_start3A_19 = tpu.memref_squeeze %dma_start3A_18 : memref<1x1x80x128xi32, #tpu.memory_space<hbm>> -> memref<80x128xi32, #tpu.memory_space<hbm>>
      tpu.enqueue_dma source(%dma_start3A_19 : memref<80x128xi32, #tpu.memory_space<hbm>>) target(%arg6 : memref<80x128xi32, #tpu.memory_space<vmem>>) target_semaphore(%run_scoped3A : memref<!tpu.dma_semaphore, #tpu.memory_space<semaphore_mem>>)
      %dma_wait3A = arith.constant 0 : i32
      %dma_wait3A_20 = arith.constant 0 : i32
      %dma_wait3A_21 = tpu.memref_slice %arg2[%arg0, %arg1, %dma_wait3A, %dma_wait3A_20] : memref<2x16x80x128xi32, #tpu.memory_space<hbm>> -> memref<1x1x80x128xi32, #tpu.memory_space<hbm>>
      %dma_wait3A_22 = tpu.memref_squeeze %dma_wait3A_21 : memref<1x1x80x128xi32, #tpu.memory_space<hbm>> -> memref<80x128xi32, #tpu.memory_space<hbm>>
      %dma_wait3A_23 = arith.constant 0 : i32
      %dma_wait3A_24 = arith.constant 0 : i32
      %dma_wait3A_25 = tpu.memref_slice %arg2[%arg0, %arg1, %dma_wait3A_23, %dma_wait3A_24] : memref<2x16x80x128xi32, #tpu.memory_space<hbm>> -> memref<1x1x80x128xi32, #tpu.memory_space<hbm>>
      %dma_wait3A_26 = tpu.memref_squeeze %dma_wait3A_25 : memref<1x1x80x128xi32, #tpu.memory_space<hbm>> -> memref<80x128xi32, #tpu.memory_space<hbm>>
      tpu.wait_dma2 semaphore(%run_scoped3A : memref<!tpu.dma_semaphore, #tpu.memory_space<semaphore_mem>>) src(%dma_wait3A_26 : memref<80x128xi32, #tpu.memory_space<hbm>>) dst(%arg6 : memref<80x128xi32, #tpu.memory_space<vmem>>)
      tpu.yield
    }) : () -> ()
    %barrier3A = arith.constant 0 : index
    tpu.barrier barrier_id(%barrier3A)
    %scan3A = arith.constant 0 : i32
    %scan3A_3 = arith.constant 0 : i32
    %scan3A_4 = arith.constant 2 : i32
    %scan3A_5 = arith.addi %scan3A_3, %scan3A_4 : i32
    %scan3A_6 = arith.constant 1 : i32
    scf.for %scan3A_13 = %scan3A_3 to %scan3A_5 step %scan3A_6  : i32 {
      %scan3A_14 = arith.constant 0 : i32
      %scan3A_15 = arith.constant 40 : i32
      %scan3A_16 = arith.addi %scan3A_14, %scan3A_15 : i32
      %scan3A_17 = arith.constant 1 : i32
      scf.for %scan3A_24 = %scan3A_14 to %scan3A_16 step %scan3A_17  : i32 {
        %mul3A_25 = arith.constant 40 : i32
        %mul3A_26 = arith.muli %scan3A_13, %mul3A_25 : i32
        %add3A = arith.addi %mul3A_26, %scan3A_24 : i32
        %dma_start3A = arith.constant 0 : i32
        %dma_start3A_27 = tpu.memref_slice %arg6[%add3A, %dma_start3A] : memref<80x128xi32, #tpu.memory_space<vmem>> -> memref<1x128xi32, #tpu.memory_space<vmem>>
        %dma_start3A_28 = tpu.memref_squeeze %dma_start3A_27 : memref<1x128xi32, #tpu.memory_space<vmem>> -> memref<128xi32, #tpu.memory_space<vmem>>
        %dma_start3A_29 = arith.constant 0 : i32
        %dma_start3A_30 = arith.constant 0 : i32
        %dma_start3A_31 = tpu.memref_slice %arg8[%dma_start3A_29, %dma_start3A_30] : memref<10112x8xf32, #tpu.memory_space<vmem_shared>> -> memref<10112x8xf32, #tpu.memory_space<vmem_shared>>
        tpu.enqueue_indirect_dma source(%arg7 : memref<128x8xf32, #tpu.memory_space<vmem>>) target(%dma_start3A_31 : memref<10112x8xf32, #tpu.memory_space<vmem_shared>>) offsets(%dma_start3A_28 : memref<128xi32, #tpu.memory_space<vmem>>) semaphore(%arg9 : memref<!tpu.dma_semaphore, #tpu.memory_space<semaphore_mem>>) {add = true}
      }
      %scan3A_18 = arith.constant 40 : i32
      %scan3A_19 = arith.constant 0 : i32
      %scan3A_20 = arith.constant 40 : i32
      %scan3A_21 = arith.addi %scan3A_19, %scan3A_20 : i32
      %scan3A_22 = arith.constant 1 : i32
      scf.for %scan3A_24 = %scan3A_19 to %scan3A_21 step %scan3A_22  : i32 {
        %mul3A_25 = arith.constant 40 : i32
        %mul3A_26 = arith.muli %scan3A_13, %mul3A_25 : i32
        %add3A = arith.addi %mul3A_26, %scan3A_24 : i32
        %dma_wait3A = arith.constant 0 : i32
        %dma_wait3A_27 = tpu.memref_slice %arg6[%add3A, %dma_wait3A] : memref<80x128xi32, #tpu.memory_space<vmem>> -> memref<1x128xi32, #tpu.memory_space<vmem>>
        %dma_wait3A_28 = tpu.memref_squeeze %dma_wait3A_27 : memref<1x128xi32, #tpu.memory_space<vmem>> -> memref<128xi32, #tpu.memory_space<vmem>>
        %dma_wait3A_29 = arith.constant 0 : i32
        %dma_wait3A_30 = arith.constant 0 : i32
        %dma_wait3A_31 = tpu.memref_slice %arg8[%dma_wait3A_29, %dma_wait3A_30] : memref<10112x8xf32, #tpu.memory_space<vmem_shared>> -> memref<10112x8xf32, #tpu.memory_space<vmem_shared>>
        tpu.wait_indirect_dma semaphore(%arg9 : memref<!tpu.dma_semaphore, #tpu.memory_space<semaphore_mem>>) src(%arg7 : memref<128x8xf32, #tpu.memory_space<vmem>>) dst(%dma_wait3A_31 : memref<10112x8xf32, #tpu.memory_space<vmem_shared>>)
      }
      %scan3A_23 = arith.constant 40 : i32
    }
    %scan3A_7 = arith.constant 2 : i32
    %barrier3A_8 = arith.constant 0 : index
    tpu.barrier barrier_id(%barrier3A_8)
    %mul3A_9 = arith.constant 632 : i32
    %mul3A_10 = arith.muli %arg1, %mul3A_9 : i32
    %mul3A_11 = arith.constant 632 : i32
    %mul3A_12 = arith.muli %arg1, %mul3A_11 : i32
    "tpu.region"() ({
      %run_scoped3A = tpu.sem_alloc : memref<!tpu.dma_semaphore, #tpu.memory_space<semaphore_mem>>
      %dma_start3A = arith.constant 0 : i32
      %dma_start3A_13 = tpu.memref_slice %arg5[%arg0, %mul3A_12, %dma_start3A] : memref<2x10112x8xf32, #tpu.memory_space<hbm>> -> memref<1x632x8xf32, #tpu.memory_space<hbm>>
      %dma_start3A_14 = tpu.memref_squeeze %dma_start3A_13 : memref<1x632x8xf32, #tpu.memory_space<hbm>> -> memref<632x8xf32, #tpu.memory_space<hbm>>
      %dma_start3A_15 = arith.constant 0 : i32
      %dma_start3A_16 = tpu.memref_slice %arg8[%mul3A_10, %dma_start3A_15] : memref<10112x8xf32, #tpu.memory_space<vmem_shared>> -> memref<632x8xf32, #tpu.memory_space<vmem_shared>>
      tpu.enqueue_dma source(%dma_start3A_16 : memref<632x8xf32, #tpu.memory_space<vmem_shared>>) target(%dma_start3A_14 : memref<632x8xf32, #tpu.memory_space<hbm>>) target_semaphore(%run_scoped3A : memref<!tpu.dma_semaphore, #tpu.memory_space<semaphore_mem>>)
      %dma_wait3A = arith.constant 0 : i32
      %dma_wait3A_17 = tpu.memref_slice %arg5[%arg0, %mul3A_12, %dma_wait3A] : memref<2x10112x8xf32, #tpu.memory_space<hbm>> -> memref<1x632x8xf32, #tpu.memory_space<hbm>>
      %dma_wait3A_18 = tpu.memref_squeeze %dma_wait3A_17 : memref<1x632x8xf32, #tpu.memory_space<hbm>> -> memref<632x8xf32, #tpu.memory_space<hbm>>
      %dma_wait3A_19 = arith.constant 0 : i32
      %dma_wait3A_20 = tpu.memref_slice %arg8[%mul3A_10, %dma_wait3A_19] : memref<10112x8xf32, #tpu.memory_space<vmem_shared>> -> memref<632x8xf32, #tpu.memory_space<vmem_shared>>
      tpu.wait_dma2 semaphore(%run_scoped3A : memref<!tpu.dma_semaphore, #tpu.memory_space<semaphore_mem>>) src(%dma_wait3A_20 : memref<632x8xf32, #tpu.memory_space<vmem_shared>>) dst(%dma_wait3A_18 : memref<632x8xf32, #tpu.memory_space<hbm>>)
      tpu.yield
    }) : () -> ()
    return
  }
}

module attributes {stable_mosaic.version = 14 : i64} {
  func.func @_prescale_body(%arg0: i32, %arg1: i32, %arg2: memref<2000x128xf32, #tpu.memory_space<vmem>>, %arg3: memref<1x2000x8xf32, #tpu.memory_space<vmem>>, %arg4: memref<1x2000x128xbf16, #tpu.memory_space<vmem>>) attributes {dimension_semantics = [#tpu.dimension_semantics<arbitrary>, #tpu.dimension_semantics<arbitrary>], iteration_bounds = array<i64: 2, 5>, scalar_prefetch = 0 : i64, scratch_operands = 0 : i64, tpu.core_type = #tpu.core_type<tc>, window_params = [{transform_indices = @transform_0, window_bounds = array<i64: 2000, 128>}, {transform_indices = @transform_1, window_bounds = array<i64: 1, 2000, 8>}, {transform_indices = @transform_2, window_bounds = array<i64: 1, 2000, 128>}]} {
    %get3A = arith.constant 0 : index
    %get3A_0 = arith.constant 0 : index
    %get3A_1 = arith.constant 0 : index
    %get3A_2 = vector.load %arg3[%get3A, %get3A_0, %get3A_1] : memref<1x2000x8xf32, #tpu.memory_space<vmem>>, vector<1x2000x1xf32>
    %get3A_3 = vector.shape_cast %get3A_2 : vector<1x2000x1xf32> to vector<2000x1xf32>
    %max3A = arith.constant 1.000000e+00 : f32
    %max3A_4 = vector.broadcast %max3A : f32 to vector<2000x1xf32>
    %max3A_5 = arith.maximumf %get3A_3, %max3A_4 : vector<2000x1xf32>
    %rsqrt3A = math.rsqrt %max3A_5 : vector<2000x1xf32>
    %get3A_6 = arith.constant 0 : index
    %get3A_7 = arith.constant 0 : index
    %get3A_8 = vector.load %arg2[%get3A_6, %get3A_7] : memref<2000x128xf32, #tpu.memory_space<vmem>>, vector<2000x128xf32>
    %mul3A = vector.broadcast %rsqrt3A : vector<2000x1xf32> to vector<2000x128xf32>
    %mul3A_9 = arith.mulf %get3A_8, %mul3A : vector<2000x128xf32>
    %broadcast_in_dim3A = vector.shape_cast %mul3A_9 : vector<2000x128xf32> to vector<1x2000x128xf32>
    %convert_element_type3A = arith.truncf %broadcast_in_dim3A : vector<1x2000x128xf32> to vector<1x2000x128xbf16>
    %swap3A = arith.constant 0 : index
    %swap3A_10 = arith.constant 0 : index
    %swap3A_11 = arith.constant 0 : index
    %swap3A_12 = vector.load %arg4[%swap3A, %swap3A_10, %swap3A_11] : memref<1x2000x128xbf16, #tpu.memory_space<vmem>>, vector<1x2000x128xbf16>
    tpu.vector_store %arg4[%swap3A, %swap3A_10, %swap3A_11], %convert_element_type3A {strides = array<i32>} : memref<1x2000x128xbf16, #tpu.memory_space<vmem>>, vector<1x2000x128xbf16>,
    return
  }
  func.func @transform_0(%arg0: i32, %arg1: i32) -> (i32, i32) {
    %c0_i32 = arith.constant 0 : i32
    return %arg1, %arg0 : i32, i32
  }
  func.func @transform_1(%arg0: i32, %arg1: i32) -> (i32, i32, i32) {
    %c0_i32 = arith.constant 0 : i32
    %c0_i32_0 = arith.constant 0 : i32
    %c0_i32_1 = arith.constant 0 : i32
    return %c0_i32, %arg1, %c0_i32_0 : i32, i32, i32
  }
  func.func @transform_2(%arg0: i32, %arg1: i32) -> (i32, i32, i32) {
    %c0_i32 = arith.constant 0 : i32
    %c0_i32_0 = arith.constant 0 : i32
    return %arg0, %arg1, %c0_i32 : i32, i32, i32
  }
}

module attributes {stable_mosaic.version = 14 : i64} {
  func.func @_final_body(%arg0: i32, %arg1: memref<2x2000x128xbf16, #tpu.memory_space<vmem>>, %arg2: memref<1x2000x8xf32, #tpu.memory_space<vmem>>, %arg3: memref<256x256xf32, #tpu.memory_space<vmem>>, %arg4: memref<1x256xf32, #tpu.memory_space<vmem>>, %arg5: memref<2000x256xf32, #tpu.memory_space<vmem>>) attributes {dimension_semantics = [#tpu.dimension_semantics<arbitrary>], iteration_bounds = array<i64: 5>, scalar_prefetch = 0 : i64, scratch_operands = 0 : i64, tpu.core_type = #tpu.core_type<tc>, window_params = [{transform_indices = @transform_0, window_bounds = array<i64: 2, 2000, 128>}, {transform_indices = @transform_1, window_bounds = array<i64: 1, 2000, 8>}, {pipeline_mode = #tpu.pipeline_mode<synchronous>, transform_indices = @transform_2, window_bounds = array<i64: 256, 256>}, {pipeline_mode = #tpu.pipeline_mode<synchronous>, transform_indices = @transform_3, window_bounds = array<i64: 1, 256>}, {transform_indices = @transform_4, window_bounds = array<i64: 2000, 256>}]} {
    %get3A = arith.constant 0 : index
    %get3A_0 = arith.constant 0 : index
    %get3A_1 = arith.constant 0 : index
    %get3A_2 = vector.load %arg2[%get3A, %get3A_0, %get3A_1] : memref<1x2000x8xf32, #tpu.memory_space<vmem>>, vector<1x2000x1xf32>
    %get3A_3 = vector.shape_cast %get3A_2 : vector<1x2000x1xf32> to vector<2000x1xf32>
    %max3A = arith.constant 1.000000e+00 : f32
    %max3A_4 = vector.broadcast %max3A : f32 to vector<2000x1xf32>
    %max3A_5 = arith.maximumf %get3A_3, %max3A_4 : vector<2000x1xf32>
    %rsqrt3A = math.rsqrt %max3A_5 : vector<2000x1xf32>
    %get3A_6 = arith.constant 0 : index
    %get3A_7 = arith.constant 0 : index
    %get3A_8 = arith.constant 0 : index
    %get3A_9 = vector.load %arg1[%get3A_6, %get3A_7, %get3A_8] : memref<2x2000x128xbf16, #tpu.memory_space<vmem>>, vector<1x2000x128xbf16>
    %get3A_10 = vector.shape_cast %get3A_9 : vector<1x2000x128xbf16> to vector<2000x128xbf16>
    %convert_element_type3A = arith.extf %get3A_10 : vector<2000x128xbf16> to vector<2000x128xf32>
    %get3A_11 = arith.constant 1 : index
    %get3A_12 = arith.constant 0 : index
    %get3A_13 = arith.constant 0 : index
    %get3A_14 = vector.load %arg1[%get3A_11, %get3A_12, %get3A_13] : memref<2x2000x128xbf16, #tpu.memory_space<vmem>>, vector<1x2000x128xbf16>
    %get3A_15 = vector.shape_cast %get3A_14 : vector<1x2000x128xbf16> to vector<2000x128xbf16>
    %convert_element_type3A_16 = arith.extf %get3A_15 : vector<2000x128xbf16> to vector<2000x128xf32>
    %get3A_17 = arith.constant 0 : index
    %get3A_18 = arith.constant 0 : index
    %get3A_19 = vector.load %arg3[%get3A_17, %get3A_18] : memref<256x256xf32, #tpu.memory_space<vmem>>, vector<128x256xf32>
    %dot_general3A = arith.constant dense<0.000000e+00> : vector<2000x256xf32>
    %dot_general3A_20 = tpu.matmul %convert_element_type3A, %get3A_19, %dot_general3A {dimension_numbers = #tpu.dot_dimension_numbers<[1], [0], [0], [1], [0, 0, 1, 1], [], []>, transpose_lhs_hint = false} : vector<2000x128xf32>, vector<128x256xf32>, vector<2000x256xf32> -> vector<2000x256xf32>
    %get3A_21 = arith.constant 128 : index
    %get3A_22 = arith.constant 0 : index
    %get3A_23 = vector.load %arg3[%get3A_21, %get3A_22] : memref<256x256xf32, #tpu.memory_space<vmem>>, vector<128x256xf32>
    %dot_general3A_24 = arith.constant dense<0.000000e+00> : vector<2000x256xf32>
    %dot_general3A_25 = tpu.matmul %convert_element_type3A_16, %get3A_23, %dot_general3A_24 {dimension_numbers = #tpu.dot_dimension_numbers<[1], [0], [0], [1], [0, 0, 1, 1], [], []>, transpose_lhs_hint = false} : vector<2000x128xf32>, vector<128x256xf32>, vector<2000x256xf32> -> vector<2000x256xf32>
    %add3A = arith.addf %dot_general3A_20, %dot_general3A_25 : vector<2000x256xf32>
    %mul3A = vector.broadcast %rsqrt3A : vector<2000x1xf32> to vector<2000x256xf32>
    %mul3A_26 = arith.mulf %add3A, %mul3A : vector<2000x256xf32>
    %get3A_27 = arith.constant 0 : index
    %get3A_28 = arith.constant 0 : index
    %get3A_29 = vector.load %arg4[%get3A_27, %get3A_28] : memref<1x256xf32, #tpu.memory_space<vmem>>, vector<1x256xf32>
    %add3A_30 = vector.broadcast %get3A_29 : vector<1x256xf32> to vector<2000x256xf32>
    %add3A_31 = arith.addf %mul3A_26, %add3A_30 : vector<2000x256xf32>
    %swap3A = arith.constant 0 : index
    %swap3A_32 = arith.constant 0 : index
    %swap3A_33 = vector.load %arg5[%swap3A, %swap3A_32] : memref<2000x256xf32, #tpu.memory_space<vmem>>, vector<2000x256xf32>
    tpu.vector_store %arg5[%swap3A, %swap3A_32], %add3A_31 {strides = array<i32>} : memref<2000x256xf32, #tpu.memory_space<vmem>>, vector<2000x256xf32>,
    return
  }
  func.func @transform_0(%arg0: i32) -> (i32, i32, i32) {
    %c0_i32 = arith.constant 0 : i32
    %c0_i32_0 = arith.constant 0 : i32
    %c0_i32_1 = arith.constant 0 : i32
    return %c0_i32, %arg0, %c0_i32_0 : i32, i32, i32
  }
  func.func @transform_1(%arg0: i32) -> (i32, i32, i32) {
    %c1_i32 = arith.constant 1 : i32
    %c0_i32 = arith.constant 0 : i32
    %c0_i32_0 = arith.constant 0 : i32
    return %c1_i32, %arg0, %c0_i32 : i32, i32, i32
  }
  func.func @transform_2(%arg0: i32) -> (i32, i32) {
    %c0_i32 = arith.constant 0 : i32
    %c0_i32_0 = arith.constant 0 : i32
    %c0_i32_1 = arith.constant 0 : i32
    return %c0_i32, %c0_i32_0 : i32, i32
  }
  func.func @transform_3(%arg0: i32) -> (i32, i32) {
    %c0_i32 = arith.constant 0 : i32
    %c0_i32_0 = arith.constant 0 : i32
    %c0_i32_1 = arith.constant 0 : i32
    return %c0_i32, %c0_i32_0 : i32, i32
  }
  func.func @transform_4(%arg0: i32) -> (i32, i32) {
    %c0_i32 = arith.constant 0 : i32
    %c0_i32_0 = arith.constant 0 : i32
    return %arg0, %c0_i32 : i32, i32
  }
}

</mosaic_0001>

<sc_bundles>
// kernel: kernel.6.cloned.1.call-start
scs
__scs_entry_jumppad:
0x0: {  	(pc) =	sbr.rel $0x88, $3  }
0x1: {  	(tag) =	ssettag $0x0;
	lr =	simm.s32 $0x1  }
0x2: {  	[smem:$0x3F9D] =	sst lr;
	_ =	strace $0xD0000000  }
0x3: {  	_ = 	snop  }
0x4: {  	_ = 	snop  }
0x5: {  	_ = 	snop  }
0x6: {  	_ = 	snop  }
0x7: {  	_ = 	snop  }
__scs_overlays_trampoline_lowered:
0x8: {  	[smem:$0x3FAC] =	sst s0  }
0x9: {  	[smem:$0x3FAD] =	sst s1  }
0xa: {  	[smem:$0x3FAE] =	sst s2  }
0xb: {  	[smem:$0x3FAF] =	sst s3  }
0xc: {  	[smem:$0x3FB0] =	sst s4  }
0xd: {  	[smem:$0x3FB1] =	sst s5  }
0xe: {  	[smem:$0x3FB2] =	sst s6  }
0xf: {  	[smem:$0x3FB3] =	sst s7  }
0x10: {  	[smem:$0x3FB4] =	sst s8  }
0x11: {  	[smem:$0x3FB5] =	sst s9;
	s0 =	simm.s32 @!p0 $0x0  }
0x12: {  	s1 =	sld [smem:$0x3F9B];
	s0 =	simm.s32 @p0 $0x1  }
0x13: {  	[smem:$0x3FB6] =	sst s0;
	s0 =	simm.s32 @!p1 $0x0  }
0x14: {  	s2 =	sld [smem:$0x3F9A];
	s0 =	simm.s32 @p1 $0x1  }
0x15: {  	[smem:$0x3FB7] =	sst s0;
	s0 =	simm.s32 @!p2 $0x0  }
0x16: {  	s3 =	sld [smem:$0x3FDB];
	s0 =	simm.s32 @p2 $0x1  }
0x17: {  	s4 =	simm.s32 $0x1BF5;
	[smem:$0x3FB9] =	sst s0  }
0x18: {  	s0 =	sld [smem:$0x3F9C];
	_ =	swait.ge [sflag:s4], $0x0  }
0x19: {  	s7 =	sld [smem:$0x3F9D]  }
0x1a: {  	s8 =	sadd.s32 $0xFFFFE003, lr  }
0x1b: {  	s9 =	sadd.s32 $0xFFFFFEF7, lr;
	s5 =	simm.s32 $0xFFFFFFFF;
	p2 =	slt.u32 s8, $0xFFFFF086  }
0x1c: {  	p1 =	slt.u32 s9, $0xF7A;
	s5 =	simm.s32 @!p2 $0x0  }
0x1d: {  	s5 =	simm.s32 @p1 $0x1;
	p0 =	seq.s32 s7, s2  }
0x1e: {  	s7 =	smul.u32 @!p0 $0xF7A, s2;
	p2 =	seq.s32 @!p0 s5, $0x0  }
0x1f: {  	s9 =	smul.u32 $0xF7A, s1;
	s8 =	simm.s32 @!p0 $0x1BF5;
	p2 =	por !p2, p0  }
0x20: {  	[sflag:s8] =	ssyncset.s32 @!p0 $0xFFFFF086;
	s6 =	sadd.s32 @!p0 s3, s7;
	s7 =	simm.s32 @!p0 $0x108  }
0x21: {  	s3 =	sadd.s32 s3, s9;
	s6 =	sadd.s32 @!p0 $0x88, s6;
	s7 =	simm.s32 @p2 $0x1082  }
0x22: {  	[simem:s7], [sflag:s8] =	dma.local @!p0 [hbm:s6], $0xF7A  }
0x23: {  	s9 =	sor.u32 $0xD0000000, s2;
	s6 =	simm.s32 $0x108;
	_ =	swait.ge @!p0 [sflag:s8], $0x0  }
0x24: {  	s3 =	sadd.s32 $0x88, s3;
	s6 =	simm.s32 @!p1 $0x1082;
	[sflag:s4] =	ssyncset.s32 $0xFFFFF086  }
0x25: {  	[simem:s6], [sflag:s4] =	dma.local [hbm:s3], $0xF7A  }
0x26: {  	[smem:$0x3F9D] =	sst s1;
	(tag) =	ssettag s2;
	_ =	strace s9  }
0x27: {  	s1 =	sld [smem:$0x3FAD]  }
0x28: {  	s2 =	sld [smem:$0x3FAE]  }
0x29: {  	s4 =	sld [smem:$0x3FB0]  }
0x2a: {  	p0 =	seq.s32 s5, $0x0;
	s5 =	sld [smem:$0x3FB1]  }
0x2b: {  	s6 =	sld [smem:$0x3FB2]  }
0x2c: {  	s7 =	sld [smem:$0x3FB3]  }
0x2d: {  	s3 =	simm.s32 $0x108;
	s8 =	sld [smem:$0x3FB4]  }
0x2e: {  	s3 =	simm.s32 @!p0 $0x1082;
	s9 =	sld [smem:$0x3FB5]  }
0x2f: {  	lr =	sadd.s32 s0, s3;
	s0 =	sld [smem:$0x3FAC]  }
0x30: {  	s3 =	sld [smem:$0x3FAF]  }
0x31: {  	[smem:$0x3FB8] =	sst s10  }
0x32: {  	s10 =	sld [smem:$0x3FB6];
	_ =	sdelay $0x3  }
0x33: {  	p0 =	seq.s32 s10, $0x1;
	s10 =	sld [smem:$0x3FB8];
	_ =	sdelay $0x3  }
0x34: {  	[smem:$0x3FB8] =	sst s10  }
0x35: {  	s10 =	sld [smem:$0x3FB7];
	_ =	sdelay $0x3  }
0x36: {  	p1 =	seq.s32 s10, $0x1;
	s10 =	sld [smem:$0x3FB8];
	_ =	sdelay $0x3  }
0x37: {  	[smem:$0x3FB8] =	sst s10  }
0x38: {  	s10 =	sld [smem:$0x3FB9]  }
0x39: {  	_ = 	snop;
	(pc) =	sbr.ind lr, $3  }
0x3a: {  	_ = 	snop  }
0x3b: {  	_ = 	snop  }
0x3c: {  	p2 =	seq.s32 s10, $0x1;
	s10 =	sld [smem:$0x3FB8]  }
0x3d: {  	_ =	shalt  }
0x3e: {  	_ =	shalt  }
0x3f: {  	_ =	shalt  }
0x40: {  	_ =	shalt  }
0x41: {  	_ =	shalt  }
0x42: {  	_ =	shalt  }
0x43: {  	_ =	shalt  }
0x44: {  	_ =	shalt  }
0x45: {  	_ =	shalt  }
0x46: {  	_ =	shalt  }
0x47: {  	_ =	shalt  }
0x48: {  	_ =	shalt  }
0x49: {  	_ =	shalt  }
0x4a: {  	_ =	shalt  }
0x4b: {  	_ =	shalt  }
0x4c: {  	_ =	shalt  }
0x4d: {  	_ =	shalt  }
0x4e: {  	_ =	shalt  }
0x4f: {  	_ =	shalt  }
0x50: {  	_ =	shalt  }
0x51: {  	_ =	shalt  }
0x52: {  	_ =	shalt  }
0x53: {  	_ =	shalt  }
0x54: {  	_ =	shalt  }
0x55: {  	_ =	shalt  }
0x56: {  	_ =	shalt  }
0x57: {  	_ =	shalt  }
0x58: {  	_ =	shalt  }
0x59: {  	_ =	shalt  }
0x5a: {  	_ =	shalt  }
0x5b: {  	_ =	shalt  }
0x5c: {  	_ =	shalt  }
0x5d: {  	_ =	shalt  }
0x5e: {  	_ =	shalt  }
0x5f: {  	_ =	shalt  }
0x60: {  	_ =	shalt  }
0x61: {  	_ =	shalt  }
0x62: {  	_ =	shalt  }
0x63: {  	_ =	shalt  }
0x64: {  	_ =	shalt  }
0x65: {  	_ =	shalt  }
0x66: {  	_ =	shalt  }
0x67: {  	_ =	shalt  }
0x68: {  	_ =	shalt  }
0x69: {  	_ =	shalt  }
0x6a: {  	_ =	shalt  }
0x6b: {  	_ =	shalt  }
0x6c: {  	_ =	shalt  }
0x6d: {  	_ =	shalt  }
0x6e: {  	_ =	shalt  }
0x6f: {  	_ =	shalt  }
0x70: {  	_ =	shalt  }
0x71: {  	_ =	shalt  }
0x72: {  	_ =	shalt  }
0x73: {  	_ =	shalt  }
0x74: {  	_ =	shalt  }
0x75: {  	_ =	shalt  }
0x76: {  	_ =	shalt  }
0x77: {  	_ =	shalt  }
0x78: {  	_ =	shalt  }
0x79: {  	_ =	shalt  }
0x7a: {  	_ =	shalt  }
0x7b: {  	_ =	shalt  }
0x7c: {  	_ =	shalt  }
0x7d: {  	_ =	shalt  }
0x7e: {  	_ =	shalt  }
0x7f: {  	_ =	shalt  }
0x80: {  	_ =	shalt  }
0x81: {  	_ =	shalt  }
0x82: {  	_ =	shalt  }
0x83: {  	_ =	shalt  }
0x84: {  	_ =	shalt  }
0x85: {  	_ =	shalt  }
0x86: {  	_ =	shalt  }
0x87: {  	_ =	shalt  }
.Lfunc_end0:
.L_simem_size_0:
called_computation_lowered:
.L_overlay_start_0:
0x88: {  	s2 =	sld [smem:$0x3FD9]  }
0x89: {  	s3 =	sld [smem:$0x3FFE];
	_ =	sdelay $0x1  }
0x8a: {  	s1 =	srdreg.scid  }
0x8b: {  	s0 =	sand.u32 $0x1, s1  }
0x8c: {  	s17 =	sshll.u32 s0, $0xA;
	s2 =	sadd.s32 s3, s2  }
0x8d: {  	s2 =	sadd.s32 s2, s17  }
0x8e: {  	[smem:$0x3FC4] =	sst s2  }
0x8f: {  	_ = 	snop  }
0x90: {  	s2 =	sld [smem:$0x3FD0];
	(tm) =	ssettm $0x1  }
0x91: {  	s18 =	sld [smem:$0x3FFB];
	_ =	sdelay $0x3  }
0x92: {  	_ =	strace s18  }
0x93: {  	s3 =	sld [smem:$0x3FFC];
	_ =	sdelay $0x3  }
0x94: {  	_ =	strace s3  }
0x95: {  	s3 =	sld [smem:$0x3FFD];
	_ =	sdelay $0x3  }
0x96: {  	_ =	strace s3  }
0x97: {  	_ =	strace $0x8FFFFFFF  }
0x98: {  	s19 =	sld [smem:$0x3FDB];
	_ =	sdelay $0x1  }
0x99: {  	s4 =	simm.s32 $_scs_section_size  }
0x9a: {  	s5 =	simm.s32 $_size__tile_overlayer_lowered;
	s6 =	simm.s32 $_tile_overlayer_lowered  }
0x9b: {  	s22 =	simm.s32 $0x1BFF;
	s21 =	sshll.u32 s6, $0x1;
	s3 =	sadd.s32 s4, s19  }
0x9c: {  	s7 =	simm.s32 $0x0;
	s20 =	sshll.u32 s5, $0x1;
	s5 =	sadd.s32 s21, s3  }
0x9d: {  	[timem:s7], [sflag:s22] =	dma.local [hbm:s5], s20  }
0x9e: {  	_ =	swait.ge [sflag:s22], s20  }
0x9f: {  	s4 =	ssub.s32 $0x0, s20;
	[sflag:s22] =	ssyncset.done $0x0  }
0xa0: {  	[sflag:s22] =	ssyncadd.s32 s4;
	_ =	sdelay $0x1  }
0xa1: {  	s23 =	simm.s32 $0x1B8B  }
0xa2: {  	_ =	swait.ge [sflag:s23], $0x1  }
0xa3: {  	[sflag:s23] =	ssyncset.done $0x0  }
0xa4: {  	s25 =	simm.s32 $0x1B8E;
	s24 =	sld [smem:$0x3FFE];
	[sflag:s23] =	ssyncadd.s32 $0xFFFFFFFF  }
0xa5: {  	s26 =	simm.s32 $execute0_lowered;
	[smem:$0x3FD2] =	sst s25  }
0xa6: {  	s5 =	sshll.u32 s26, $0x1;
	_ =	strace $0x80000046;
	[dreg:$0x1] =	wrdreg $0xFFFFFFFF  }
0xa7: {  	s28 =	simm.s32 $_size_execute0_lowered;
	s3 =	sadd.s32 s3, s5;
	[dreg:$0x0] =	wrdreg $0x0  }
0xa8: {  	s5 =	sshll.u32 s28, $0x1;
	[dreg:$0x2] =	wrdreg s3  }
0xa9: {  	[dreg:$0x3] =	wrdreg s5  }
0xaa: {  	[dreg:$0x4] =	wrdreg $0xC0  }
0xab: {  	_ =	task [dreg:s7], $0x5FFFF  }
0xac: {  	[dreg:$0x1] =	wrdreg $0xFFFFFFFF  }
0xad: {  	[dreg:$0x0] =	wrdreg $0x60  }
0xae: {  	[dreg:$0x2] =	wrdreg s2  }
0xaf: {  	[dreg:$0x3] =	wrdreg s24  }
0xb0: {  	[dreg:$0x4] =	wrdreg $0x2C000  }
0xb1: {  	[dreg:$0x5] =	wrdreg $0x9  }
0xb2: {  	_ =	task.clear_ibuf [dreg:s7], $0x6FFFF;
	_ =	strace $0x90000046  }
0xb3: {  	s29 =	simm.s32 $0x9;
	_ =	strace $0x80000048  }
0xb4: {  	_ =	swait.ge [sflag:s29], $0x1  }
0xb5: {  	[sflag:s29] =	ssyncadd.s32 $0xFFFFFFFF  }
0xb6: {  	_ =	strace $0x90000048  }
0xb7: {  	_ =	sfence  }
0xb8: {  	s30 =	sld [smem:$0x0];
	_ =	sdelay $0x2  }
0xb9: {  	s31 =	sshll.u32 s1, $0xD;
	s1 =	sshrl.u32 s1, $0x2  }
0xba: {  	s3 =	sand.u32 $0x4000, s31;
	s1 =	sadd.s32 s1, s30  }
0xbb: {  	s0 =	sor.u32 s3, s0;
	s1 =	sshll.u32 s1, $0x11  }
0xbc: {  	s0 =	sor.u32 s1, s0  }
0xbd: {  	s0 =	sadd.s32 $0x8F2B, s0  }
0xbe: {  	[sflag:s0] =	ssyncadd.remote.s32 $0x1  }
0xbf: {  	_ =	sfence.sel $0xFFFF  }
0xc0: {  	[dreg:$0x0] =	wrdreg $0xFFFFFFFF;
	(pc) =	sbr.abs _section_cstart, $3  }
0xc1: {  	[dreg:$0x1] =	wrdreg $0xFFFFFFFF  }
0xc2: {  	_ =	task.clear_ibuf [dreg:s7], $0x2FFFF;
	_ =	strace $0x9FFFFFFF  }
0xc3: {  	(tm) =	ssettm $0x7FFFFFFF  }
tec
execute0_lowered:
.L_overlay_start_1:
0x0: {  	(tag) =	ssettag $0x1  }
0x1: {  	s0 =	rddreg [dreg:$0x0]  }
0x2: {  	s1 =	rddreg [dreg:$0x1]  }
0x3: {  	s2 =	rddreg [dreg:$0x2]  }
0x4: {  	s13 =	stileid.u32;
	s4 =	srdreg.scid  }
0x5: {  	s3 =	simm.s32 $0x0;
	s14 =	simm.s32 $0x1;
	s21 =	simm.s32 $0x2000  }
0x6: {  	s22 =	simm.s32 $0x2080;
	s23 =	simm.s32 $0x2100;
	s28 =	simm.s32 $0x2300  }
0x7: {  	s29 =	simm.s32 $0x2380;
	s30 =	simm.s32 $0x2400;
	s31 =	simm.s32 $0x2480  }
0x8: {  	s15 =	simm.s32 $0x2600;
	s16 =	simm.s32 $0x2680;
	s17 =	simm.s32 $0x2700  }
0x9: {  	s18 =	simm.s32 $0x2780;
	s19 =	simm.s32 $0x0;
	s5 =	smul.u32 $0x13C0, s13  }
0xa: {  	s4 =	sand.u32 $0x1, s4;
	[smem:$0x7FF] =	sst s3;
	s11 =	smul.u32 $0x2800, s13  }
0xb: {  	s24 =	sshll.u32 s13, $0x6;
	s13 =	simm.s32 $0x80;
	s7 =	smul.u32 $0x13C00, s4  }
0xc: {  	_ =	strace $0x80000047;
	s8 =	ssub.s32 $0x2, s4;
	s9 =	smul.u32 $0x28000, s4  }
0xd: {  	s4 =	sadd.s32 $0xC000, s1;
	s6 =	sshrl.u32 s5, $0x3;
	s10 =	sshrl.u32 s8, $0x1  }
0xe: {  	s12 =	sadd.s32 s5, s2;
	s6 =	sadd.s32 s6, s1;
	s7 =	sadd.s32 s5, s7  }
0xf: {  	s10 =	ssub.s32 s8, s10;
	s25 =	sadd.s32 s11, s9;
	s11 =	simm.s32 $0x2  }
0x10: {  	s7 =	sshrl.u32 s7, $0x3;
	s5 =	sadd.s32 $0xC200, s6;
	s6 =	sor.u32 $0x1C02, s24  }
0x11: {  	s26 =	sshrl.u32 s25, $0x3;
	s9 =	smax.u32 s10, $0x1;
	s10 =	sshrl.u32 s12, $0x3  }
0x12: {  	s12 =	simm.s32 $0x2800;
	s24 =	simm.s32 $0x2180;
	s25 =	simm.s32 $0x2200  }
0x13: {  	s1 =	sadd.s32 s7, s1;
	s7 =	sadd.s32 s0, s26;
	s26 =	simm.s32 $0x2280  }
0x14: {  	s0 =	simm.s32 $0x2580;
	s8 =	sadd.s32 $0xEA00, s1;
	s1 =	simm.s32 $0x2500  }
.LBB2_1:
0x15: {  	[spmem:s10], [sflag:s6] =	dma.local [hbm:s5], $0x278  }
0x16: {  	_ =	swait.ge [sflag:s11], $0x278  }
0x17: {  	[sflag:s11] =	ssyncset.done $0x0  }
0x18: {  	[sflag:s11] =	ssyncadd.s32 $0xFFFFFD88  }
0x19: {  	[tilespmem:s12], [sflag:$0x2] =	stream.linear.gather [hbm4b:s4+s3], $0x400, $0x38;
	[tilespmem:$0x3FC0] =	vst v63  }
0x1a: {  	_ =	swait.ge [sflag:s11], $0x400  }
0x1b: {  	[sflag:s11] =	ssyncset.done $0x0  }
0x1c: {  	[sflag:s11] =	ssyncadd.s32 $0xFFFFFC00  }
0x1d: {  	[tilespmem:s3], [sflag:$0x2] =	stream.linear.gather [hbm4b:s7+s3], $0x2800, $0x38;
	[tilespmem:$0x3FC0] =	vst v63  }
0x1e: {  	_ =	swait.ge [sflag:s11], $0x2800  }
0x1f: {  	[sflag:s11] =	ssyncset.done $0x0  }
0x20: {  	[sflag:s11] =	ssyncadd.s32 $0xFFFFD800  }
0x21: {  	[bflag:$0x0] =	sbarrier.arrive $0xFFFF  }
0x22: {  	[spmem:s2] =	stream.indirect.scatter.add.f32 [tilespmem:s12], [sflag:$0x1], $0x8, s3, s13, $0xb8;
	[tilespmem:$0x3FC0] =	vst v63  }
0x23: {  	_ = 	snop  }
0x24: {  	[spmem:s2] =	stream.indirect.scatter.add.f32 [tilespmem:s12], [sflag:$0x1], $0x8, s13, s13, $0xb8;
	[tilespmem:$0x3FC0] =	vst v63  }
0x25: {  	s20 =	simm.s32 $0x100  }
0x26: {  	[spmem:s2] =	stream.indirect.scatter.add.f32 [tilespmem:s12], [sflag:$0x1], $0x8, s20, s13, $0xb8;
	[tilespmem:$0x3FC0] =	vst v63  }
0x27: {  	s20 =	simm.s32 $0x180  }
0x28: {  	[spmem:s2] =	stream.indirect.scatter.add.f32 [tilespmem:s12], [sflag:$0x1], $0x8, s20, s13, $0xb8;
	[tilespmem:$0x3FC0] =	vst v63  }
0x29: {  	s20 =	simm.s32 $0x200  }
0x2a: {  	[spmem:s2] =	stream.indirect.scatter.add.f32 [tilespmem:s12], [sflag:$0x1], $0x8, s20, s13, $0xb8;
	[tilespmem:$0x3FC0] =	vst v63  }
0x2b: {  	s20 =	simm.s32 $0x280  }
0x2c: {  	[spmem:s2] =	stream.indirect.scatter.add.f32 [tilespmem:s12], [sflag:$0x1], $0x8, s20, s13, $0xb8;
	[tilespmem:$0x3FC0] =	vst v63  }
0x2d: {  	s20 =	simm.s32 $0x300  }
0x2e: {  	[spmem:s2] =	stream.indirect.scatter.add.f32 [tilespmem:s12], [sflag:$0x1], $0x8, s20, s13, $0xb8;
	[tilespmem:$0x3FC0] =	vst v63  }
0x2f: {  	s20 =	simm.s32 $0x380  }
0x30: {  	[spmem:s2] =	stream.indirect.scatter.add.f32 [tilespmem:s12], [sflag:$0x1], $0x8, s20, s13, $0xb8;
	[tilespmem:$0x3FC0] =	vst v63  }
0x31: {  	s20 =	simm.s32 $0x400  }
0x32: {  	[spmem:s2] =	stream.indirect.scatter.add.f32 [tilespmem:s12], [sflag:$0x1], $0x8, s20, s13, $0xb8;
	[tilespmem:$0x3FC0] =	vst v63  }
0x33: {  	s20 =	simm.s32 $0x480  }
0x34: {  	[spmem:s2] =	stream.indirect.scatter.add.f32 [tilespmem:s12], [sflag:$0x1], $0x8, s20, s13, $0xb8;
	[tilespmem:$0x3FC0] =	vst v63  }
0x35: {  	s20 =	simm.s32 $0x500  }
0x36: {  	[spmem:s2] =	stream.indirect.scatter.add.f32 [tilespmem:s12], [sflag:$0x1], $0x8, s20, s13, $0xb8;
	[tilespmem:$0x3FC0] =	vst v63  }
0x37: {  	s20 =	simm.s32 $0x580  }
0x38: {  	[spmem:s2] =	stream.indirect.scatter.add.f32 [tilespmem:s12], [sflag:$0x1], $0x8, s20, s13, $0xb8;
	[tilespmem:$0x3FC0] =	vst v63  }
0x39: {  	s20 =	simm.s32 $0x600  }
0x3a: {  	[spmem:s2] =	stream.indirect.scatter.add.f32 [tilespmem:s12], [sflag:$0x1], $0x8, s20, s13, $0xb8;
	[tilespmem:$0x3FC0] =	vst v63  }
0x3b: {  	s20 =	simm.s32 $0x680  }
0x3c: {  	[spmem:s2] =	stream.indirect.scatter.add.f32 [tilespmem:s12], [sflag:$0x1], $0x8, s20, s13, $0xb8;
	[tilespmem:$0x3FC0] =	vst v63  }
0x3d: {  	s20 =	simm.s32 $0x700  }
0x3e: {  	[spmem:s2] =	stream.indirect.scatter.add.f32 [tilespmem:s12], [sflag:$0x1], $0x8, s20, s13, $0xb8;
	[tilespmem:$0x3FC0] =	vst v63  }
0x3f: {  	s20 =	simm.s32 $0x780  }
0x40: {  	[spmem:s2] =	stream.indirect.scatter.add.f32 [tilespmem:s12], [sflag:$0x1], $0x8, s20, s13, $0xb8;
	[tilespmem:$0x3FC0] =	vst v63  }
0x41: {  	s20 =	simm.s32 $0x800  }
0x42: {  	[spmem:s2] =	stream.indirect.scatter.add.f32 [tilespmem:s12], [sflag:$0x1], $0x8, s20, s13, $0xb8;
	[tilespmem:$0x3FC0] =	vst v63  }
0x43: {  	s20 =	simm.s32 $0x880  }
0x44: {  	[spmem:s2] =	stream.indirect.scatter.add.f32 [tilespmem:s12], [sflag:$0x1], $0x8, s20, s13, $0xb8;
	[tilespmem:$0x3FC0] =	vst v63  }
0x45: {  	s20 =	simm.s32 $0x900  }
0x46: {  	[spmem:s2] =	stream.indirect.scatter.add.f32 [tilespmem:s12], [sflag:$0x1], $0x8, s20, s13, $0xb8;
	[tilespmem:$0x3FC0] =	vst v63  }
0x47: {  	s20 =	simm.s32 $0x980  }
0x48: {  	[spmem:s2] =	stream.indirect.scatter.add.f32 [tilespmem:s12], [sflag:$0x1], $0x8, s20, s13, $0xb8;
	[tilespmem:$0x3FC0] =	vst v63  }
0x49: {  	s20 =	simm.s32 $0xA00  }
0x4a: {  	[spmem:s2] =	stream.indirect.scatter.add.f32 [tilespmem:s12], [sflag:$0x1], $0x8, s20, s13, $0xb8;
	[tilespmem:$0x3FC0] =	vst v63  }
0x4b: {  	s20 =	simm.s32 $0xA80  }
0x4c: {  	[spmem:s2] =	stream.indirect.scatter.add.f32 [tilespmem:s12], [sflag:$0x1], $0x8, s20, s13, $0xb8;
	[tilespmem:$0x3FC0] =	vst v63  }
0x4d: {  	s20 =	simm.s32 $0xB00  }
0x4e: {  	[spmem:s2] =	stream.indirect.scatter.add.f32 [tilespmem:s12], [sflag:$0x1], $0x8, s20, s13, $0xb8;
	[tilespmem:$0x3FC0] =	vst v63  }
0x4f: {  	s20 =	simm.s32 $0xB80  }
0x50: {  	[spmem:s2] =	stream.indirect.scatter.add.f32 [tilespmem:s12], [sflag:$0x1], $0x8, s20, s13, $0xb8;
	[tilespmem:$0x3FC0] =	vst v63  }
0x51: {  	s20 =	simm.s32 $0xC00  }
0x52: {  	[spmem:s2] =	stream.indirect.scatter.add.f32 [tilespmem:s12], [sflag:$0x1], $0x8, s20, s13, $0xb8;
	[tilespmem:$0x3FC0] =	vst v63  }
0x53: {  	s20 =	simm.s32 $0xC80  }
0x54: {  	[spmem:s2] =	stream.indirect.scatter.add.f32 [tilespmem:s12], [sflag:$0x1], $0x8, s20, s13, $0xb8;
	[tilespmem:$0x3FC0] =	vst v63  }
0x55: {  	s20 =	simm.s32 $0xD00  }
0x56: {  	[spmem:s2] =	stream.indirect.scatter.add.f32 [tilespmem:s12], [sflag:$0x1], $0x8, s20, s13, $0xb8;
	[tilespmem:$0x3FC0] =	vst v63  }
0x57: {  	s20 =	simm.s32 $0xD80  }
0x58: {  	[spmem:s2] =	stream.indirect.scatter.add.f32 [tilespmem:s12], [sflag:$0x1], $0x8, s20, s13, $0xb8;
	[tilespmem:$0x3FC0] =	vst v63  }
0x59: {  	s20 =	simm.s32 $0xE00  }
0x5a: {  	[spmem:s2] =	stream.indirect.scatter.add.f32 [tilespmem:s12], [sflag:$0x1], $0x8, s20, s13, $0xb8;
	[tilespmem:$0x3FC0] =	vst v63  }
0x5b: {  	s20 =	simm.s32 $0xE80  }
0x5c: {  	[spmem:s2] =	stream.indirect.scatter.add.f32 [tilespmem:s12], [sflag:$0x1], $0x8, s20, s13, $0xb8;
	[tilespmem:$0x3FC0] =	vst v63  }
0x5d: {  	s20 =	simm.s32 $0xF00  }
0x5e: {  	[spmem:s2] =	stream.indirect.scatter.add.f32 [tilespmem:s12], [sflag:$0x1], $0x8, s20, s13, $0xb8;
	[tilespmem:$0x3FC0] =	vst v63  }
0x5f: {  	s20 =	simm.s32 $0xF80  }
0x60: {  	[spmem:s2] =	stream.indirect.scatter.add.f32 [tilespmem:s12], [sflag:$0x1], $0x8, s20, s13, $0xb8;
	[tilespmem:$0x3FC0] =	vst v63  }
0x61: {  	s20 =	simm.s32 $0x1000  }
0x62: {  	[spmem:s2] =	stream.indirect.scatter.add.f32 [tilespmem:s12], [sflag:$0x1], $0x8, s20, s13, $0xb8;
	[tilespmem:$0x3FC0] =	vst v63  }
0x63: {  	s20 =	simm.s32 $0x1080  }
0x64: {  	[spmem:s2] =	stream.indirect.scatter.add.f32 [tilespmem:s12], [sflag:$0x1], $0x8, s20, s13, $0xb8;
	[tilespmem:$0x3FC0] =	vst v63  }
0x65: {  	s20 =	simm.s32 $0x1100  }
0x66: {  	[spmem:s2] =	stream.indirect.scatter.add.f32 [tilespmem:s12], [sflag:$0x1], $0x8, s20, s13, $0xb8;
	[tilespmem:$0x3FC0] =	vst v63  }
0x67: {  	s20 =	simm.s32 $0x1180  }
0x68: {  	[spmem:s2] =	stream.indirect.scatter.add.f32 [tilespmem:s12], [sflag:$0x1], $0x8, s20, s13, $0xb8;
	[tilespmem:$0x3FC0] =	vst v63  }
0x69: {  	s20 =	simm.s32 $0x1200  }
0x6a: {  	[spmem:s2] =	stream.indirect.scatter.add.f32 [tilespmem:s12], [sflag:$0x1], $0x8, s20, s13, $0xb8;
	[tilespmem:$0x3FC0] =	vst v63  }
0x6b: {  	s20 =	simm.s32 $0x1280  }
0x6c: {  	[spmem:s2] =	stream.indirect.scatter.add.f32 [tilespmem:s12], [sflag:$0x1], $0x8, s20, s13, $0xb8;
	[tilespmem:$0x3FC0] =	vst v63  }
0x6d: {  	s20 =	simm.s32 $0x1300  }
0x6e: {  	[spmem:s2] =	stream.indirect.scatter.add.f32 [tilespmem:s12], [sflag:$0x1], $0x8, s20, s13, $0xb8;
	[tilespmem:$0x3FC0] =	vst v63  }
0x6f: {  	s20 =	simm.s32 $0x1380  }
0x70: {  	[spmem:s2] =	stream.indirect.scatter.add.f32 [tilespmem:s12], [sflag:$0x1], $0x8, s20, s13, $0xb8;
	[tilespmem:$0x3FC0] =	vst v63  }
0x71: {  	_ =	swait.ge [sflag:s14], $0x400  }
0x72: {  	s20 =	simm.s32 $0x27;
	[sflag:s14] =	ssyncset.done $0x0  }
.LBB2_2:
0x73: {  	p0 =	sne.s32 s20, $0x1;
	s20 =	sadd.s32 $0xFFFFFFFF, s20;
	[sflag:s14] =	ssyncadd.s32 $0xFFFFFC00  }
.Ltmp0:
0x74: {  	(pc) =	sbr.rel @p0 .LBB2_2-.Ltmp0, $3  }
0x75: {  	_ =	sdelay $0x1  }
0x76: {  	_ =	swait.ge [sflag:s14], $0x400  }
0x77: {  	[sflag:s14] =	ssyncset.done $0x0  }
0x78: {  	[sflag:s14] =	ssyncadd.s32 $0xFFFFFC00;
	s20 =	simm.s32 $0x1400  }
0x79: {  	[spmem:s2] =	stream.indirect.scatter.add.f32 [tilespmem:s12], [sflag:$0x1], $0x8, s20, s13, $0xb8;
	[tilespmem:$0x3FC0] =	vst v63  }
0x7a: {  	s20 =	simm.s32 $0x1480  }
0x7b: {  	[spmem:s2] =	stream.indirect.scatter.add.f32 [tilespmem:s12], [sflag:$0x1], $0x8, s20, s13, $0xb8;
	[tilespmem:$0x3FC0] =	vst v63  }
0x7c: {  	s20 =	simm.s32 $0x1500  }
0x7d: {  	[spmem:s2] =	stream.indirect.scatter.add.f32 [tilespmem:s12], [sflag:$0x1], $0x8, s20, s13, $0xb8;
	[tilespmem:$0x3FC0] =	vst v63  }
0x7e: {  	s20 =	simm.s32 $0x1580  }
0x7f: {  	[spmem:s2] =	stream.indirect.scatter.add.f32 [tilespmem:s12], [sflag:$0x1], $0x8, s20, s13, $0xb8;
	[tilespmem:$0x3FC0] =	vst v63  }
0x80: {  	s20 =	simm.s32 $0x1600  }
0x81: {  	[spmem:s2] =	stream.indirect.scatter.add.f32 [tilespmem:s12], [sflag:$0x1], $0x8, s20, s13, $0xb8;
	[tilespmem:$0x3FC0] =	vst v63  }
0x82: {  	s20 =	simm.s32 $0x1680  }
0x83: {  	[spmem:s2] =	stream.indirect.scatter.add.f32 [tilespmem:s12], [sflag:$0x1], $0x8, s20, s13, $0xb8;
	[tilespmem:$0x3FC0] =	vst v63  }
0x84: {  	s20 =	simm.s32 $0x1700  }
0x85: {  	[spmem:s2] =	stream.indirect.scatter.add.f32 [tilespmem:s12], [sflag:$0x1], $0x8, s20, s13, $0xb8;
	[tilespmem:$0x3FC0] =	vst v63  }
0x86: {  	s20 =	simm.s32 $0x1780  }
0x87: {  	[spmem:s2] =	stream.indirect.scatter.add.f32 [tilespmem:s12], [sflag:$0x1], $0x8, s20, s13, $0xb8;
	[tilespmem:$0x3FC0] =	vst v63  }
0x88: {  	s20 =	simm.s32 $0x1800  }
0x89: {  	[spmem:s2] =	stream.indirect.scatter.add.f32 [tilespmem:s12], [sflag:$0x1], $0x8, s20, s13, $0xb8;
	[tilespmem:$0x3FC0] =	vst v63  }
0x8a: {  	s20 =	simm.s32 $0x1880  }
0x8b: {  	[spmem:s2] =	stream.indirect.scatter.add.f32 [tilespmem:s12], [sflag:$0x1], $0x8, s20, s13, $0xb8;
	[tilespmem:$0x3FC0] =	vst v63  }
0x8c: {  	s20 =	simm.s32 $0x1900  }
0x8d: {  	[spmem:s2] =	stream.indirect.scatter.add.f32 [tilespmem:s12], [sflag:$0x1], $0x8, s20, s13, $0xb8;
	[tilespmem:$0x3FC0] =	vst v63  }
0x8e: {  	s20 =	simm.s32 $0x1980  }
0x8f: {  	[spmem:s2] =	stream.indirect.scatter.add.f32 [tilespmem:s12], [sflag:$0x1], $0x8, s20, s13, $0xb8;
	[tilespmem:$0x3FC0] =	vst v63  }
0x90: {  	s20 =	simm.s32 $0x1A00  }
0x91: {  	[spmem:s2] =	stream.indirect.scatter.add.f32 [tilespmem:s12], [sflag:$0x1], $0x8, s20, s13, $0xb8;
	[tilespmem:$0x3FC0] =	vst v63  }
0x92: {  	s20 =	simm.s32 $0x1A80  }
0x93: {  	[spmem:s2] =	stream.indirect.scatter.add.f32 [tilespmem:s12], [sflag:$0x1], $0x8, s20, s13, $0xb8;
	[tilespmem:$0x3FC0] =	vst v63  }
0x94: {  	s20 =	simm.s32 $0x1B00  }
0x95: {  	[spmem:s2] =	stream.indirect.scatter.add.f32 [tilespmem:s12], [sflag:$0x1], $0x8, s20, s13, $0xb8;
	[tilespmem:$0x3FC0] =	vst v63  }
0x96: {  	s20 =	simm.s32 $0x1B80  }
0x97: {  	[spmem:s2] =	stream.indirect.scatter.add.f32 [tilespmem:s12], [sflag:$0x1], $0x8, s20, s13, $0xb8;
	[tilespmem:$0x3FC0] =	vst v63  }
0x98: {  	s20 =	simm.s32 $0x1C00  }
0x99: {  	[spmem:s2] =	stream.indirect.scatter.add.f32 [tilespmem:s12], [sflag:$0x1], $0x8, s20, s13, $0xb8;
	[tilespmem:$0x3FC0] =	vst v63  }
0x9a: {  	s20 =	simm.s32 $0x1C80  }
0x9b: {  	[spmem:s2] =	stream.indirect.scatter.add.f32 [tilespmem:s12], [sflag:$0x1], $0x8, s20, s13, $0xb8;
	[tilespmem:$0x3FC0] =	vst v63  }
0x9c: {  	s20 =	simm.s32 $0x1D00  }
0x9d: {  	[spmem:s2] =	stream.indirect.scatter.add.f32 [tilespmem:s12], [sflag:$0x1], $0x8, s20, s13, $0xb8;
	[tilespmem:$0x3FC0] =	vst v63  }
0x9e: {  	s20 =	simm.s32 $0x1D80  }
0x9f: {  	[spmem:s2] =	stream.indirect.scatter.add.f32 [tilespmem:s12], [sflag:$0x1], $0x8, s20, s13, $0xb8;
	[tilespmem:$0x3FC0] =	vst v63  }
0xa0: {  	s20 =	simm.s32 $0x1E00  }
0xa1: {  	[spmem:s2] =	stream.indirect.scatter.add.f32 [tilespmem:s12], [sflag:$0x1], $0x8, s20, s13, $0xb8;
	[tilespmem:$0x3FC0] =	vst v63  }
0xa2: {  	s20 =	simm.s32 $0x1E80  }
0xa3: {  	[spmem:s2] =	stream.indirect.scatter.add.f32 [tilespmem:s12], [sflag:$0x1], $0x8, s20, s13, $0xb8;
	[tilespmem:$0x3FC0] =	vst v63  }
0xa4: {  	s20 =	simm.s32 $0x1F00  }
0xa5: {  	[spmem:s2] =	stream.indirect.scatter.add.f32 [tilespmem:s12], [sflag:$0x1], $0x8, s20, s13, $0xb8;
	[tilespmem:$0x3FC0] =	vst v63  }
0xa6: {  	s20 =	simm.s32 $0x1F80  }
0xa7: {  	[spmem:s2] =	stream.indirect.scatter.add.f32 [tilespmem:s12], [sflag:$0x1], $0x8, s20, s13, $0xb8;
	[tilespmem:$0x3FC0] =	vst v63  }
0xa8: {  	_ = 	snop  }
0xa9: {  	[spmem:s2] =	stream.indirect.scatter.add.f32 [tilespmem:s12], [sflag:$0x1], $0x8, s21, s13, $0xb8;
	[tilespmem:$0x3FC0] =	vst v63  }
0xaa: {  	_ = 	snop  }
0xab: {  	[spmem:s2] =	stream.indirect.scatter.add.f32 [tilespmem:s12], [sflag:$0x1], $0x8, s22, s13, $0xb8;
	[tilespmem:$0x3FC0] =	vst v63  }
0xac: {  	_ = 	snop  }
0xad: {  	[spmem:s2] =	stream.indirect.scatter.add.f32 [tilespmem:s12], [sflag:$0x1], $0x8, s23, s13, $0xb8;
	[tilespmem:$0x3FC0] =	vst v63  }
0xae: {  	_ = 	snop  }
0xaf: {  	[spmem:s2] =	stream.indirect.scatter.add.f32 [tilespmem:s12], [sflag:$0x1], $0x8, s24, s13, $0xb8;
	[tilespmem:$0x3FC0] =	vst v63  }
0xb0: {  	_ = 	snop  }
0xb1: {  	[spmem:s2] =	stream.indirect.scatter.add.f32 [tilespmem:s12], [sflag:$0x1], $0x8, s25, s13, $0xb8;
	[tilespmem:$0x3FC0] =	vst v63  }
0xb2: {  	_ = 	snop  }
0xb3: {  	[spmem:s2] =	stream.indirect.scatter.add.f32 [tilespmem:s12], [sflag:$0x1], $0x8, s26, s13, $0xb8;
	[tilespmem:$0x3FC0] =	vst v63  }
0xb4: {  	_ = 	snop  }
0xb5: {  	[spmem:s2] =	stream.indirect.scatter.add.f32 [tilespmem:s12], [sflag:$0x1], $0x8, s28, s13, $0xb8;
	[tilespmem:$0x3FC0] =	vst v63  }
0xb6: {  	_ = 	snop  }
0xb7: {  	[spmem:s2] =	stream.indirect.scatter.add.f32 [tilespmem:s12], [sflag:$0x1], $0x8, s29, s13, $0xb8;
	[tilespmem:$0x3FC0] =	vst v63  }
0xb8: {  	_ = 	snop  }
0xb9: {  	[spmem:s2] =	stream.indirect.scatter.add.f32 [tilespmem:s12], [sflag:$0x1], $0x8, s30, s13, $0xb8;
	[tilespmem:$0x3FC0] =	vst v63  }
0xba: {  	_ = 	snop  }
0xbb: {  	[spmem:s2] =	stream.indirect.scatter.add.f32 [tilespmem:s12], [sflag:$0x1], $0x8, s31, s13, $0xb8;
	[tilespmem:$0x3FC0] =	vst v63  }
0xbc: {  	_ = 	snop  }
0xbd: {  	[spmem:s2] =	stream.indirect.scatter.add.f32 [tilespmem:s12], [sflag:$0x1], $0x8, s1, s13, $0xb8;
	[tilespmem:$0x3FC0] =	vst v63  }
0xbe: {  	_ = 	snop  }
0xbf: {  	[spmem:s2] =	stream.indirect.scatter.add.f32 [tilespmem:s12], [sflag:$0x1], $0x8, s0, s13, $0xb8;
	[tilespmem:$0x3FC0] =	vst v63  }
0xc0: {  	_ = 	snop  }
0xc1: {  	[spmem:s2] =	stream.indirect.scatter.add.f32 [tilespmem:s12], [sflag:$0x1], $0x8, s15, s13, $0xb8;
	[tilespmem:$0x3FC0] =	vst v63  }
0xc2: {  	_ = 	snop  }
0xc3: {  	[spmem:s2] =	stream.indirect.scatter.add.f32 [tilespmem:s12], [sflag:$0x1], $0x8, s16, s13, $0xb8;
	[tilespmem:$0x3FC0] =	vst v63  }
0xc4: {  	_ = 	snop  }
0xc5: {  	[spmem:s2] =	stream.indirect.scatter.add.f32 [tilespmem:s12], [sflag:$0x1], $0x8, s17, s13, $0xb8;
	[tilespmem:$0x3FC0] =	vst v63  }
0xc6: {  	_ = 	snop  }
0xc7: {  	[spmem:s2] =	stream.indirect.scatter.add.f32 [tilespmem:s12], [sflag:$0x1], $0x8, s18, s13, $0xb8;
	[tilespmem:$0x3FC0] =	vst v63  }
0xc8: {  	_ =	swait.ge [sflag:s14], $0x400  }
0xc9: {  	s20 =	simm.s32 $0x27;
	[sflag:s14] =	ssyncset.done $0x0  }
.LBB2_4:
0xca: {  	p0 =	sne.s32 s20, $0x1;
	s20 =	sadd.s32 $0xFFFFFFFF, s20;
	[sflag:s14] =	ssyncadd.s32 $0xFFFFFC00  }
.Ltmp1:
0xcb: {  	(pc) =	sbr.rel @p0 .LBB2_4-.Ltmp1, $3  }
0xcc: {  	_ =	sdelay $0x1  }
0xcd: {  	_ =	swait.ge [sflag:s14], $0x400  }
0xce: {  	[sflag:s14] =	ssyncset.done $0x0  }
0xcf: {  	s19 =	sadd.s32 $0x1, s19  }
0xd0: {  	[sflag:s14] =	ssyncadd.s32 $0xFFFFFC00;
	p0 =	sne.s32 s19, s9  }
.Ltmp2:
0xd1: {  	[bflag:$0x0] =	sbarrier.arrive $0xFFFF;
	(pc) =	sbr.rel @p0 .LBB2_1-.Ltmp2, $4  }
0xd2: {  	[hbm:s8], [sflag:s6] =	dma.local [spmem:s10], $0x278  }
0xd3: {  	_ =	swait.ge [sflag:s11], $0x278  }
0xd4: {  	[sflag:s11] =	ssyncset.done $0x0  }
0xd5: {  	[sflag:s11] =	ssyncadd.s32 $0xFFFFFD88  }
0xd6: {  	_ =	sfence.sel $0x180000  }
0xd7: {  	[bflag:$0x0] =	sbarrier.arrive $0xFFFF  }
0xd8: {  	_ =	strace $0x90000047  }
0xd9: {  	s0 =	stileid.u32;
	[bflag:$0x2] =	sbarrier.arrive $0xFFFF  }
0xda: {  	p0 =	sne.s32 s0, $0x0;
	s0 =	rddreg [dreg:$0x3]  }
0xdb: {  	s0 =	sadd.s32 @!p0 $0x100000, s0  }
0xdc: {  	[sflag:s0] =	ssyncadd.tile.s32 @!p0 $0x1;
	_ =	shalt  }
.Lfunc_end2:
_tile_overlayer_lowered:
.L_overlay_start_2:
0xdd: {  	(tag) =	ssettag $0x2  }
0xde: {  	s0 =	rddreg [dreg:$0x0];
	s2 =	stileid.u32  }
0xdf: {  	s1 =	rddreg [dreg:$0x1];
	p0 =	sne.s32 s2, $0x0  }
0xe0: {  	s3 =	rddreg [dreg:$0x2];
	[bflag:$0x3] =	sbarrier.arrive $0xFFFF;
	s2 =	simm.s32 @!p0 $0x1C02  }
0xe1: {  	[timem:s3], [sflag:s2] =	dma.local @!p0 [hbm:s0], s1  }
0xe2: {  	s0 =	simm.s32 @!p0 $0x2  }
0xe3: {  	_ =	swait.ge @!p0 [sflag:s0], s1  }
0xe4: {  	s1 =	ssub.s32 @!p0 $0x0, s1;
	[sflag:s0] =	ssyncset.done @!p0 $0x0  }
0xe5: {  	[sflag:s0] =	ssyncadd.s32 @!p0 s1  }
0xe6: {  	[bflag:$0x3] =	sbarrier.arrive $0xFFFF  }
0xe7: {  	_ =	shalt  }

// kernel: kernel.9.cloned.1.call-start
scs
__scs_entry_jumppad:
0x0: {  	(pc) =	sbr.rel $0x88, $3  }
0x1: {  	(tag) =	ssettag $0x0;
	lr =	simm.s32 $0x1  }
0x2: {  	[smem:$0x3F9D] =	sst lr;
	_ =	strace $0xD0000000  }
0x3: {  	_ = 	snop  }
0x4: {  	_ = 	snop  }
0x5: {  	_ = 	snop  }
0x6: {  	_ = 	snop  }
0x7: {  	_ = 	snop  }
__scs_overlays_trampoline_lowered:
0x8: {  	[smem:$0x3FAC] =	sst s0  }
0x9: {  	[smem:$0x3FAD] =	sst s1  }
0xa: {  	[smem:$0x3FAE] =	sst s2  }
0xb: {  	[smem:$0x3FAF] =	sst s3  }
0xc: {  	[smem:$0x3FB0] =	sst s4  }
0xd: {  	[smem:$0x3FB1] =	sst s5  }
0xe: {  	[smem:$0x3FB2] =	sst s6  }
0xf: {  	[smem:$0x3FB3] =	sst s7  }
0x10: {  	[smem:$0x3FB4] =	sst s8  }
0x11: {  	[smem:$0x3FB5] =	sst s9;
	s0 =	simm.s32 @!p0 $0x0  }
0x12: {  	s1 =	sld [smem:$0x3F9B];
	s0 =	simm.s32 @p0 $0x1  }
0x13: {  	[smem:$0x3FB6] =	sst s0;
	s0 =	simm.s32 @!p1 $0x0  }
0x14: {  	s2 =	sld [smem:$0x3F9A];
	s0 =	simm.s32 @p1 $0x1  }
0x15: {  	[smem:$0x3FB7] =	sst s0;
	s0 =	simm.s32 @!p2 $0x0  }
0x16: {  	s3 =	sld [smem:$0x3FDB];
	s0 =	simm.s32 @p2 $0x1  }
0x17: {  	s4 =	simm.s32 $0x1BF5;
	[smem:$0x3FB9] =	sst s0  }
0x18: {  	s0 =	sld [smem:$0x3F9C];
	_ =	swait.ge [sflag:s4], $0x0  }
0x19: {  	s7 =	sld [smem:$0x3F9D]  }
0x1a: {  	s8 =	sadd.s32 $0xFFFFE003, lr  }
0x1b: {  	s9 =	sadd.s32 $0xFFFFFEF7, lr;
	s5 =	simm.s32 $0xFFFFFFFF;
	p2 =	slt.u32 s8, $0xFFFFF086  }
0x1c: {  	p1 =	slt.u32 s9, $0xF7A;
	s5 =	simm.s32 @!p2 $0x0  }
0x1d: {  	s5 =	simm.s32 @p1 $0x1;
	p0 =	seq.s32 s7, s2  }
0x1e: {  	s7 =	smul.u32 @!p0 $0xF7A, s2;
	p2 =	seq.s32 @!p0 s5, $0x0  }
0x1f: {  	s9 =	smul.u32 $0xF7A, s1;
	s8 =	simm.s32 @!p0 $0x1BF5;
	p2 =	por !p2, p0  }
0x20: {  	[sflag:s8] =	ssyncset.s32 @!p0 $0xFFFFF086;
	s6 =	sadd.s32 @!p0 s3, s7;
	s7 =	simm.s32 @!p0 $0x108  }
0x21: {  	s3 =	sadd.s32 s3, s9;
	s6 =	sadd.s32 @!p0 $0x88, s6;
	s7 =	simm.s32 @p2 $0x1082  }
0x22: {  	[simem:s7], [sflag:s8] =	dma.local @!p0 [hbm:s6], $0xF7A  }
0x23: {  	s9 =	sor.u32 $0xD0000000, s2;
	s6 =	simm.s32 $0x108;
	_ =	swait.ge @!p0 [sflag:s8], $0x0  }
0x24: {  	s3 =	sadd.s32 $0x88, s3;
	s6 =	simm.s32 @!p1 $0x1082;
	[sflag:s4] =	ssyncset.s32 $0xFFFFF086  }
0x25: {  	[simem:s6], [sflag:s4] =	dma.local [hbm:s3], $0xF7A  }
0x26: {  	[smem:$0x3F9D] =	sst s1;
	(tag) =	ssettag s2;
	_ =	strace s9  }
0x27: {  	s1 =	sld [smem:$0x3FAD]  }
0x28: {  	s2 =	sld [smem:$0x3FAE]  }
0x29: {  	s4 =	sld [smem:$0x3FB0]  }
0x2a: {  	p0 =	seq.s32 s5, $0x0;
	s5 =	sld [smem:$0x3FB1]  }
0x2b: {  	s6 =	sld [smem:$0x3FB2]  }
0x2c: {  	s7 =	sld [smem:$0x3FB3]  }
0x2d: {  	s3 =	simm.s32 $0x108;
	s8 =	sld [smem:$0x3FB4]  }
0x2e: {  	s3 =	simm.s32 @!p0 $0x1082;
	s9 =	sld [smem:$0x3FB5]  }
0x2f: {  	lr =	sadd.s32 s0, s3;
	s0 =	sld [smem:$0x3FAC]  }
0x30: {  	s3 =	sld [smem:$0x3FAF]  }
0x31: {  	[smem:$0x3FB8] =	sst s10  }
0x32: {  	s10 =	sld [smem:$0x3FB6];
	_ =	sdelay $0x3  }
0x33: {  	p0 =	seq.s32 s10, $0x1;
	s10 =	sld [smem:$0x3FB8];
	_ =	sdelay $0x3  }
0x34: {  	[smem:$0x3FB8] =	sst s10  }
0x35: {  	s10 =	sld [smem:$0x3FB7];
	_ =	sdelay $0x3  }
0x36: {  	p1 =	seq.s32 s10, $0x1;
	s10 =	sld [smem:$0x3FB8];
	_ =	sdelay $0x3  }
0x37: {  	[smem:$0x3FB8] =	sst s10  }
0x38: {  	s10 =	sld [smem:$0x3FB9]  }
0x39: {  	_ = 	snop;
	(pc) =	sbr.ind lr, $3  }
0x3a: {  	_ = 	snop  }
0x3b: {  	_ = 	snop  }
0x3c: {  	p2 =	seq.s32 s10, $0x1;
	s10 =	sld [smem:$0x3FB8]  }
0x3d: {  	_ =	shalt  }
0x3e: {  	_ =	shalt  }
0x3f: {  	_ =	shalt  }
0x40: {  	_ =	shalt  }
0x41: {  	_ =	shalt  }
0x42: {  	_ =	shalt  }
0x43: {  	_ =	shalt  }
0x44: {  	_ =	shalt  }
0x45: {  	_ =	shalt  }
0x46: {  	_ =	shalt  }
0x47: {  	_ =	shalt  }
0x48: {  	_ =	shalt  }
0x49: {  	_ =	shalt  }
0x4a: {  	_ =	shalt  }
0x4b: {  	_ =	shalt  }
0x4c: {  	_ =	shalt  }
0x4d: {  	_ =	shalt  }
0x4e: {  	_ =	shalt  }
0x4f: {  	_ =	shalt  }
0x50: {  	_ =	shalt  }
0x51: {  	_ =	shalt  }
0x52: {  	_ =	shalt  }
0x53: {  	_ =	shalt  }
0x54: {  	_ =	shalt  }
0x55: {  	_ =	shalt  }
0x56: {  	_ =	shalt  }
0x57: {  	_ =	shalt  }
0x58: {  	_ =	shalt  }
0x59: {  	_ =	shalt  }
0x5a: {  	_ =	shalt  }
0x5b: {  	_ =	shalt  }
0x5c: {  	_ =	shalt  }
0x5d: {  	_ =	shalt  }
0x5e: {  	_ =	shalt  }
0x5f: {  	_ =	shalt  }
0x60: {  	_ =	shalt  }
0x61: {  	_ =	shalt  }
0x62: {  	_ =	shalt  }
0x63: {  	_ =	shalt  }
0x64: {  	_ =	shalt  }
0x65: {  	_ =	shalt  }
0x66: {  	_ =	shalt  }
0x67: {  	_ =	shalt  }
0x68: {  	_ =	shalt  }
0x69: {  	_ =	shalt  }
0x6a: {  	_ =	shalt  }
0x6b: {  	_ =	shalt  }
0x6c: {  	_ =	shalt  }
0x6d: {  	_ =	shalt  }
0x6e: {  	_ =	shalt  }
0x6f: {  	_ =	shalt  }
0x70: {  	_ =	shalt  }
0x71: {  	_ =	shalt  }
0x72: {  	_ =	shalt  }
0x73: {  	_ =	shalt  }
0x74: {  	_ =	shalt  }
0x75: {  	_ =	shalt  }
0x76: {  	_ =	shalt  }
0x77: {  	_ =	shalt  }
0x78: {  	_ =	shalt  }
0x79: {  	_ =	shalt  }
0x7a: {  	_ =	shalt  }
0x7b: {  	_ =	shalt  }
0x7c: {  	_ =	shalt  }
0x7d: {  	_ =	shalt  }
0x7e: {  	_ =	shalt  }
0x7f: {  	_ =	shalt  }
0x80: {  	_ =	shalt  }
0x81: {  	_ =	shalt  }
0x82: {  	_ =	shalt  }
0x83: {  	_ =	shalt  }
0x84: {  	_ =	shalt  }
0x85: {  	_ =	shalt  }
0x86: {  	_ =	shalt  }
0x87: {  	_ =	shalt  }
.Lfunc_end0:
.L_simem_size_0:
called_computation.1_lowered:
.L_overlay_start_0:
0x88: {  	s2 =	sld [smem:$0x3FD9]  }
0x89: {  	s3 =	sld [smem:$0x3FFE];
	_ =	sdelay $0x1  }
0x8a: {  	s1 =	srdreg.scid  }
0x8b: {  	s0 =	sand.u32 $0x1, s1  }
0x8c: {  	s17 =	sshll.u32 s0, $0xA;
	s2 =	sadd.s32 s3, s2  }
0x8d: {  	s2 =	sadd.s32 s2, s17  }
0x8e: {  	[smem:$0x3FC4] =	sst s2  }
0x8f: {  	_ = 	snop  }
0x90: {  	s2 =	sld [smem:$0x3FD0];
	(tm) =	ssettm $0x1  }
0x91: {  	s18 =	sld [smem:$0x3FFB];
	_ =	sdelay $0x3  }
0x92: {  	_ =	strace s18  }
0x93: {  	s3 =	sld [smem:$0x3FFC];
	_ =	sdelay $0x3  }
0x94: {  	_ =	strace s3  }
0x95: {  	s3 =	sld [smem:$0x3FFD];
	_ =	sdelay $0x3  }
0x96: {  	_ =	strace s3  }
0x97: {  	_ =	strace $0x8FFFFFFF  }
0x98: {  	s19 =	sld [smem:$0x3FDB];
	_ =	sdelay $0x1  }
0x99: {  	s4 =	simm.s32 $_scs_section_size  }
0x9a: {  	s5 =	simm.s32 $_size__tile_overlayer_lowered;
	s6 =	simm.s32 $_tile_overlayer_lowered  }
0x9b: {  	s22 =	simm.s32 $0x1BFF;
	s21 =	sshll.u32 s6, $0x1;
	s3 =	sadd.s32 s4, s19  }
0x9c: {  	s7 =	simm.s32 $0x0;
	s20 =	sshll.u32 s5, $0x1;
	s5 =	sadd.s32 s21, s3  }
0x9d: {  	[timem:s7], [sflag:s22] =	dma.local [hbm:s5], s20  }
0x9e: {  	_ =	swait.ge [sflag:s22], s20  }
0x9f: {  	s4 =	ssub.s32 $0x0, s20;
	[sflag:s22] =	ssyncset.done $0x0  }
0xa0: {  	[sflag:s22] =	ssyncadd.s32 s4;
	_ =	sdelay $0x1  }
0xa1: {  	s23 =	simm.s32 $0x1B8B  }
0xa2: {  	_ =	swait.ge [sflag:s23], $0x1  }
0xa3: {  	[sflag:s23] =	ssyncset.done $0x0  }
0xa4: {  	s25 =	simm.s32 $0x1B8E;
	s24 =	sld [smem:$0x3FFE];
	[sflag:s23] =	ssyncadd.s32 $0xFFFFFFFF  }
0xa5: {  	s26 =	simm.s32 $execute0_lowered;
	[smem:$0x3FD2] =	sst s25  }
0xa6: {  	s5 =	sshll.u32 s26, $0x1;
	_ =	strace $0x80000049;
	[dreg:$0x1] =	wrdreg $0xFFFFFFFF  }
0xa7: {  	s28 =	simm.s32 $_size_execute0_lowered;
	s3 =	sadd.s32 s3, s5;
	[dreg:$0x0] =	wrdreg $0x0  }
0xa8: {  	s5 =	sshll.u32 s28, $0x1;
	[dreg:$0x2] =	wrdreg s3  }
0xa9: {  	[dreg:$0x3] =	wrdreg s5  }
0xaa: {  	[dreg:$0x4] =	wrdreg $0xC0  }
0xab: {  	_ =	task [dreg:s7], $0x5FFFF  }
0xac: {  	[dreg:$0x1] =	wrdreg $0xFFFFFFFF  }
0xad: {  	[dreg:$0x0] =	wrdreg $0x60  }
0xae: {  	[dreg:$0x2] =	wrdreg s2  }
0xaf: {  	[dreg:$0x3] =	wrdreg s24  }
0xb0: {  	[dreg:$0x4] =	wrdreg $0x90000  }
0xb1: {  	[dreg:$0x5] =	wrdreg $0x12E000  }
0xb2: {  	[dreg:$0x6] =	wrdreg $0x9  }
0xb3: {  	_ =	task.clear_ibuf [dreg:s7], $0x7FFFF;
	_ =	strace $0x90000049  }
0xb4: {  	s29 =	simm.s32 $0x9;
	_ =	strace $0x8000004B  }
0xb5: {  	_ =	swait.ge [sflag:s29], $0x1  }
0xb6: {  	[sflag:s29] =	ssyncadd.s32 $0xFFFFFFFF  }
0xb7: {  	_ =	strace $0x9000004B  }
0xb8: {  	_ =	sfence  }
0xb9: {  	s30 =	sld [smem:$0x0];
	_ =	sdelay $0x2  }
0xba: {  	s31 =	sshll.u32 s1, $0xD;
	s1 =	sshrl.u32 s1, $0x2  }
0xbb: {  	s3 =	sand.u32 $0x4000, s31;
	s1 =	sadd.s32 s1, s30  }
0xbc: {  	s0 =	sor.u32 s3, s0;
	s1 =	sshll.u32 s1, $0x11  }
0xbd: {  	s0 =	sor.u32 s1, s0  }
0xbe: {  	s0 =	sadd.s32 $0x8F2B, s0  }
0xbf: {  	[sflag:s0] =	ssyncadd.remote.s32 $0x1  }
0xc0: {  	_ =	sfence.sel $0xFFFF  }
0xc1: {  	[dreg:$0x0] =	wrdreg $0xFFFFFFFF;
	(pc) =	sbr.abs _section_cstart, $3  }
0xc2: {  	[dreg:$0x1] =	wrdreg $0xFFFFFFFF  }
0xc3: {  	_ =	task.clear_ibuf [dreg:s7], $0x2FFFF;
	_ =	strace $0x9FFFFFFF  }
0xc4: {  	(tm) =	ssettm $0x7FFFFFFF  }
0xc5: {  	_ =	shalt  }
tec
execute0_lowered:
.L_overlay_start_1:
0x0: {  	(tag) =	ssettag $0x1  }
0x1: {  	s0 =	rddreg [dreg:$0x0]  }
0x2: {  	s1 =	rddreg [dreg:$0x1]  }
0x3: {  	s2 =	rddreg [dreg:$0x2]  }
0x4: {  	s3 =	rddreg [dreg:$0x3];
	s14 =	stileid.u32  }
0x5: {  	s4 =	simm.s32 $0x0;
	s6 =	srdreg.scid;
	s20 =	simm.s32 $0x100  }
0x6: {  	s21 =	simm.s32 $0x180;
	s23 =	simm.s32 $0x880;
	s24 =	simm.s32 $0x200  }
0x7: {  	s25 =	simm.s32 $0x900;
	s17 =	simm.s32 $0x980;
	s19 =	simm.s32 $0x300  }
0x8: {  	s28 =	simm.s32 $0xC00;
	s29 =	simm.s32 $0x5;
	[smem:$0x7FF] =	sst s4  }
0x9: {  	s30 =	simm.s32 $0x3;
	_ =	strace $0x8000004A;
	[dreg:$0x5] =	wrdreg s20  }
0xa: {  	s31 =	simm.s32 $0x6;
	s5 =	smul.u32 $0x13C00, s14;
	[dreg:$0x6] =	wrdreg s21  }
0xb: {  	s6 =	sand.u32 $0x1, s6;
	s9 =	sadd.s32 $0x2000, s1;
	[dreg:$0x7] =	wrdreg s23  }
0xc: {  	s10 =	sadd.s32 $0x7000, s1;
	s13 =	smul.u32 $0x13C0, s14;
	[dreg:$0x8] =	wrdreg s24  }
0xd: {  	s22 =	sshll.u32 s14, $0x6;
	s26 =	smul.u32 $0x2800, s14;
	[dreg:$0x9] =	wrdreg s25  }
0xe: {  	s8 =	smul.u32 $0x13C000, s6;
	s11 =	ssub.s32 $0x2, s6;
	[dreg:$0xb] =	wrdreg s17  }
0xf: {  	s6 =	smul.u32 $0x13C00, s6;
	[dreg:$0xc] =	wrdreg s19;
	s21 =	simm.s32 $0xA00  }
0x10: {  	s15 =	sor.u32 $0x1C0B, s22;
	s23 =	simm.s32 $0x380;
	[dreg:$0xd] =	wrdreg s21  }
0x11: {  	s24 =	simm.s32 $0xA80;
	s25 =	smul.u32 $0x500, s14;
	[dreg:$0xe] =	wrdreg s23  }
0x12: {  	s14 =	simm.s32 $0x500;
	s17 =	simm.s32 $0x580;
	[dreg:$0xf] =	wrdreg s24  }
0x13: {  	s19 =	simm.s32 $0x600;
	s7 =	sshrl.u32 s5, $0x4;
	[dreg:$0x13] =	wrdreg s14  }
0x14: {  	s12 =	sshrl.u32 s11, $0x1;
	s18 =	sshrl.u32 s26, $0x3;
	[dreg:$0x14] =	wrdreg s17  }
0x15: {  	s26 =	simm.s32 $0xB00;
	s17 =	simm.s32 $0x800;
	[dreg:$0x16] =	wrdreg s19  }
0x16: {  	s21 =	simm.s32 $0x680;
	s19 =	simm.s32 $0x80;
	s23 =	simm.s32 $0x700  }
0x17: {  	s24 =	simm.s32 $0xE00;
	[dreg:$0x1f] =	wrdreg s15;
	s7 =	sadd.s32 s7, s1  }
0x18: {  	s8 =	sadd.s32 s5, s8;
	s5 =	sshrl.u32 s5, $0x1;
	[dreg:$0x10] =	wrdreg s26  }
0x19: {  	s6 =	sadd.s32 s13, s6;
	s13 =	simm.s32 $0x280;
	[dreg:$0x18] =	wrdreg s21  }
0x1a: {  	s20 =	sadd.s32 s9, s18;
	s22 =	sadd.s32 s10, s18;
	[dreg:$0x1a] =	wrdreg s23  }
0x1b: {  	s18 =	simm.s32 $0xC80;
	s21 =	simm.s32 $0x1;
	[dreg:$0x1b] =	wrdreg s24  }
0x1c: {  	s23 =	simm.s32 $0x7000;
	s26 =	simm.s32 $0xE80;
	[dreg:$0xa] =	wrdreg s13  }
0x1d: {  	s24 =	simm.s32 $0x2;
	s8 =	sshrl.u32 s8, $0x4;
	[smem:$0x7F8] =	sst s20  }
0x1e: {  	s0 =	sadd.s32 s0, s6;
	s16 =	sadd.s32 $0x13A00, s7;
	[smem:$0x7F9] =	sst s22  }
0x1f: {  	s13 =	sadd.s32 s25, s9;
	[dreg:$0x15] =	wrdreg s18;
	s20 =	simm.s32 $0xD00  }
0x20: {  	s18 =	simm.s32 $0x9;
	s22 =	simm.s32 $0xD80;
	[dreg:$0x1d] =	wrdreg s26  }
0x21: {  	s26 =	simm.s32 $0x400;
	s1 =	sadd.s32 s8, s1;
	[dreg:$0x1e] =	wrdreg s0  }
0x22: {  	s8 =	ssub.s32 s11, s12;
	s11 =	sadd.s32 s5, s2;
	[smem:$0x7F7] =	sst s16  }
0x23: {  	s5 =	sadd.s32 s5, s3;
	s12 =	sadd.s32 s25, s10;
	[dreg:$0x17] =	wrdreg s20  }
0x24: {  	s10 =	simm.s32 $0xB80;
	s20 =	simm.s32 $0x5000;
	[dreg:$0x19] =	wrdreg s22  }
0x25: {  	s22 =	simm.s32 $0x1000;
	s25 =	simm.s32 $0x780;
	[dreg:$0x12] =	wrdreg s10  }
0x26: {  	s0 =	simm.s32 $0x4;
	s1 =	sadd.s32 $0x76600, s1;
	[dreg:$0x1c] =	wrdreg s25  }
0x27: {  	s7 =	smax.u32 s8, $0x1;
	s8 =	simm.s32 $0x480;
	[smem:$0x7FA] =	sst s1  }
0x28: {  	s16 =	sshrl.u32 s11, $0x3;
	s10 =	simm.s32 $0xB;
	[smem:$0x7FB] =	sst s7  }
0x29: {  	s11 =	sshrl.u32 s5, $0x3;
	s25 =	simm.s32 $0x3000;
	[dreg:$0x11] =	wrdreg s8  }
0x2a: {  	s5 =	simm.s32 $0x8;
	[smem:$0x7FC] =	sst s16;
	s1 =	simm.s32 $0x7  }
0x2b: {  	s7 =	simm.s32 $0xA;
	s8 =	simm.s32 $0x0;
	[smem:$0x7FD] =	sst s11  }
.LBB2_1:
0x2c: {  	s9 =	sld [smem:$0x7FC];
	_ =	sdelay $0x1  }
0x2d: {  	s6 =	rddreg [dreg:$0x1e]  }
0x2e: {  	[spmem:s9], [sflag:s15] =	dma.local [hbm:s6], $0x13C0  }
0x2f: {  	_ =	swait.ge [sflag:s10], $0x13C0  }
0x30: {  	s14 =	sld [smem:$0x7F7]  }
0x31: {  	[sflag:s10] =	ssyncset.done $0x0  }
0x32: {  	[sflag:s10] =	ssyncadd.s32 $0xFFFFEC40  }
0x33: {  	[spmem:s11], [sflag:s15] =	dma.local [hbm:s14], $0x13C0  }
0x34: {  	_ =	swait.ge [sflag:s10], $0x13C0  }
0x35: {  	s15 =	sld [smem:$0x7F8]  }
0x36: {  	[sflag:s10] =	ssyncset.done $0x0  }
0x37: {  	s16 =	sld [smem:$0x7F9];
	[sflag:s10] =	ssyncadd.s32 $0xFFFFEC40  }
0x38: {  	[tilespmem:s4], [sflag:$0x9] =	stream.linear.gather [hbm4b:s15+s4], $0x400, $0x38;
	[tilespmem:$0x1CC00] =	vst v63  }
0x39: {  	_ = 	snop  }
0x3a: {  	[tilespmem:s17], [sflag:$0x9] =	stream.linear.gather [hbm4b:s16+s4], $0x400, $0x38;
	[tilespmem:$0x1CC00] =	vst v63  }
0x3b: {  	[bflag:$0x0] =	sbarrier.arrive $0xFFFF  }
0x3c: {  	_ =	swait.ge [sflag:s18], $0x400  }
0x3d: {  	[sflag:s18] =	ssyncset.done $0x0  }
0x3e: {  	[sflag:s18] =	ssyncadd.s32 $0xFFFFFC00  }
0x3f: {  	_ =	swait.ge [sflag:s18], $0x400  }
0x40: {  	p0 =	por $0x0, $0x0;
	[sflag:s18] =	ssyncset.done $0x0  }
0x41: {  	s9 =	simm.s32 @p0 $0x5;
	[sflag:s18] =	ssyncadd.s32 $0xFFFFFC00  }
0x42: {  	_ =	swait.ge @p0 [sflag:s9], $0x2000  }
0x43: {  	s11 =	simm.s32 @p0 $0x0;
	[sflag:s9] =	ssyncset.done @p0 $0x0  }
0x44: {  	s10 =	simm.s32 @p0 $0x1000;
	[sflag:s9] =	ssyncadd.s32 @p0 $0xFFFFE000;
	s9 =	simm.s32 @p0 $0x80  }
0x45: {  	[tilespmem:s10], [sflag:$0x1] =	stream.indirect.gather @p0 [spmem:s2], $0x40, s11, s9, $0xb8;
	[tilespmem:$0x1CC00] =	vst v63  }
0x46: {  	s10 =	simm.s32 @p0 $0x3  }
0x47: {  	_ =	swait.ge @p0 [sflag:s10], $0x2000  }
0x48: {  	[sflag:s10] =	ssyncset.done @p0 $0x0  }
0x49: {  	s11 =	simm.s32 @p0 $0x5000;
	[sflag:s10] =	ssyncadd.s32 @p0 $0xFFFFE000;
	s10 =	simm.s32 @p0 $0xF00  }
0x4a: {  	[spmem:s3] =	stream.indirect.scatter.add.bf16 @p0 [tilespmem:s11], [sflag:$0x7], $0x40, s10, s9, $0xb8;
	[tilespmem:$0x1CC00] =	vst v63  }
0x4b: {  	s10 =	simm.s32 @p0 $0x6  }
0x4c: {  	_ =	swait.ge @p0 [sflag:s10], $0x2000  }
0x4d: {  	[sflag:s10] =	ssyncset.done @p0 $0x0  }
0x4e: {  	s11 =	simm.s32 @p0 $0x4;
	[sflag:s10] =	ssyncadd.s32 @p0 $0xFFFFE000;
	s10 =	simm.s32 @p0 $0x3000  }
0x4f: {  	[tilespmem:s10], [sflag:$0x2] =	stream.indirect.gather @p0 [spmem:s2], $0x40, s9, s9, $0xb8;
	[tilespmem:$0x1CC00] =	vst v63  }
0x50: {  	_ =	swait.ge @p0 [sflag:s11], $0x2000  }
0x51: {  	[sflag:s11] =	ssyncset.done @p0 $0x0  }
0x52: {  	s10 =	simm.s32 @p0 $0xF80;
	[sflag:s11] =	ssyncadd.s32 @p0 $0xFFFFE000;
	s11 =	simm.s32 @p0 $0x7000  }
0x53: {  	[spmem:s3] =	stream.indirect.scatter.add.bf16 @p0 [tilespmem:s11], [sflag:$0x8], $0x40, s10, s9, $0xb8;
	[tilespmem:$0x1CC00] =	vst v63  }
0x54: {  	s9 =	simm.s32 @p0 $0x7  }
0x55: {  	_ =	swait.ge @p0 [sflag:s9], $0x2000  }
0x56: {  	s10 =	simm.s32 @!p0 $0x1000;
	[sflag:s9] =	ssyncset.done @p0 $0x0  }
0x57: {  	s11 =	simm.s32 @!p0 $0x0;
	[sflag:s9] =	ssyncadd.s32 @p0 $0xFFFFE000;
	s9 =	simm.s32 @!p0 $0x80  }
0x58: {  	[tilespmem:s10], [sflag:$0x1] =	stream.indirect.gather @!p0 [spmem:s2], $0x40, s11, s9, $0xb8;
	[tilespmem:$0x1CC00] =	vst v63  }
0x59: {  	s10 =	simm.s32 @!p0 $0x3000  }
0x5a: {  	[tilespmem:s10], [sflag:$0x2] =	stream.indirect.gather @!p0 [spmem:s2], $0x40, s9, s9, $0xb8;
	[tilespmem:$0x1CC00] =	vst v63  }
0x5b: {  	s6 =	rddreg [dreg:$0x5]  }
0x5c: {  	[tilespmem:s20], [sflag:$0x3] =	stream.indirect.gather [spmem:s2], $0x40, s6, s19, $0xb8;
	[tilespmem:$0x1CC00] =	vst v63  }
0x5d: {  	_ =	swait.ge [sflag:s21], $0x2000  }
0x5e: {  	p0 =	por $0x1, $0x1;
	[sflag:s21] =	ssyncset.done $0x0  }
0x5f: {  	s9 =	simm.s32 @!p0 $0x8;
	[sflag:s21] =	ssyncadd.s32 $0xFFFFE000  }
0x60: {  	[spmem:s3] =	stream.indirect.scatter.add.bf16 [tilespmem:s22], [sflag:$0x5], $0x40, s17, s19, $0xb8;
	[tilespmem:$0x1CC00] =	vst v63  }
0x61: {  	_ =	swait.ge @!p0 [sflag:s9], $0x2000  }
0x62: {  	[sflag:s9] =	ssyncset.done @!p0 $0x0  }
0x63: {  	s11 =	rddreg [dreg:$0x6];
	[sflag:s9] =	ssyncadd.s32 @!p0 $0xFFFFE000  }
0x64: {  	[tilespmem:s23], [sflag:$0x4] =	stream.indirect.gather [spmem:s2], $0x40, s11, s19, $0xb8;
	[tilespmem:$0x1CC00] =	vst v63  }
0x65: {  	_ =	swait.ge [sflag:s24], $0x2000  }
0x66: {  	[sflag:s24] =	ssyncset.done $0x0  }
0x67: {  	s15 =	sadd.s32 $0x0, s13;
	s14 =	rddreg [dreg:$0x7];
	[sflag:s24] =	ssyncadd.s32 $0xFFFFE000  }
0x68: {  	[spmem:s3] =	stream.indirect.scatter.add.bf16 [tilespmem:s25], [sflag:$0x6], $0x40, s14, s19, $0xb8;
	[tilespmem:$0x1CC00] =	vst v63  }
0x69: {  	s16 =	sadd.s32 $0x80, s15;
	s6 =	sadd.s32 $0x0, s12  }
0x6a: {  	[tilespmem:s26], [sflag:$0xA] =	stream.linear.gather [hbm4b:s16+s4], $0x400, $0x38;
	[tilespmem:$0x1CC00] =	vst v63  }
0x6b: {  	s11 =	sadd.s32 $0x80, s6  }
0x6c: {  	[tilespmem:s28], [sflag:$0xA] =	stream.linear.gather [hbm4b:s11+s4], $0x400, $0x38;
	[tilespmem:$0x1CC00] =	vst v63  }
0x6d: {  	_ =	swait.ge [sflag:s29], $0x2000  }
0x6e: {  	[sflag:s29] =	ssyncset.done $0x0  }
0x6f: {  	s14 =	rddreg [dreg:$0x8];
	[sflag:s29] =	ssyncadd.s32 $0xFFFFE000  }
0x70: {  	[tilespmem:s22], [sflag:$0x1] =	stream.indirect.gather [spmem:s2], $0x40, s14, s19, $0xb8;
	[tilespmem:$0x1CC00] =	vst v63  }
0x71: {  	_ =	swait.ge [sflag:s30], $0x2000  }
0x72: {  	[sflag:s30] =	ssyncset.done $0x0  }
0x73: {  	s15 =	rddreg [dreg:$0x9];
	[sflag:s30] =	ssyncadd.s32 $0xFFFFE000  }
0x74: {  	[spmem:s3] =	stream.indirect.scatter.add.bf16 [tilespmem:s20], [sflag:$0x7], $0x40, s15, s19, $0xb8;
	[tilespmem:$0x1CC00] =	vst v63  }
0x75: {  	_ =	swait.ge [sflag:s31], $0x2000  }
0x76: {  	[sflag:s31] =	ssyncset.done $0x0  }
0x77: {  	s16 =	rddreg [dreg:$0xa];
	[sflag:s31] =	ssyncadd.s32 $0xFFFFE000  }
0x78: {  	[tilespmem:s25], [sflag:$0x2] =	stream.indirect.gather [spmem:s2], $0x40, s16, s19, $0xb8;
	[tilespmem:$0x1CC00] =	vst v63  }
0x79: {  	_ =	swait.ge [sflag:s0], $0x2000  }
0x7a: {  	[sflag:s0] =	ssyncset.done $0x0  }
0x7b: {  	s6 =	rddreg [dreg:$0xb];
	[sflag:s0] =	ssyncadd.s32 $0xFFFFE000  }
0x7c: {  	[spmem:s3] =	stream.indirect.scatter.add.bf16 [tilespmem:s23], [sflag:$0x8], $0x40, s6, s19, $0xb8;
	[tilespmem:$0x1CC00] =	vst v63  }
0x7d: {  	_ =	swait.ge [sflag:s1], $0x2000  }
0x7e: {  	[sflag:s1] =	ssyncset.done $0x0  }
0x7f: {  	s10 =	rddreg [dreg:$0xc];
	[sflag:s1] =	ssyncadd.s32 $0xFFFFE000  }
0x80: {  	[tilespmem:s20], [sflag:$0x3] =	stream.indirect.gather [spmem:s2], $0x40, s10, s19, $0xb8;
	[tilespmem:$0x1CC00] =	vst v63  }
0x81: {  	_ =	swait.ge [sflag:s21], $0x2000  }
0x82: {  	[sflag:s21] =	ssyncset.done $0x0  }
0x83: {  	s11 =	rddreg [dreg:$0xd];
	[sflag:s21] =	ssyncadd.s32 $0xFFFFE000  }
0x84: {  	[spmem:s3] =	stream.indirect.scatter.add.bf16 [tilespmem:s22], [sflag:$0x5], $0x40, s11, s19, $0xb8;
	[tilespmem:$0x1CC00] =	vst v63  }
0x85: {  	_ =	swait.ge [sflag:s5], $0x2000  }
0x86: {  	[sflag:s5] =	ssyncset.done $0x0  }
0x87: {  	s14 =	rddreg [dreg:$0xe];
	[sflag:s5] =	ssyncadd.s32 $0xFFFFE000  }
0x88: {  	[tilespmem:s23], [sflag:$0x4] =	stream.indirect.gather [spmem:s2], $0x40, s14, s19, $0xb8;
	[tilespmem:$0x1CC00] =	vst v63  }
0x89: {  	_ =	swait.ge [sflag:s24], $0x2000  }
0x8a: {  	[sflag:s24] =	ssyncset.done $0x0  }
0x8b: {  	s15 =	rddreg [dreg:$0xf];
	[sflag:s24] =	ssyncadd.s32 $0xFFFFE000  }
0x8c: {  	[spmem:s3] =	stream.indirect.scatter.add.bf16 [tilespmem:s25], [sflag:$0x6], $0x40, s15, s19, $0xb8;
	[tilespmem:$0x1CC00] =	vst v63  }
0x8d: {  	_ =	swait.ge [sflag:s7], $0x400  }
0x8e: {  	[sflag:s7] =	ssyncset.done $0x0  }
0x8f: {  	[sflag:s7] =	ssyncadd.s32 $0xFFFFFC00  }
0x90: {  	_ =	swait.ge [sflag:s7], $0x400  }
0x91: {  	[sflag:s7] =	ssyncset.done $0x0  }
0x92: {  	[sflag:s7] =	ssyncadd.s32 $0xFFFFFC00  }
0x93: {  	_ =	swait.ge [sflag:s29], $0x2000  }
0x94: {  	[sflag:s29] =	ssyncset.done $0x0  }
0x95: {  	[sflag:s29] =	ssyncadd.s32 $0xFFFFE000  }
0x96: {  	[tilespmem:s22], [sflag:$0x1] =	stream.indirect.gather [spmem:s2], $0x40, s26, s19, $0xb8;
	[tilespmem:$0x1CC00] =	vst v63  }
0x97: {  	_ =	swait.ge [sflag:s30], $0x2000  }
0x98: {  	[sflag:s30] =	ssyncset.done $0x0  }
0x99: {  	s16 =	rddreg [dreg:$0x10];
	[sflag:s30] =	ssyncadd.s32 $0xFFFFE000  }
0x9a: {  	[spmem:s3] =	stream.indirect.scatter.add.bf16 [tilespmem:s20], [sflag:$0x7], $0x40, s16, s19, $0xb8;
	[tilespmem:$0x1CC00] =	vst v63  }
0x9b: {  	_ =	swait.ge [sflag:s31], $0x2000  }
0x9c: {  	[sflag:s31] =	ssyncset.done $0x0  }
0x9d: {  	s6 =	rddreg [dreg:$0x11];
	[sflag:s31] =	ssyncadd.s32 $0xFFFFE000  }
0x9e: {  	[tilespmem:s25], [sflag:$0x2] =	stream.indirect.gather [spmem:s2], $0x40, s6, s19, $0xb8;
	[tilespmem:$0x1CC00] =	vst v63  }
0x9f: {  	_ =	swait.ge [sflag:s0], $0x2000  }
0xa0: {  	[sflag:s0] =	ssyncset.done $0x0  }
0xa1: {  	s10 =	rddreg [dreg:$0x12];
	[sflag:s0] =	ssyncadd.s32 $0xFFFFE000  }
0xa2: {  	[spmem:s3] =	stream.indirect.scatter.add.bf16 [tilespmem:s23], [sflag:$0x8], $0x40, s10, s19, $0xb8;
	[tilespmem:$0x1CC00] =	vst v63  }
0xa3: {  	_ =	swait.ge [sflag:s1], $0x2000  }
0xa4: {  	[sflag:s1] =	ssyncset.done $0x0  }
0xa5: {  	s11 =	rddreg [dreg:$0x13];
	[sflag:s1] =	ssyncadd.s32 $0xFFFFE000  }
0xa6: {  	[tilespmem:s20], [sflag:$0x3] =	stream.indirect.gather [spmem:s2], $0x40, s11, s19, $0xb8;
	[tilespmem:$0x1CC00] =	vst v63  }
0xa7: {  	_ =	swait.ge [sflag:s21], $0x2000  }
0xa8: {  	[sflag:s21] =	ssyncset.done $0x0  }
0xa9: {  	[sflag:s21] =	ssyncadd.s32 $0xFFFFE000  }
0xaa: {  	[spmem:s3] =	stream.indirect.scatter.add.bf16 [tilespmem:s22], [sflag:$0x5], $0x40, s28, s19, $0xb8;
	[tilespmem:$0x1CC00] =	vst v63  }
0xab: {  	_ =	swait.ge [sflag:s5], $0x2000  }
0xac: {  	[sflag:s5] =	ssyncset.done $0x0  }
0xad: {  	s14 =	rddreg [dreg:$0x14];
	[sflag:s5] =	ssyncadd.s32 $0xFFFFE000  }
0xae: {  	[tilespmem:s23], [sflag:$0x4] =	stream.indirect.gather [spmem:s2], $0x40, s14, s19, $0xb8;
	[tilespmem:$0x1CC00] =	vst v63  }
0xaf: {  	_ =	swait.ge [sflag:s24], $0x2000  }
0xb0: {  	p0 =	por $0x0, $0x0;
	[sflag:s24] =	ssyncset.done $0x0  }
0xb1: {  	s10 =	sadd.s32 @!p0 $0x0, s13;
	s15 =	rddreg [dreg:$0x15];
	[sflag:s24] =	ssyncadd.s32 $0xFFFFE000  }
0xb2: {  	[spmem:s3] =	stream.indirect.scatter.add.bf16 [tilespmem:s25], [sflag:$0x6], $0x40, s15, s19, $0xb8;
	[tilespmem:$0x1CC00] =	vst v63  }
0xb3: {  	s9 =	simm.s32 @!p0 $0x0;
	s10 =	sadd.s32 @!p0 $0x100, s10;
	s11 =	sadd.s32 @!p0 $0x0, s12  }
0xb4: {  	[tilespmem:s9], [sflag:$0x9] =	stream.linear.gather @!p0 [hbm4b:s10+s9], $0x400, $0x38;
	[tilespmem:$0x1CC00] =	vst v63  }
0xb5: {  	s10 =	sadd.s32 @!p0 $0x100, s11;
	s11 =	simm.s32 @!p0 $0x800  }
0xb6: {  	[tilespmem:s11], [sflag:$0x9] =	stream.linear.gather @!p0 [hbm4b:s10+s9], $0x400, $0x38;
	[tilespmem:$0x1CC00] =	vst v63  }
0xb7: {  	_ =	swait.ge [sflag:s29], $0x2000  }
0xb8: {  	[sflag:s29] =	ssyncset.done $0x0  }
0xb9: {  	s16 =	rddreg [dreg:$0x16];
	[sflag:s29] =	ssyncadd.s32 $0xFFFFE000  }
0xba: {  	[tilespmem:s22], [sflag:$0x1] =	stream.indirect.gather [spmem:s2], $0x40, s16, s19, $0xb8;
	[tilespmem:$0x1CC00] =	vst v63  }
0xbb: {  	_ =	swait.ge [sflag:s30], $0x2000  }
0xbc: {  	[sflag:s30] =	ssyncset.done $0x0  }
0xbd: {  	s6 =	rddreg [dreg:$0x17];
	[sflag:s30] =	ssyncadd.s32 $0xFFFFE000  }
0xbe: {  	[spmem:s3] =	stream.indirect.scatter.add.bf16 [tilespmem:s20], [sflag:$0x7], $0x40, s6, s19, $0xb8;
	[tilespmem:$0x1CC00] =	vst v63  }
0xbf: {  	_ =	swait.ge [sflag:s31], $0x2000  }
0xc0: {  	[sflag:s31] =	ssyncset.done $0x0  }
0xc1: {  	s10 =	rddreg [dreg:$0x18];
	[sflag:s31] =	ssyncadd.s32 $0xFFFFE000  }
0xc2: {  	[tilespmem:s25], [sflag:$0x2] =	stream.indirect.gather [spmem:s2], $0x40, s10, s19, $0xb8;
	[tilespmem:$0x1CC00] =	vst v63  }
0xc3: {  	_ =	swait.ge [sflag:s0], $0x2000  }
0xc4: {  	[sflag:s0] =	ssyncset.done $0x0  }
0xc5: {  	s11 =	rddreg [dreg:$0x19];
	[sflag:s0] =	ssyncadd.s32 $0xFFFFE000  }
0xc6: {  	[spmem:s3] =	stream.indirect.scatter.add.bf16 [tilespmem:s23], [sflag:$0x8], $0x40, s11, s19, $0xb8;
	[tilespmem:$0x1CC00] =	vst v63  }
0xc7: {  	_ =	swait.ge [sflag:s1], $0x2000  }
0xc8: {  	[sflag:s1] =	ssyncset.done $0x0  }
0xc9: {  	s14 =	rddreg [dreg:$0x1a];
	[sflag:s1] =	ssyncadd.s32 $0xFFFFE000  }
0xca: {  	[tilespmem:s20], [sflag:$0x3] =	stream.indirect.gather [spmem:s2], $0x40, s14, s19, $0xb8;
	[tilespmem:$0x1CC00] =	vst v63  }
0xcb: {  	_ =	swait.ge [sflag:s21], $0x2000  }
0xcc: {  	[sflag:s21] =	ssyncset.done $0x0  }
0xcd: {  	s15 =	rddreg [dreg:$0x1b];
	[sflag:s21] =	ssyncadd.s32 $0xFFFFE000  }
0xce: {  	[spmem:s3] =	stream.indirect.scatter.add.bf16 [tilespmem:s22], [sflag:$0x5], $0x40, s15, s19, $0xb8;
	[tilespmem:$0x1CC00] =	vst v63  }
0xcf: {  	_ =	swait.ge [sflag:s5], $0x2000  }
0xd0: {  	[sflag:s5] =	ssyncset.done $0x0  }
0xd1: {  	s16 =	rddreg [dreg:$0x1c];
	[sflag:s5] =	ssyncadd.s32 $0xFFFFE000  }
0xd2: {  	[tilespmem:s23], [sflag:$0x4] =	stream.indirect.gather [spmem:s2], $0x40, s16, s19, $0xb8;
	[tilespmem:$0x1CC00] =	vst v63  }
0xd3: {  	_ =	swait.ge [sflag:s24], $0x2000  }
0xd4: {  	s9 =	simm.s32 $0x100;
	[sflag:s24] =	ssyncset.done $0x0  }
0xd5: {  	s10 =	simm.s32 $0x0;
	s14 =	rddreg [dreg:$0x1d];
	[sflag:s24] =	ssyncadd.s32 $0xFFFFE000  }
.LBB2_2:
0xd6: {  	[spmem:s3] =	stream.indirect.scatter.add.bf16 [tilespmem:s25], [sflag:$0x6], $0x40, s14, s19, $0xb8;
	[tilespmem:$0x1CC00] =	vst v63  }
0xd7: {  	_ =	swait.ge [sflag:s18], $0x400  }
0xd8: {  	[sflag:s18] =	ssyncset.done $0x0  }
0xd9: {  	[sflag:s18] =	ssyncadd.s32 $0xFFFFFC00  }
0xda: {  	s11 =	smov.u32 s9;
	_ =	swait.ge [sflag:s18], $0x400  }
0xdb: {  	p1 =	sne.s32 s11, $0x0;
	[sflag:s18] =	ssyncset.done $0x0  }
0xdc: {  	s14 =	simm.s32 @p1 $0x5;
	[sflag:s18] =	ssyncadd.s32 $0xFFFFFC00  }
0xdd: {  	_ =	swait.ge @p1 [sflag:s14], $0x2000  }
0xde: {  	s16 =	simm.s32 @p1 $0x1000;
	s6 =	simm.s32 @p1 $0x3;
	[sflag:s14] =	ssyncset.done @p1 $0x0  }
0xdf: {  	s15 =	simm.s32 @p1 $0x0;
	[sflag:s14] =	ssyncadd.s32 @p1 $0xFFFFE000;
	s14 =	simm.s32 @p1 $0x80  }
0xe0: {  	[tilespmem:s16], [sflag:$0x1] =	stream.indirect.gather @p1 [spmem:s2], $0x40, s15, s14, $0xb8;
	[tilespmem:$0x1CC00] =	vst v63  }
0xe1: {  	_ =	swait.ge @p1 [sflag:s6], $0x2000  }
0xe2: {  	s15 =	simm.s32 @p1 $0x6;
	[sflag:s6] =	ssyncset.done @p1 $0x0  }
0xe3: {  	s16 =	simm.s32 @p1 $0x5000;
	[sflag:s6] =	ssyncadd.s32 @p1 $0xFFFFE000;
	s6 =	simm.s32 @p1 $0xF00  }
0xe4: {  	[spmem:s3] =	stream.indirect.scatter.add.bf16 @p1 [tilespmem:s16], [sflag:$0x7], $0x40, s6, s14, $0xb8;
	[tilespmem:$0x1CC00] =	vst v63  }
0xe5: {  	_ =	swait.ge @p1 [sflag:s15], $0x2000  }
0xe6: {  	[sflag:s15] =	ssyncset.done @p1 $0x0  }
0xe7: {  	s6 =	simm.s32 @p1 $0x3000;
	[sflag:s15] =	ssyncadd.s32 @p1 $0xFFFFE000;
	s15 =	simm.s32 @p1 $0x4  }
0xe8: {  	[tilespmem:s6], [sflag:$0x2] =	stream.indirect.gather @p1 [spmem:s2], $0x40, s14, s14, $0xb8;
	[tilespmem:$0x1CC00] =	vst v63  }
0xe9: {  	_ =	swait.ge @p1 [sflag:s15], $0x2000  }
0xea: {  	s16 =	simm.s32 @p1 $0x7000;
	[sflag:s15] =	ssyncset.done @p1 $0x0  }
0xeb: {  	s6 =	simm.s32 @p1 $0x7;
	[sflag:s15] =	ssyncadd.s32 @p1 $0xFFFFE000;
	s15 =	simm.s32 @p1 $0xF80  }
0xec: {  	[spmem:s3] =	stream.indirect.scatter.add.bf16 @p1 [tilespmem:s16], [sflag:$0x8], $0x40, s15, s14, $0xb8;
	[tilespmem:$0x1CC00] =	vst v63  }
0xed: {  	_ =	swait.ge @p1 [sflag:s6], $0x2000  }
0xee: {  	s14 =	simm.s32 @!p1 $0x1000;
	[sflag:s6] =	ssyncset.done @p1 $0x0  }
0xef: {  	s15 =	simm.s32 @!p1 $0x0;
	[sflag:s6] =	ssyncadd.s32 @p1 $0xFFFFE000;
	s6 =	simm.s32 @!p1 $0x80  }
0xf0: {  	[tilespmem:s14], [sflag:$0x1] =	stream.indirect.gather @!p1 [spmem:s2], $0x40, s15, s6, $0xb8;
	[tilespmem:$0x1CC00] =	vst v63  }
0xf1: {  	s14 =	simm.s32 @!p1 $0x3000  }
0xf2: {  	[tilespmem:s14], [sflag:$0x2] =	stream.indirect.gather @!p1 [spmem:s2], $0x40, s6, s6, $0xb8;
	[tilespmem:$0x1CC00] =	vst v63  }
0xf3: {  	s16 =	rddreg [dreg:$0x5]  }
0xf4: {  	[tilespmem:s20], [sflag:$0x3] =	stream.indirect.gather [spmem:s2], $0x40, s16, s19, $0xb8;
	[tilespmem:$0x1CC00] =	vst v63  }
0xf5: {  	_ =	swait.ge [sflag:s21], $0x2000  }
0xf6: {  	p1 =	seq.s32 s11, $0x0;
	[sflag:s21] =	ssyncset.done $0x0  }
0xf7: {  	s6 =	simm.s32 @!p1 $0x8;
	[sflag:s21] =	ssyncadd.s32 $0xFFFFE000  }
0xf8: {  	[spmem:s3] =	stream.indirect.scatter.add.bf16 [tilespmem:s22], [sflag:$0x5], $0x40, s17, s19, $0xb8;
	[tilespmem:$0x1CC00] =	vst v63  }
0xf9: {  	_ =	swait.ge @!p1 [sflag:s6], $0x2000  }
0xfa: {  	[sflag:s6] =	ssyncset.done @!p1 $0x0  }
0xfb: {  	s16 =	rddreg [dreg:$0x6];
	[sflag:s6] =	ssyncadd.s32 @!p1 $0xFFFFE000  }
0xfc: {  	[tilespmem:s23], [sflag:$0x4] =	stream.indirect.gather [spmem:s2], $0x40, s16, s19, $0xb8;
	[tilespmem:$0x1CC00] =	vst v63  }
0xfd: {  	_ =	swait.ge [sflag:s24], $0x2000  }
0xfe: {  	[sflag:s24] =	ssyncset.done $0x0  }
0xff: {  	s16 =	sadd.s32 s11, s13;
	s15 =	rddreg [dreg:$0x7];
	[sflag:s24] =	ssyncadd.s32 $0xFFFFE000  }
0x100: {  	[spmem:s3] =	stream.indirect.scatter.add.bf16 [tilespmem:s25], [sflag:$0x6], $0x40, s15, s19, $0xb8;
	[tilespmem:$0x1CC00] =	vst v63  }
0x101: {  	s15 =	sadd.s32 $0x80, s16;
	s16 =	sadd.s32 s11, s12  }
0x102: {  	[tilespmem:s26], [sflag:$0xA] =	stream.linear.gather [hbm4b:s15+s4], $0x400, $0x38;
	[tilespmem:$0x1CC00] =	vst v63  }
0x103: {  	s14 =	sadd.s32 $0x80, s16  }
0x104: {  	[tilespmem:s28], [sflag:$0xA] =	stream.linear.gather [hbm4b:s14+s4], $0x400, $0x38;
	[tilespmem:$0x1CC00] =	vst v63  }
0x105: {  	_ =	swait.ge [sflag:s29], $0x2000  }
0x106: {  	[sflag:s29] =	ssyncset.done $0x0  }
0x107: {  	s15 =	rddreg [dreg:$0x8];
	[sflag:s29] =	ssyncadd.s32 $0xFFFFE000  }
0x108: {  	[tilespmem:s22], [sflag:$0x1] =	stream.indirect.gather [spmem:s2], $0x40, s15, s19, $0xb8;
	[tilespmem:$0x1CC00] =	vst v63  }
0x109: {  	_ =	swait.ge [sflag:s30], $0x2000  }
0x10a: {  	[sflag:s30] =	ssyncset.done $0x0  }
0x10b: {  	s16 =	rddreg [dreg:$0x9];
	[sflag:s30] =	ssyncadd.s32 $0xFFFFE000  }
0x10c: {  	[spmem:s3] =	stream.indirect.scatter.add.bf16 [tilespmem:s20], [sflag:$0x7], $0x40, s16, s19, $0xb8;
	[tilespmem:$0x1CC00] =	vst v63  }
0x10d: {  	_ =	swait.ge [sflag:s31], $0x2000  }
0x10e: {  	[sflag:s31] =	ssyncset.done $0x0  }
0x10f: {  	s14 =	rddreg [dreg:$0xa];
	[sflag:s31] =	ssyncadd.s32 $0xFFFFE000  }
0x110: {  	[tilespmem:s25], [sflag:$0x2] =	stream.indirect.gather [spmem:s2], $0x40, s14, s19, $0xb8;
	[tilespmem:$0x1CC00] =	vst v63  }
0x111: {  	_ =	swait.ge [sflag:s0], $0x2000  }
0x112: {  	[sflag:s0] =	ssyncset.done $0x0  }
0x113: {  	s15 =	rddreg [dreg:$0xb];
	[sflag:s0] =	ssyncadd.s32 $0xFFFFE000  }
0x114: {  	[spmem:s3] =	stream.indirect.scatter.add.bf16 [tilespmem:s23], [sflag:$0x8], $0x40, s15, s19, $0xb8;
	[tilespmem:$0x1CC00] =	vst v63  }
0x115: {  	_ =	swait.ge [sflag:s1], $0x2000  }
0x116: {  	[sflag:s1] =	ssyncset.done $0x0  }
0x117: {  	s16 =	rddreg [dreg:$0xc];
	[sflag:s1] =	ssyncadd.s32 $0xFFFFE000  }
0x118: {  	[tilespmem:s20], [sflag:$0x3] =	stream.indirect.gather [spmem:s2], $0x40, s16, s19, $0xb8;
	[tilespmem:$0x1CC00] =	vst v63  }
0x119: {  	_ =	swait.ge [sflag:s21], $0x2000  }
0x11a: {  	[sflag:s21] =	ssyncset.done $0x0  }
0x11b: {  	s14 =	rddreg [dreg:$0xd];
	[sflag:s21] =	ssyncadd.s32 $0xFFFFE000  }
0x11c: {  	[spmem:s3] =	stream.indirect.scatter.add.bf16 [tilespmem:s22], [sflag:$0x5], $0x40, s14, s19, $0xb8;
	[tilespmem:$0x1CC00] =	vst v63  }
0x11d: {  	_ =	swait.ge [sflag:s5], $0x2000  }
0x11e: {  	[sflag:s5] =	ssyncset.done $0x0  }
0x11f: {  	s15 =	rddreg [dreg:$0xe];
	[sflag:s5] =	ssyncadd.s32 $0xFFFFE000  }
0x120: {  	[tilespmem:s23], [sflag:$0x4] =	stream.indirect.gather [spmem:s2], $0x40, s15, s19, $0xb8;
	[tilespmem:$0x1CC00] =	vst v63  }
0x121: {  	_ =	swait.ge [sflag:s24], $0x2000  }
0x122: {  	[sflag:s24] =	ssyncset.done $0x0  }
0x123: {  	s16 =	rddreg [dreg:$0xf];
	[sflag:s24] =	ssyncadd.s32 $0xFFFFE000  }
0x124: {  	[spmem:s3] =	stream.indirect.scatter.add.bf16 [tilespmem:s25], [sflag:$0x6], $0x40, s16, s19, $0xb8;
	[tilespmem:$0x1CC00] =	vst v63  }
0x125: {  	_ =	swait.ge [sflag:s7], $0x400  }
0x126: {  	[sflag:s7] =	ssyncset.done $0x0  }
0x127: {  	[sflag:s7] =	ssyncadd.s32 $0xFFFFFC00  }
0x128: {  	_ =	swait.ge [sflag:s7], $0x400  }
0x129: {  	[sflag:s7] =	ssyncset.done $0x0  }
0x12a: {  	[sflag:s7] =	ssyncadd.s32 $0xFFFFFC00  }
0x12b: {  	_ =	swait.ge [sflag:s29], $0x2000  }
0x12c: {  	[sflag:s29] =	ssyncset.done $0x0  }
0x12d: {  	[sflag:s29] =	ssyncadd.s32 $0xFFFFE000  }
0x12e: {  	[tilespmem:s22], [sflag:$0x1] =	stream.indirect.gather [spmem:s2], $0x40, s26, s19, $0xb8;
	[tilespmem:$0x1CC00] =	vst v63  }
0x12f: {  	_ =	swait.ge [sflag:s30], $0x2000  }
0x130: {  	[sflag:s30] =	ssyncset.done $0x0  }
0x131: {  	s14 =	rddreg [dreg:$0x10];
	[sflag:s30] =	ssyncadd.s32 $0xFFFFE000  }
0x132: {  	[spmem:s3] =	stream.indirect.scatter.add.bf16 [tilespmem:s20], [sflag:$0x7], $0x40, s14, s19, $0xb8;
	[tilespmem:$0x1CC00] =	vst v63  }
0x133: {  	_ =	swait.ge [sflag:s31], $0x2000  }
0x134: {  	[sflag:s31] =	ssyncset.done $0x0  }
0x135: {  	s15 =	rddreg [dreg:$0x11];
	[sflag:s31] =	ssyncadd.s32 $0xFFFFE000  }
0x136: {  	[tilespmem:s25], [sflag:$0x2] =	stream.indirect.gather [spmem:s2], $0x40, s15, s19, $0xb8;
	[tilespmem:$0x1CC00] =	vst v63  }
0x137: {  	_ =	swait.ge [sflag:s0], $0x2000  }
0x138: {  	[sflag:s0] =	ssyncset.done $0x0  }
0x139: {  	s16 =	rddreg [dreg:$0x12];
	[sflag:s0] =	ssyncadd.s32 $0xFFFFE000  }
0x13a: {  	[spmem:s3] =	stream.indirect.scatter.add.bf16 [tilespmem:s23], [sflag:$0x8], $0x40, s16, s19, $0xb8;
	[tilespmem:$0x1CC00] =	vst v63  }
0x13b: {  	_ =	swait.ge [sflag:s1], $0x2000  }
0x13c: {  	[sflag:s1] =	ssyncset.done $0x0  }
0x13d: {  	s14 =	rddreg [dreg:$0x13];
	[sflag:s1] =	ssyncadd.s32 $0xFFFFE000  }
0x13e: {  	[tilespmem:s20], [sflag:$0x3] =	stream.indirect.gather [spmem:s2], $0x40, s14, s19, $0xb8;
	[tilespmem:$0x1CC00] =	vst v63  }
0x13f: {  	_ =	swait.ge [sflag:s21], $0x2000  }
0x140: {  	[sflag:s21] =	ssyncset.done $0x0  }
0x141: {  	[sflag:s21] =	ssyncadd.s32 $0xFFFFE000  }
0x142: {  	[spmem:s3] =	stream.indirect.scatter.add.bf16 [tilespmem:s22], [sflag:$0x5], $0x40, s28, s19, $0xb8;
	[tilespmem:$0x1CC00] =	vst v63  }
0x143: {  	_ =	swait.ge [sflag:s5], $0x2000  }
0x144: {  	[sflag:s5] =	ssyncset.done $0x0  }
0x145: {  	s15 =	rddreg [dreg:$0x14];
	[sflag:s5] =	ssyncadd.s32 $0xFFFFE000  }
0x146: {  	[tilespmem:s23], [sflag:$0x4] =	stream.indirect.gather [spmem:s2], $0x40, s15, s19, $0xb8;
	[tilespmem:$0x1CC00] =	vst v63  }
0x147: {  	s10 =	sadd.s32 $0x1, s10;
	_ =	swait.ge [sflag:s24], $0x2000  }
0x148: {  	p1 =	sgt.u32 s10, $0x3;
	[sflag:s24] =	ssyncset.done $0x0  }
0x149: {  	s14 =	sadd.s32 @!p1 s11, s13;
	s16 =	rddreg [dreg:$0x15];
	[sflag:s24] =	ssyncadd.s32 $0xFFFFE000  }
0x14a: {  	[spmem:s3] =	stream.indirect.scatter.add.bf16 [tilespmem:s25], [sflag:$0x6], $0x40, s16, s19, $0xb8;
	[tilespmem:$0x1CC00] =	vst v63  }
0x14b: {  	s11 =	sadd.s32 @!p1 s11, s12;
	s6 =	sadd.s32 @!p1 $0x100, s14;
	s15 =	simm.s32 @!p1 $0x0  }
0x14c: {  	[tilespmem:s15], [sflag:$0x9] =	stream.linear.gather @!p1 [hbm4b:s6+s15], $0x400, $0x38;
	[tilespmem:$0x1CC00] =	vst v63  }
0x14d: {  	s11 =	sadd.s32 @!p1 $0x100, s11;
	s14 =	simm.s32 @!p1 $0x800  }
0x14e: {  	[tilespmem:s14], [sflag:$0x9] =	stream.linear.gather @!p1 [hbm4b:s11+s15], $0x400, $0x38;
	[tilespmem:$0x1CC00] =	vst v63  }
0x14f: {  	_ =	swait.ge [sflag:s29], $0x2000  }
0x150: {  	[sflag:s29] =	ssyncset.done $0x0  }
0x151: {  	s14 =	rddreg [dreg:$0x16];
	[sflag:s29] =	ssyncadd.s32 $0xFFFFE000  }
0x152: {  	[tilespmem:s22], [sflag:$0x1] =	stream.indirect.gather [spmem:s2], $0x40, s14, s19, $0xb8;
	[tilespmem:$0x1CC00] =	vst v63  }
0x153: {  	_ =	swait.ge [sflag:s30], $0x2000  }
0x154: {  	[sflag:s30] =	ssyncset.done $0x0  }
0x155: {  	s15 =	rddreg [dreg:$0x17];
	[sflag:s30] =	ssyncadd.s32 $0xFFFFE000  }
0x156: {  	[spmem:s3] =	stream.indirect.scatter.add.bf16 [tilespmem:s20], [sflag:$0x7], $0x40, s15, s19, $0xb8;
	[tilespmem:$0x1CC00] =	vst v63  }
0x157: {  	_ =	swait.ge [sflag:s31], $0x2000  }
0x158: {  	[sflag:s31] =	ssyncset.done $0x0  }
0x159: {  	s16 =	rddreg [dreg:$0x18];
	[sflag:s31] =	ssyncadd.s32 $0xFFFFE000  }
0x15a: {  	[tilespmem:s25], [sflag:$0x2] =	stream.indirect.gather [spmem:s2], $0x40, s16, s19, $0xb8;
	[tilespmem:$0x1CC00] =	vst v63  }
0x15b: {  	_ =	swait.ge [sflag:s0], $0x2000  }
0x15c: {  	[sflag:s0] =	ssyncset.done $0x0  }
0x15d: {  	s11 =	rddreg [dreg:$0x19];
	[sflag:s0] =	ssyncadd.s32 $0xFFFFE000  }
0x15e: {  	[spmem:s3] =	stream.indirect.scatter.add.bf16 [tilespmem:s23], [sflag:$0x8], $0x40, s11, s19, $0xb8;
	[tilespmem:$0x1CC00] =	vst v63  }
0x15f: {  	_ =	swait.ge [sflag:s1], $0x2000  }
0x160: {  	[sflag:s1] =	ssyncset.done $0x0  }
0x161: {  	s14 =	rddreg [dreg:$0x1a];
	[sflag:s1] =	ssyncadd.s32 $0xFFFFE000  }
0x162: {  	[tilespmem:s20], [sflag:$0x3] =	stream.indirect.gather [spmem:s2], $0x40, s14, s19, $0xb8;
	[tilespmem:$0x1CC00] =	vst v63  }
0x163: {  	_ =	swait.ge [sflag:s21], $0x2000  }
0x164: {  	[sflag:s21] =	ssyncset.done $0x0  }
0x165: {  	s15 =	rddreg [dreg:$0x1b];
	[sflag:s21] =	ssyncadd.s32 $0xFFFFE000  }
0x166: {  	[spmem:s3] =	stream.indirect.scatter.add.bf16 [tilespmem:s22], [sflag:$0x5], $0x40, s15, s19, $0xb8;
	[tilespmem:$0x1CC00] =	vst v63  }
0x167: {  	s9 =	sadd.s32 $0x100, s9;
	_ =	swait.ge [sflag:s5], $0x2000  }
0x168: {  	p0 =	sne.s32 s9, $0x500;
	[sflag:s5] =	ssyncset.done $0x0  }
.Ltmp0:
0x169: {  	s16 =	rddreg [dreg:$0x1c];
	[sflag:s5] =	ssyncadd.s32 $0xFFFFE000;
	(pc) =	sbr.rel @p0 .LBB2_2-.Ltmp0, $4  }
0x16a: {  	[tilespmem:s23], [sflag:$0x4] =	stream.indirect.gather [spmem:s2], $0x40, s16, s19, $0xb8;
	[tilespmem:$0x1CC00] =	vst v63  }
0x16b: {  	_ =	swait.ge [sflag:s24], $0x2000  }
0x16c: {  	[sflag:s24] =	ssyncset.done $0x0  }
0x16d: {  	s14 =	rddreg [dreg:$0x1d];
	[sflag:s24] =	ssyncadd.s32 $0xFFFFE000  }
0x16e: {  	[spmem:s3] =	stream.indirect.scatter.add.bf16 [tilespmem:s25], [sflag:$0x6], $0x40, s14, s19, $0xb8;
	[tilespmem:$0x1CC00] =	vst v63  }
0x16f: {  	_ =	swait.ge [sflag:s30], $0x2000  }
0x170: {  	[sflag:s30] =	ssyncset.done $0x0  }
0x171: {  	s6 =	simm.s32 $0xF00;
	[sflag:s30] =	ssyncadd.s32 $0xFFFFE000  }
0x172: {  	[spmem:s3] =	stream.indirect.scatter.add.bf16 [tilespmem:s20], [sflag:$0x7], $0x40, s6, s19, $0xb8;
	[tilespmem:$0x1CC00] =	vst v63  }
0x173: {  	_ =	swait.ge [sflag:s0], $0x2000  }
0x174: {  	[sflag:s0] =	ssyncset.done $0x0  }
0x175: {  	s11 =	simm.s32 $0xF80;
	[sflag:s0] =	ssyncadd.s32 $0xFFFFE000  }
0x176: {  	[spmem:s3] =	stream.indirect.scatter.add.bf16 [tilespmem:s23], [sflag:$0x8], $0x40, s11, s19, $0xb8;
	[tilespmem:$0x1CC00] =	vst v63  }
0x177: {  	_ =	swait.ge [sflag:s29], $0x2000  }
0x178: {  	[sflag:s29] =	ssyncset.done $0x0  }
0x179: {  	[sflag:s29] =	ssyncadd.s32 $0xFFFFE000  }
0x17a: {  	_ =	swait.ge [sflag:s31], $0x2000  }
0x17b: {  	[sflag:s31] =	ssyncset.done $0x0  }
0x17c: {  	[sflag:s31] =	ssyncadd.s32 $0xFFFFE000  }
0x17d: {  	_ =	swait.ge [sflag:s1], $0x2000  }
0x17e: {  	[sflag:s1] =	ssyncset.done $0x0  }
0x17f: {  	[sflag:s1] =	ssyncadd.s32 $0xFFFFE000  }
0x180: {  	_ =	swait.ge [sflag:s5], $0x2000  }
0x181: {  	[sflag:s5] =	ssyncset.done $0x0  }
0x182: {  	[sflag:s5] =	ssyncadd.s32 $0xFFFFE000  }
0x183: {  	[bflag:$0x0] =	sbarrier.arrive $0xFFFF  }
0x184: {  	s14 =	sld [smem:$0x7FA]  }
0x185: {  	s11 =	sld [smem:$0x7FD];
	_ =	sdelay $0x1  }
0x186: {  	s10 =	simm.s32 $0xB;
	s15 =	rddreg [dreg:$0x1f]  }
0x187: {  	[hbm:s14], [sflag:s15] =	dma.local [spmem:s11], $0x13C0  }
0x188: {  	_ =	swait.ge [sflag:s10], $0x13C0  }
0x189: {  	s16 =	sld [smem:$0x7FB];
	_ =	sdelay $0x1  }
0x18a: {  	s8 =	sadd.s32 $0x1, s8  }
0x18b: {  	p0 =	sne.s32 s8, s16  }
.Ltmp1:
0x18c: {  	_ = 	snop;
	(pc) =	sbr.rel @p0 .LBB2_1-.Ltmp1, $3  }
0x18d: {  	_ =	sdelay $0x1  }
0x18e: {  	[sflag:s10] =	ssyncset.done $0x0  }
0x18f: {  	[sflag:s10] =	ssyncadd.s32 $0xFFFFEC40  }
0x190: {  	_ =	sfence.sel $0x180000  }
0x191: {  	[bflag:$0x0] =	sbarrier.arrive $0xFFFF  }
0x192: {  	_ =	strace $0x9000004A  }
0x193: {  	s0 =	stileid.u32;
	[bflag:$0x2] =	sbarrier.arrive $0xFFFF  }
0x194: {  	p0 =	sne.s32 s0, $0x0;
	s0 =	rddreg [dreg:$0x4]  }
0x195: {  	s0 =	sadd.s32 @!p0 $0x100000, s0  }
0x196: {  	[sflag:s0] =	ssyncadd.tile.s32 @!p0 $0x1;
	_ =	shalt  }
.Lfunc_end2:
_tile_overlayer_lowered:
.L_overlay_start_2:
0x197: {  	(tag) =	ssettag $0x2  }
0x198: {  	s0 =	rddreg [dreg:$0x0];
	s2 =	stileid.u32  }
0x199: {  	s1 =	rddreg [dreg:$0x1];
	p0 =	sne.s32 s2, $0x0  }
0x19a: {  	s3 =	rddreg [dreg:$0x2];
	[bflag:$0x3] =	sbarrier.arrive $0xFFFF;
	s2 =	simm.s32 @!p0 $0x1C0B  }
0x19b: {  	[timem:s3], [sflag:s2] =	dma.local @!p0 [hbm:s0], s1  }
0x19c: {  	s0 =	simm.s32 @!p0 $0xB  }
0x19d: {  	_ =	swait.ge @!p0 [sflag:s0], s1  }
0x19e: {  	s1 =	ssub.s32 @!p0 $0x0, s1;
	[sflag:s0] =	ssyncset.done @!p0 $0x0  }
0x19f: {  	[sflag:s0] =	ssyncadd.s32 @!p0 s1  }
0x1a0: {  	[bflag:$0x3] =	sbarrier.arrive $0xFFFF  }
0x1a1: {  	_ =	shalt  }

</sc_bundles>
